<compile_context>
chip_gen: v7x
topology: tpu7x:2x2x1
jax: 0.10.2.dev20260603
libtpu: 0.0.44.dev20260713+nightly
codegen_flags: <defaults>
</compile_context>

<pallas_src>
import functools
import math

import jax
import jax.numpy as jnp
from jax import lax
from jax.experimental import pallas as pl
from jax.experimental.pallas import tpu as pltpu
from jax.experimental.pallas import tpu_sc as plsc

LN2 = math.log(2)
_T0 = 0.666
_TOP_P0 = 0.90
_TOP_K0 = 27
_MIN_P0 = 0.03
_CLARIFY = 2564
_NEG = -1e10
_TINY = float(jnp.finfo(jnp.float32).tiny)

_K_CAND = 128



def _att1_body(att_ref, ent_ref, abs_ref, mean_ref, *, hg_per, nhg):
  b = pl.program_id(0)
  hg = pl.program_id(1)
  s = att_ref[0]
  m = jnp.max(s, axis=-1, keepdims=True)
  e = jnp.exp(s - m)
  z = jnp.sum(e, axis=-1, keepdims=True)
  p = e / z
  lp = jnp.log2(jnp.clip(p, 1e-10, None))
  ent_q = -jnp.sum(p * lp, axis=-1)
  ent_ref[pl.ds(b, 1), pl.ds(hg, 1), :] = (
      jnp.mean(ent_q, axis=-1)[None, None])
  abs_ref[pl.ds(b, 1), pl.ds(hg, 1), :] = (
      jnp.sum(jnp.abs(s), axis=(1, 2))[None, None])

  psum = jnp.sum(p, axis=0)

  @pl.when(hg == 0)
  def _():
    mean_ref[0] = psum

  @pl.when(hg != 0)
  def _():
    mean_ref[0] = mean_ref[0] + psum

  @pl.when(hg == nhg - 1)
  def _():
    mean_ref[0] = mean_ref[0] * (1.0 / (hg_per * nhg))


def _att2_body(att_ref, mean_ref, agr_ref, *, hg_per):
  b = pl.program_id(0)
  hg = pl.program_id(1)
  s = att_ref[0]
  m = jnp.max(s, axis=-1, keepdims=True)
  e = jnp.exp(s - m)
  z = jnp.sum(e, axis=-1, keepdims=True)
  p = e / z
  d = jnp.abs(p - mean_ref[0][None])
  agr_ref[pl.ds(b, 1), pl.ds(hg, 1), :] = (
      jnp.sum(d, axis=(1, 2))[None, None])


def _attention_metrics(att):
  B, H, Q, K = att.shape
  hg_per = 4 if H % 4 == 0 else 1
  nhg = H // hg_per
  ent, absum, mean_att = pl.pallas_call(
      functools.partial(_att1_body, hg_per=hg_per, nhg=nhg),
      grid=(B, nhg),
      in_specs=[pl.BlockSpec((1, hg_per, Q, K), lambda b, h: (b, h, 0, 0))],
      out_specs=[
          pl.BlockSpec((B, nhg, hg_per), lambda b, h: (0, 0, 0)),
          pl.BlockSpec((B, nhg, hg_per), lambda b, h: (0, 0, 0)),
          pl.BlockSpec((1, Q, K), lambda b, h: (b, 0, 0)),
      ],
      out_shape=[
          jax.ShapeDtypeStruct((B, nhg, hg_per), jnp.float32),
          jax.ShapeDtypeStruct((B, nhg, hg_per), jnp.float32),
          jax.ShapeDtypeStruct((B, Q, K), jnp.float32),
      ],
  )(att)
  agr = pl.pallas_call(
      functools.partial(_att2_body, hg_per=hg_per),
      grid=(B, nhg),
      in_specs=[
          pl.BlockSpec((1, hg_per, Q, K), lambda b, h: (b, h, 0, 0)),
          pl.BlockSpec((1, Q, K), lambda b, h: (b, 0, 0)),
      ],
      out_specs=pl.BlockSpec((B, nhg, hg_per), lambda b, h: (0, 0, 0)),
      out_shape=jax.ShapeDtypeStruct((B, nhg, hg_per), jnp.float32),
  )(att, mean_att)

  attn_ent_bh = ent.reshape(B, H)
  denom = H * Q * K
  agreement_b = jnp.sum(agr.reshape(B, H), axis=1) / denom
  inter_b = jnp.sum(absum.reshape(B, H), axis=1) / denom
  return attn_ent_bh, agreement_b, inter_b



def _lstats_body(x_ref, st_ref, *, W, V, nb):
  ph = pl.program_id(0)
  j = pl.program_id(1)
  ci = jax.lax.broadcasted_iota(jnp.int32, st_ref.shape, 1)

  @pl.when(jnp.logical_and(ph == 0, j == 0))
  def _():
    st_ref[...] = jnp.where(ci == 0, -jnp.inf, 0.0)

  x = x_ref[...]
  col = j * W + jax.lax.broadcasted_iota(jnp.int32, x.shape, 1)
  valid = col < V

  @pl.when(ph == 0)
  def _():
    m = jnp.max(jnp.where(valid, x, -jnp.inf), axis=1, keepdims=True)
    old = st_ref[:, 0:1]
    st_ref[:, 0:1] = jnp.maximum(old, m)

  @pl.when(ph == 1)
  def _():
    mraw = st_ref[:, 0:1]
    ms = mraw / jnp.float32(_T0)
    s = x / jnp.float32(_T0)
    es = jnp.where(valid, jnp.exp(s - ms), 0.0)
    er = jnp.where(valid, jnp.exp(x - mraw), 0.0)
    st_ref[:, 1:2] = st_ref[:, 1:2] + jnp.sum(es, axis=1, keepdims=True)
    st_ref[:, 2:3] = st_ref[:, 2:3] + jnp.sum(er, axis=1, keepdims=True)

  @pl.when(ph == 2)
  def _():
    mraw = st_ref[:, 0:1]
    ms = mraw / jnp.float32(_T0)
    zs = st_ref[:, 1:2]
    s = x / jnp.float32(_T0)
    lp = (s - ms) - jnp.log(zs)
    p = jnp.exp(lp)
    st_ref[:, 3:4] = st_ref[:, 3:4] + jnp.sum(
        jnp.where(valid, p * lp, 0.0), axis=1, keepdims=True)

  @pl.when(ph == 3)
  def _():
    mraw = st_ref[:, 0:1]
    ms = mraw / jnp.float32(_T0)
    zs = st_ref[:, 1:2]
    ent = -st_ref[:, 3:4] / jnp.float32(LN2)
    s = x / jnp.float32(_T0)
    lp = (s - ms) - jnp.log(zs)
    p = jnp.exp(lp)
    v = p * (lp / jnp.float32(LN2) + ent) ** 2
    st_ref[:, 4:5] = st_ref[:, 4:5] + jnp.sum(
        jnp.where(valid, v, 0.0), axis=1, keepdims=True)


def _logit_stats(x):
  B, V = x.shape
  W = min(12544, V)
  nb = pl.cdiv(V, W)
  st = pl.pallas_call(
      functools.partial(_lstats_body, W=W, V=V, nb=nb),
      grid=(4, nb),
      in_specs=[pl.BlockSpec((B, W), lambda ph, j: (0, j))],
      out_specs=pl.BlockSpec((B, 128), lambda ph, j: (0, 0)),
      out_shape=jax.ShapeDtypeStruct((B, 128), jnp.float32),
  )(x)
  mraw = st[:, 0]
  zs = st[:, 1]
  zraw = st[:, 2]
  ent_rows = -st[:, 3] / LN2
  var_rows = st[:, 4]
  return mraw, zs, zraw, ent_rows, var_rows



_NBUF = 512


def _sc_collect(x):
  B, V = x.shape
  NV = V // 16
  mesh = plsc.VectorSubcoreMesh(core_axis_name="c", subcore_axis_name="s")

  @functools.partial(
      pl.kernel,
      mesh=mesh,
      compiler_params=pltpu.CompilerParams(needs_layout_passes=False),
      out_type=[
          jax.ShapeDtypeStruct((B, _NBUF), jnp.float32),
          jax.ShapeDtypeStruct((B, _NBUF), jnp.int32),
      ],
      scratch_types=[
          pltpu.VMEM((V,), jnp.float32),
          pltpu.VMEM((_NBUF + 16,), jnp.float32),
          pltpu.VMEM((_NBUF + 16,), jnp.int32),
      ],
  )
  def k(x_hbm, vals_hbm, idx_hbm, row_v, bv_v, bi_v):
    wid = lax.axis_index("s") * 2 + lax.axis_index("c")
    pltpu.sync_copy(x_hbm.at[wid], row_v)

    neg = jnp.full((16,), -jnp.inf, jnp.float32)

    def maxstep(i, m):
      return jnp.maximum(m, row_v[pl.ds(i * 16, 16)])

    mv = lax.fori_loop(0, NV, maxstep, neg)
    lane = lax.iota(jnp.int32, 16)
    for kk_ in (1, 2, 4, 8):
      mv = jnp.maximum(mv, mv[lane ^ kk_])
    m = mv

    one = jnp.full((16,), 1, jnp.int32)
    zero = jnp.zeros((16,), jnp.int32)

    def _hsum(c):
      for kk_ in (1, 2, 4, 8):
        c = c + c[lane ^ kk_]
      return c

    deltas = (0.55, 0.8, 1.05, 1.3, 1.55, 1.8, 2.05, 2.3, 2.55, 2.8,
              3.05, 3.3, 3.55, 3.8, 4.3, 5.3, 7.0, 10.0, 50.0)
    taus = [m - jnp.float32(d) for d in deltas]

    def cstep(i, cs):
      v = row_v[pl.ds(i * 16, 16)]
      return tuple(c + jnp.where(v > tt, one, zero) for c, tt in zip(cs, taus))

    counts = lax.fori_loop(0, NV, cstep, tuple(zero for _ in deltas))
    counts = [_hsum(c) for c in counts]

    tau = taus[-1]
    for ci, ti in zip(reversed(counts[:-1]), reversed(taus[:-1])):
      tau = jnp.where(ci >= 128, ti, tau)

    def istep(i, z):
      bv_v[pl.ds(i * 16, 16)] = neg
      bi_v[pl.ds(i * 16, 16)] = jnp.zeros((16,), jnp.int32)
      return z

    lax.fori_loop(0, (_NBUF + 16) // 16, istep, jnp.int32(0))

    cap = jnp.full((16,), _NBUF, jnp.int32)
    dump = jnp.full((16,), _NBUF, jnp.int32)

    def _pfx_excl(c):
      inc = c
      for kk_ in (1, 2, 4, 8):
        sh = inc[jnp.maximum(lane - kk_, 0)]
        inc = inc + jnp.where(lane >= kk_, sh, zero)
      return inc - c

    def gstep(i, off):
      v = row_v[pl.ds(i * 16, 16)]
      msk = v > tau
      mi = jnp.where(msk, one, zero)
      offc = jnp.minimum(off, cap)
      dest = jnp.where(msk, offc + _pfx_excl(mi), dump)
      plsc.store_scatter(bv_v, [dest], v)
      plsc.store_scatter(bi_v, [dest], i * 16 + lane)
      return off + _hsum(mi)

    lax.fori_loop(0, NV, gstep, jnp.zeros((16,), jnp.int32))

    pltpu.sync_copy(bv_v.at[pl.ds(0, _NBUF)], vals_hbm.at[wid])
    pltpu.sync_copy(bi_v.at[pl.ds(0, _NBUF)], idx_hbm.at[wid])

  return k(x)



def _rotl(x, r):
  return (x << jnp.uint32(r)) | (x >> jnp.uint32(32 - r))


def _threefry_bits(c1):
  ks0 = jnp.uint32(0)
  ks1 = jnp.uint32(42)
  ks2 = ks0 ^ ks1 ^ jnp.uint32(0x1BD11BDA)
  x0 = jnp.zeros_like(c1) + ks0
  x1 = c1 + ks1
  R1 = (13, 15, 26, 6)
  R2 = (17, 29, 16, 24)

  def rounds(x0, x1, rs):
    for r in rs:
      x0 = x0 + x1
      x1 = _rotl(x1, r)
      x1 = x1 ^ x0
    return x0, x1

  x0, x1 = rounds(x0, x1, R1); x0 = x0 + ks1; x1 = x1 + ks2 + jnp.uint32(1)
  x0, x1 = rounds(x0, x1, R2); x0 = x0 + ks2; x1 = x1 + ks0 + jnp.uint32(2)
  x0, x1 = rounds(x0, x1, R1); x0 = x0 + ks0; x1 = x1 + ks1 + jnp.uint32(3)
  x0, x1 = rounds(x0, x1, R2); x0 = x0 + ks1; x1 = x1 + ks2 + jnp.uint32(4)
  x0, x1 = rounds(x0, x1, R1); x0 = x0 + ks2; x1 = x1 + ks0 + jnp.uint32(5)
  return x0 ^ x1


def _gumbel_from_flat(flat_i32):
  bits = _threefry_bits(flat_i32.astype(jnp.uint32))
  fb = (bits >> jnp.uint32(9)) | jnp.uint32(0x3F800000)
  fl = jax.lax.bitcast_convert_type(fb, jnp.float32) - jnp.float32(1.0)
  one = jnp.float32(1.0)
  tiny = jnp.float32(_TINY)
  u = jnp.maximum(tiny, fl * (one - tiny) + tiny)
  return -jnp.log(-jnp.log(u))


def _final_a_body(x_ref, bv_ref, pf_ref, zall_ref, *, W, V):
  j = pl.program_id(0)
  t = pf_ref[0]
  x = x_ref[...]
  col = j * W + jax.lax.broadcasted_iota(jnp.int32, x.shape, 1)
  valid = col < V
  lmax = jnp.max(bv_ref[...], axis=1, keepdims=True) / t

  @pl.when(j == 0)
  def _():
    zall_ref[...] = jnp.zeros_like(zall_ref)

  l = x / t
  e = jnp.where(valid, jnp.exp(l - lmax), 0.0)
  zall_ref[...] = zall_ref[...] + jnp.sum(e, axis=1, keepdims=True)


def _final_b_body(x_ref, bv_ref, bi_ref, zall_ref, pf_ref, pi_ref, probs_ref,
                  tok_ref, gre_ref, thr_ref, *, W, V, KC):
  j = pl.program_id(0)
  t = pf_ref[0]
  top_p = pf_ref[1]
  min_p = pf_ref[2]
  kk = pi_ref[0]
  topp_on = pi_ref[1]
  samp = pi_ref[2]

  x = x_ref[...]
  col = j * W + jax.lax.broadcasted_iota(jnp.int32, x.shape, 1)
  valid = col < V

  @pl.when(j == 0)
  def _():
    zall = zall_ref[...]
    bval = bv_ref[...]
    bidx = bi_ref[...]
    k_io = jax.lax.broadcasted_iota(jnp.int32, (bval.shape[0], KC), 1)

    def sstep(r, st):
      sv, si, w = st
      bm = jnp.max(w, axis=1, keepdims=True)
      im = jnp.min(jnp.where(w == bm, bidx, jnp.int32(2**30)),
                   axis=1, keepdims=True)
      hit = jnp.logical_and(w == bm, bidx == im)
      ksel = k_io == r
      return (jnp.where(ksel, bm, sv), jnp.where(ksel, im, si),
              jnp.where(hit, -jnp.inf, w))

    sv0 = jnp.full((bval.shape[0], KC), -jnp.inf, jnp.float32)
    si0 = jnp.zeros((bval.shape[0], KC), jnp.int32)
    sv, si, _ = jax.lax.fori_loop(0, KC, sstep, (sv0, si0, bval))

    lmax = sv[:, 0:1] / t
    gre_ref[...] = si[:, 0:1]
    cand = sv / t
    pc = jnp.exp(cand - lmax) / zall
    top_prob = jnp.float32(1.0) / zall
    thrm = min_p * top_prob
    c1 = jnp.where(pc < thrm, _NEG, cand)
    ki = jax.lax.broadcasted_iota(jnp.int32, c1.shape, 1)
    kth = jnp.sum(jnp.where(ki == kk - 1, c1, 0.0), axis=1, keepdims=True)
    c2 = jnp.where(c1 < kth, _NEG, c1)
    e2 = jnp.exp(c2 - lmax)
    z2 = jnp.sum(e2, axis=1, keepdims=True)
    sp = e2 / z2
    csum = sp
    sh = 1
    while sh < KC:
      shifted = jnp.concatenate(
          [jnp.zeros((csum.shape[0], sh), jnp.float32), csum[:, :-sh]], axis=1)
      csum = csum + shifted
      sh *= 2
    keep = (csum - sp) <= top_p
    cut = jnp.min(jnp.where(keep, c2, jnp.inf), axis=1, keepdims=True)
    cut = jnp.where(topp_on == 1, cut, -jnp.inf)
    fl_c = jnp.where(c2 < cut, _NEG, c2)
    zk = jnp.sum(jnp.exp(fl_c - lmax), axis=1, keepdims=True)
    sampf = samp == 1
    thr_ref[:, 0:1] = jnp.where(sampf, thrm, -1.0)
    thr_ref[:, 1:2] = jnp.where(sampf, kth, -jnp.inf)
    thr_ref[:, 2:3] = jnp.where(sampf, cut, -jnp.inf)
    thr_ref[:, 3:4] = jnp.where(sampf, zk, zall)
    thr_ref[:, 4:5] = lmax
    rr = jax.lax.broadcasted_iota(jnp.int32, si.shape, 0)
    g = _gumbel_from_flat(rr * V + si)
    score = jnp.where(fl_c < -9e9, -jnp.inf, fl_c + g)
    bm2 = jnp.max(score, axis=1, keepdims=True)
    tok_ref[...] = jnp.min(jnp.where(score == bm2, si, jnp.int32(2**30)),
                           axis=1, keepdims=True)

  zall = zall_ref[...]
  lmax = thr_ref[:, 4:5]
  l = x / t
  e = jnp.exp(l - lmax)
  p = e / zall
  l1 = jnp.where(p < thr_ref[:, 0:1], _NEG, l)
  l2 = jnp.where(l1 < thr_ref[:, 1:2], _NEG, l1)
  fl = jnp.where(l2 < thr_ref[:, 2:3], _NEG, l2)
  masked = fl < -9e9
  probs_ref[...] = jnp.where(masked, 0.0, e) / thr_ref[:, 3:4]


def _final_pass(x, bufv, bufi, pf, pi):
  B, V = x.shape
  W = min(12544, V)
  nb = pl.cdiv(V, W)
  zall = pl.pallas_call(
      functools.partial(_final_a_body, W=W, V=V),
      grid=(nb,),
      in_specs=[
          pl.BlockSpec((B, W), lambda j: (0, j)),
          pl.BlockSpec((B, _NBUF), lambda j: (0, 0)),
          pl.BlockSpec(memory_space=pltpu.SMEM),
      ],
      out_specs=pl.BlockSpec((B, 1), lambda j: (0, 0)),
      out_shape=jax.ShapeDtypeStruct((B, 1), jnp.float32),
  )(x, bufv, pf)
  probs, tok, gre = pl.pallas_call(
      functools.partial(_final_b_body, W=W, V=V, KC=_K_CAND),
      grid=(nb,),
      in_specs=[
          pl.BlockSpec((B, W), lambda j: (0, j)),
          pl.BlockSpec((B, _NBUF), lambda j: (0, 0)),
          pl.BlockSpec((B, _NBUF), lambda j: (0, 0)),
          pl.BlockSpec((B, 1), lambda j: (0, 0)),
          pl.BlockSpec(memory_space=pltpu.SMEM),
          pl.BlockSpec(memory_space=pltpu.SMEM),
      ],
      out_specs=[
          pl.BlockSpec((B, W), lambda j: (0, j)),
          pl.BlockSpec((B, 1), lambda j: (0, 0)),
          pl.BlockSpec((B, 1), lambda j: (0, 0)),
      ],
      out_shape=[
          jax.ShapeDtypeStruct((B, V), jnp.float32),
          jax.ShapeDtypeStruct((B, 1), jnp.int32),
          jax.ShapeDtypeStruct((B, 1), jnp.int32),
      ],
      scratch_shapes=[
          pltpu.VMEM((B, 128), jnp.float32),
      ],
  )(x, bufv, bufi, zall, pf, pi)
  return probs, tok, gre



def _params_from_metrics(ent, vent, attn_ent, attn_vent, agreement, inter):
  c1 = (ent < 0.1) & (vent < 0.1)
  c2 = (~c1) & (ent > 5.0) & (vent < 0.1)
  c3 = (~c1) & (~c2) & (ent < 5.0) & (vent > 5.0)
  c4 = (~c1) & (~c2) & (~c3) & (ent > 3.0) & (vent > 5.0)
  t3 = jnp.minimum(1.5, _T0 * (1.2 + 0.3 * inter))
  k3 = jnp.maximum(5, jnp.floor(_TOP_K0 * (1 + 0.5 * (1 - agreement))).astype(jnp.int32))
  t4 = jnp.maximum(2.0, _T0 * (2.0 + 0.5 * attn_vent))
  p4 = jnp.maximum(0.5, _TOP_P0 - 0.2 * attn_ent)
  lu = ent + vent
  au = attn_ent + attn_vent
  t5 = jnp.maximum(0.1, _T0 * (1 + 0.3 * lu + 0.2 * au - 0.2 * agreement))
  p5 = jnp.clip(_TOP_P0 * (1 + 0.1 * attn_vent), 0.1, 1.0)
  k5 = jnp.clip(jnp.round(_TOP_K0 * (1 + 0.3 * inter - 0.2 * agreement)),
                1, 100).astype(jnp.int32)
  m5 = jnp.clip(_MIN_P0 * (1 - 0.5 * lu), 0.01, 0.5)
  t = jnp.where(c3, t3, jnp.where(c4, t4, t5))
  top_p = jnp.where(c3, _TOP_P0, jnp.where(c4, p4, p5))
  top_k = jnp.where(c3, k3, jnp.where(c4, jnp.int32(_TOP_K0), k5))
  min_p = jnp.where(c3, _MIN_P0, jnp.where(c4, _MIN_P0, m5))
  return c1, c2, t, top_p, top_k, min_p


def kernel(logits, attention_scores):
  logits = logits.astype(jnp.float32)
  att = attention_scores.astype(jnp.float32)
  B, V = logits.shape
  H = att.shape[1]

  attn_ent_bh, agreement_b, inter_b = _attention_metrics(att)
  mraw, zs, zraw, ent_rows, var_rows = _logit_stats(logits)
  bufv, bufi = _sc_collect(logits)

  ent = jnp.mean(ent_rows)
  vent = jnp.mean(var_rows)
  attn_ent = jnp.mean(attn_ent_bh)
  attn_vent = jnp.mean(jnp.var(attn_ent_bh, axis=1, ddof=1))
  agreement = jnp.mean(agreement_b)
  inter = jnp.mean(inter_b)

  c1, c2, t, top_p, top_k, min_p = _params_from_metrics(
      ent, vent, attn_ent, attn_vent, agreement, inter)
  is_sample = jnp.logical_and(~c1, ~c2)
  t_used = jnp.where(is_sample, t, 1.0).astype(jnp.float32)
  k_used = jnp.minimum(top_k, V)
  topp_on = jnp.logical_and(top_p < 1.0, is_sample)

  pf = jnp.stack([t_used, top_p.astype(jnp.float32), min_p.astype(jnp.float32),
                  jnp.float32(0)])
  pi = jnp.stack([k_used.astype(jnp.int32), topp_on.astype(jnp.int32),
                  is_sample.astype(jnp.int32), jnp.int32(0)])

  probs, samp_tok, greedy_tok = _final_pass(logits, bufv, bufi, pf, pi)

  clar = jnp.full((B, 1), _CLARIFY, jnp.int32)
  next_token = jnp.where(c1, greedy_tok, jnp.where(c2, clar, samp_tok))
  return (next_token.astype(jnp.int32), probs)

# --- scband reference (transcript-rebuilt; emitter-appended) ---
"""Pipeline reference for scband-adaptive-generator-5145370820821 (READ-ONLY COPY).

The authoritative reference and input builder live on the scoring server;
editing this copy changes nothing except your own understanding.
"""

import jax, jax.numpy as jnp
import numpy as np
import math

LN2 = math.log(2)
CFG = dict(temperature=0.666, top_p=0.90, top_k=27, min_p=0.03,
           low_ent_thresh=0.1, low_vent_thresh=0.1, med_ent_thresh=3.0,
           high_ent_thresh=5.0, high_vent_thresh=5.0,
           ada_temp_logits=0.3, ada_temp_attn=0.2, ada_temp_agree=0.2,
           ada_top_p=0.1, ada_top_k_int=0.3, ada_top_k_agree=0.2, ada_min_p=0.5,
           lehv_interaction_strength_offset=1.2, lehv_interaction_strength_coef=0.3,
           hehv_attn_vent_offset=2.0, hehv_attn_vent_coef=0.5, hehv_attn_ent_coef=0.2)
CLARIFYING_TOKEN = 2564


def setup_inputs(seed: int = 0) -> dict:
    key = jax.random.key(seed)
    k1, k2 = jax.random.split(key)
    logits = jax.random.normal(k1, (32, 100000), dtype=jnp.float32)
    attention_scores = jax.random.normal(k2, (32, 16, 256, 256), dtype=jnp.float32)
    return {"logits": logits, "attention_scores": attention_scores}


def _calculate_metrics(scaled_logits, attention_scores):
    log_probs = jax.nn.log_softmax(scaled_logits, axis=-1)
    probs = jnp.exp(log_probs)
    entropy = -jnp.sum(probs * log_probs, axis=-1) / LN2
    varentropy = jnp.sum(probs * (log_probs / LN2 + entropy[..., None]) ** 2, axis=-1)
    attention_probs = jax.nn.softmax(attention_scores, axis=-1)
    attn_entropy = -jnp.sum(attention_probs * jnp.log2(jnp.clip(attention_probs, 1e-10, None)), axis=-1)
    attn_entropy = jnp.mean(attn_entropy, axis=-1)
    attn_varentropy = jnp.var(attn_entropy, axis=1, ddof=1)  # torch.var is unbiased
    mean_attention = jnp.mean(attention_probs, axis=1)
    agreement = jnp.mean(jnp.abs(attention_probs - mean_attention[:, None]), axis=(1, 2, 3))
    interaction_strength = jnp.mean(jnp.abs(attention_scores), axis=(1, 2, 3))
    return dict(logits_entropy=entropy.mean(), logits_varentropy=varentropy.mean(),
                attn_entropy=attn_entropy.mean(), attn_varentropy=attn_varentropy.mean(),
                agreement=agreement.mean(), interaction_strength=interaction_strength.mean())


def _filter_logits(logits, temperature, top_k, top_p, min_p):
    l = logits / temperature
    probs = jax.nn.softmax(l, axis=-1)
    top_prob = jnp.max(probs, axis=-1, keepdims=True)
    l = jnp.where(probs < min_p * top_prob, -1e10, l)
    k = jnp.minimum(top_k, l.shape[-1])
    sorted_desc = jnp.sort(l, axis=-1)[..., ::-1]
    idx = jnp.full((l.shape[0], 1), 0, dtype=jnp.int32) + (k - 1)
    kth = jnp.take_along_axis(sorted_desc, idx, axis=-1)
    l = jnp.where(l < kth, -1e10, l)
    sorted_l = jnp.sort(l, axis=-1)[..., ::-1]
    sp = jax.nn.softmax(sorted_l, axis=-1)
    csum = jnp.cumsum(sp, axis=-1)
    keep = (csum - sp) <= top_p  # always keeps the top-1 token
    cutoff = jnp.min(jnp.where(keep, sorted_l, jnp.inf), axis=-1, keepdims=True)
    l_top_p = jnp.where(l < cutoff, -1e10, l)
    l = jnp.where(top_p < 1.0, l_top_p, l)
    return l


def _decide_params(metrics):
    cfg = CFG
    ent = metrics['logits_entropy']; vent = metrics['logits_varentropy']
    attn_ent = metrics['attn_entropy']; attn_vent = metrics['attn_varentropy']
    agreement = metrics['agreement']; interaction_strength = metrics['interaction_strength']
    c1 = (ent < cfg['low_ent_thresh']) & (vent < cfg['low_vent_thresh'])
    c2 = (~c1) & (ent > cfg['high_ent_thresh']) & (vent < cfg['low_vent_thresh'])
    c3 = (~c1) & (~c2) & (ent < cfg['high_ent_thresh']) & (vent > cfg['high_vent_thresh'])
    c4 = (~c1) & (~c2) & (~c3) & (ent > cfg['med_ent_thresh']) & (vent > cfg['high_vent_thresh'])
    temp_adj3 = cfg['lehv_interaction_strength_offset'] + cfg['lehv_interaction_strength_coef'] * interaction_strength
    t3 = jnp.minimum(1.5, cfg['temperature'] * temp_adj3)
    k3 = jnp.maximum(5, jnp.floor(cfg['top_k'] * (1 + 0.5 * (1 - agreement))).astype(jnp.int32))
    temp_adj4 = cfg['hehv_attn_vent_offset'] + cfg['hehv_attn_vent_coef'] * attn_vent
    t4 = jnp.maximum(2.0, cfg['temperature'] * temp_adj4)
    p4 = jnp.maximum(0.5, cfg['top_p'] - cfg['hehv_attn_ent_coef'] * attn_ent)
    lu = ent + vent; au = attn_ent + attn_vent
    t5 = jnp.maximum(0.1, cfg['temperature'] * (1 + cfg['ada_temp_logits'] * lu + cfg['ada_temp_attn'] * au - cfg['ada_temp_agree'] * agreement))
    p5 = jnp.clip(cfg['top_p'] * (1 + cfg['ada_top_p'] * attn_vent), 0.1, 1.0)
    k5 = jnp.clip(jnp.round(cfg['top_k'] * (1 + cfg['ada_top_k_int'] * interaction_strength - cfg['ada_top_k_agree'] * agreement)), 1, 100).astype(jnp.int32)
    m5 = jnp.clip(cfg['min_p'] * (1 - cfg['ada_min_p'] * lu), 0.01, 0.5)
    t = jnp.where(c3, t3, jnp.where(c4, t4, t5))
    top_p = jnp.where(c3, cfg['top_p'], jnp.where(c4, p4, p5))
    top_k = jnp.where(c3, k3, jnp.where(c4, jnp.int32(cfg['top_k']), k5))
    min_p = jnp.where(c3, cfg['min_p'], jnp.where(c4, cfg['min_p'], m5))
    return c1, c2, (t, top_p, top_k, min_p)


def reference(logits, attention_scores):
    # one decode step of AdaptiveGenerator.generate: metrics -> branch -> sample
    scaled_logits = logits / CFG['temperature']
    metrics = _calculate_metrics(scaled_logits, attention_scores)
    is_greedy, is_clarify, params = _decide_params(metrics)
    t, top_p, k, min_p = params
    fl = _filter_logits(logits, t, k, top_p, min_p)
    is_sample = (~is_greedy) & (~is_clarify)
    final_probs = jnp.where(is_sample, jax.nn.softmax(fl, axis=-1), jax.nn.softmax(logits, axis=-1))
    greedy_tok = jnp.argmax(logits, axis=-1, keepdims=True).astype(jnp.int32)
    clarify_tok = jnp.full((logits.shape[0], 1), CLARIFYING_TOKEN, dtype=jnp.int32)
    sample_tok = jax.random.categorical(jax.random.key(42), fl, axis=-1)[:, None].astype(jnp.int32)
    next_token = jnp.where(is_greedy, greedy_tok, jnp.where(is_clarify, clarify_tok, sample_tok))
    return (next_token, final_probs)

if __name__ == "__main__":
    import jax
    _d = setup_inputs()
    print(jax.jit(kernel)(*tuple(_d.values())))

</pallas_src>

<mosaic_0001>
#map = affine_map<(d0, d1) -> (0, 0)>
module attributes {stable_mosaic.version = 14 : i64} {
  func.func @k(%arg0: i32, %arg1: i32, %arg2: memref<32x100000xf32, #tpu.memory_space<hbm>>, %arg3: memref<32x512xf32, #tpu.memory_space<hbm>>, %arg4: memref<32x512xi32, #tpu.memory_space<hbm>>, %arg5: memref<100000xf32, #tpu.memory_space<vmem>>, %arg6: memref<528xf32, #tpu.memory_space<vmem>>, %arg7: memref<528xi32, #tpu.memory_space<vmem>>) attributes {dimension_semantics = [#tpu.dimension_semantics<core_parallel>, #tpu.dimension_semantics<subcore_parallel>], iteration_bounds = array<i64: 2, 16>, scalar_prefetch = 0 : i64, scratch_operands = 3 : i64, tpu.core_type = #tpu.core_type<sc_vector_subcore>, window_params = [{transform_indices = #map}, {transform_indices = #map}, {transform_indices = #map}]} {
    %mul3A = arith.constant 2 : i32
    %mul3A_0 = arith.muli %arg1, %mul3A : i32
    %add3A = arith.addi %mul3A_0, %arg0 : i32
    "tpu.region"() ({
      %run_scoped3A = tpu.sem_alloc : memref<!tpu.dma_semaphore, #tpu.memory_space<semaphore_mem>>
      %dma_start3A = arith.constant 0 : i32
      %dma_start3A_1277 = tpu.memref_slice %arg2[%add3A, %dma_start3A] : memref<32x100000xf32, #tpu.memory_space<hbm>> -> memref<1x100000xf32, #tpu.memory_space<hbm>>
      %dma_start3A_1278 = tpu.memref_squeeze %dma_start3A_1277 : memref<1x100000xf32, #tpu.memory_space<hbm>> -> memref<100000xf32, #tpu.memory_space<hbm>>
      %dma_start3A_1279 = arith.constant 0 : i32
      %dma_start3A_1280 = tpu.memref_slice %arg2[%add3A, %dma_start3A_1279] : memref<32x100000xf32, #tpu.memory_space<hbm>> -> memref<1x100000xf32, #tpu.memory_space<hbm>>
      %dma_start3A_1281 = tpu.memref_squeeze %dma_start3A_1280 : memref<1x100000xf32, #tpu.memory_space<hbm>> -> memref<100000xf32, #tpu.memory_space<hbm>>
      tpu.enqueue_dma source(%dma_start3A_1281 : memref<100000xf32, #tpu.memory_space<hbm>>) target(%arg5 : memref<100000xf32, #tpu.memory_space<vmem>>) target_semaphore(%run_scoped3A : memref<!tpu.dma_semaphore, #tpu.memory_space<semaphore_mem>>)
      %dma_wait3A = arith.constant 0 : i32
      %dma_wait3A_1282 = tpu.memref_slice %arg2[%add3A, %dma_wait3A] : memref<32x100000xf32, #tpu.memory_space<hbm>> -> memref<1x100000xf32, #tpu.memory_space<hbm>>
      %dma_wait3A_1283 = tpu.memref_squeeze %dma_wait3A_1282 : memref<1x100000xf32, #tpu.memory_space<hbm>> -> memref<100000xf32, #tpu.memory_space<hbm>>
      %dma_wait3A_1284 = arith.constant 0 : i32
      %dma_wait3A_1285 = tpu.memref_slice %arg2[%add3A, %dma_wait3A_1284] : memref<32x100000xf32, #tpu.memory_space<hbm>> -> memref<1x100000xf32, #tpu.memory_space<hbm>>
      %dma_wait3A_1286 = tpu.memref_squeeze %dma_wait3A_1285 : memref<1x100000xf32, #tpu.memory_space<hbm>> -> memref<100000xf32, #tpu.memory_space<hbm>>
      tpu.wait_dma2 semaphore(%run_scoped3A : memref<!tpu.dma_semaphore, #tpu.memory_space<semaphore_mem>>) src(%dma_wait3A_1286 : memref<100000xf32, #tpu.memory_space<hbm>>) dst(%arg5 : memref<100000xf32, #tpu.memory_space<vmem>>)
      tpu.yield
    }) : () -> ()
    %broadcast_in_dim3A = arith.constant 0xFF800000 : f32
    %broadcast_in_dim3A_1 = vector.broadcast %broadcast_in_dim3A : f32 to vector<16xf32>
    %scan3A = arith.constant 0 : i32
    %scan3A_2 = arith.constant 6250 : i32
    %scan3A_3 = arith.addi %scan3A, %scan3A_2 : i32
    %scan3A_4 = arith.constant 1 : i32
    %scan3A_5 = scf.for %scan3A_1277 = %scan3A to %scan3A_3 step %scan3A_4 iter_args(%scan3A_1278 = %broadcast_in_dim3A_1) -> (vector<16xf32>)  : i32 {
      %mul3A_1279 = arith.constant 16 : i32
      %mul3A_1280 = arith.muli %scan3A_1277, %mul3A_1279 : i32
      %get3A = arith.index_cast %mul3A_1280 : i32 to index
      %get3A_1281 = tpu.vector_load %arg5[%get3A] {strides = array<i32>} : memref<100000xf32, #tpu.memory_space<vmem>>, vector<16xf32>,
      %max3A_1282 = arith.maximumf %scan3A_1278, %get3A_1281 : vector<16xf32>
      scf.yield %max3A_1282 : vector<16xf32>
    }
    %scan3A_6 = arith.constant 6250 : i32
    %iota3A = tpu.iota {dimensions = array<i32: 0>} : vector<16xi32>
    %xor3A = arith.constant 1 : i32
    %xor3A_7 = vector.broadcast %xor3A : i32 to vector<16xi32>
    %xor3A_8 = arith.xori %iota3A, %xor3A_7 : vector<16xi32>
    %lt3A = arith.constant 0 : i32
    %lt3A_9 = vector.broadcast %lt3A : i32 to vector<16xi32>
    %lt3A_10 = arith.cmpi slt, %xor3A_8, %lt3A_9 : vector<16xi32>
    %add3A_11 = arith.constant 16 : i32
    %add3A_12 = vector.broadcast %add3A_11 : i32 to vector<16xi32>
    %add3A_13 = arith.addi %xor3A_8, %add3A_12 : vector<16xi32>
    %select_n3A = arith.select %lt3A_10, %add3A_13, %xor3A_8 : vector<16xi1>, vector<16xi32>
    %broadcast_in_dim3A_14 = vector.shape_cast %select_n3A : vector<16xi32> to vector<16x1xi32>
    %gather3A = vector.shape_cast %broadcast_in_dim3A_14 : vector<16x1xi32> to vector<16xi32>
    %gather3A_15 = tpu.dynamic_gather %scan3A_5[%gather3A] in [0] : vector<16xf32>, vector<16xi32> -> vector<16xf32>
    %max3A = arith.maximumf %scan3A_5, %gather3A_15 : vector<16xf32>
    %xor3A_16 = arith.constant 2 : i32
    %xor3A_17 = vector.broadcast %xor3A_16 : i32 to vector<16xi32>
    %xor3A_18 = arith.xori %iota3A, %xor3A_17 : vector<16xi32>
    %lt3A_19 = arith.constant 0 : i32
    %lt3A_20 = vector.broadcast %lt3A_19 : i32 to vector<16xi32>
    %lt3A_21 = arith.cmpi slt, %xor3A_18, %lt3A_20 : vector<16xi32>
    %add3A_22 = arith.constant 16 : i32
    %add3A_23 = vector.broadcast %add3A_22 : i32 to vector<16xi32>
    %add3A_24 = arith.addi %xor3A_18, %add3A_23 : vector<16xi32>
    %select_n3A_25 = arith.select %lt3A_21, %add3A_24, %xor3A_18 : vector<16xi1>, vector<16xi32>
    %broadcast_in_dim3A_26 = vector.shape_cast %select_n3A_25 : vector<16xi32> to vector<16x1xi32>
    %gather3A_27 = vector.shape_cast %broadcast_in_dim3A_26 : vector<16x1xi32> to vector<16xi32>
    %gather3A_28 = tpu.dynamic_gather %max3A[%gather3A_27] in [0] : vector<16xf32>, vector<16xi32> -> vector<16xf32>
    %max3A_29 = arith.maximumf %max3A, %gather3A_28 : vector<16xf32>
    %xor3A_30 = arith.constant 4 : i32
    %xor3A_31 = vector.broadcast %xor3A_30 : i32 to vector<16xi32>
    %xor3A_32 = arith.xori %iota3A, %xor3A_31 : vector<16xi32>
    %lt3A_33 = arith.constant 0 : i32
    %lt3A_34 = vector.broadcast %lt3A_33 : i32 to vector<16xi32>
    %lt3A_35 = arith.cmpi slt, %xor3A_32, %lt3A_34 : vector<16xi32>
    %add3A_36 = arith.constant 16 : i32
    %add3A_37 = vector.broadcast %add3A_36 : i32 to vector<16xi32>
    %add3A_38 = arith.addi %xor3A_32, %add3A_37 : vector<16xi32>
    %select_n3A_39 = arith.select %lt3A_35, %add3A_38, %xor3A_32 : vector<16xi1>, vector<16xi32>
    %broadcast_in_dim3A_40 = vector.shape_cast %select_n3A_39 : vector<16xi32> to vector<16x1xi32>
    %gather3A_41 = vector.shape_cast %broadcast_in_dim3A_40 : vector<16x1xi32> to vector<16xi32>
    %gather3A_42 = tpu.dynamic_gather %max3A_29[%gather3A_41] in [0] : vector<16xf32>, vector<16xi32> -> vector<16xf32>
    %max3A_43 = arith.maximumf %max3A_29, %gather3A_42 : vector<16xf32>
    %xor3A_44 = arith.constant 8 : i32
    %xor3A_45 = vector.broadcast %xor3A_44 : i32 to vector<16xi32>
    %xor3A_46 = arith.xori %iota3A, %xor3A_45 : vector<16xi32>
    %lt3A_47 = arith.constant 0 : i32
    %lt3A_48 = vector.broadcast %lt3A_47 : i32 to vector<16xi32>
    %lt3A_49 = arith.cmpi slt, %xor3A_46, %lt3A_48 : vector<16xi32>
    %add3A_50 = arith.constant 16 : i32
    %add3A_51 = vector.broadcast %add3A_50 : i32 to vector<16xi32>
    %add3A_52 = arith.addi %xor3A_46, %add3A_51 : vector<16xi32>
    %select_n3A_53 = arith.select %lt3A_49, %add3A_52, %xor3A_46 : vector<16xi1>, vector<16xi32>
    %broadcast_in_dim3A_54 = vector.shape_cast %select_n3A_53 : vector<16xi32> to vector<16x1xi32>
    %gather3A_55 = vector.shape_cast %broadcast_in_dim3A_54 : vector<16x1xi32> to vector<16xi32>
    %gather3A_56 = tpu.dynamic_gather %max3A_43[%gather3A_55] in [0] : vector<16xf32>, vector<16xi32> -> vector<16xf32>
    %max3A_57 = arith.maximumf %max3A_43, %gather3A_56 : vector<16xf32>
    %broadcast_in_dim3A_58 = arith.constant 1 : i32
    %broadcast_in_dim3A_59 = vector.broadcast %broadcast_in_dim3A_58 : i32 to vector<16xi32>
    %broadcast_in_dim3A_60 = arith.constant 0 : i32
    %broadcast_in_dim3A_61 = vector.broadcast %broadcast_in_dim3A_60 : i32 to vector<16xi32>
    %sub3A = arith.constant 5.500000e-01 : f32
    %sub3A_62 = vector.broadcast %sub3A : f32 to vector<16xf32>
    %sub3A_63 = arith.subf %max3A_57, %sub3A_62 : vector<16xf32>
    %sub3A_64 = arith.constant 8.000000e-01 : f32
    %sub3A_65 = vector.broadcast %sub3A_64 : f32 to vector<16xf32>
    %sub3A_66 = arith.subf %max3A_57, %sub3A_65 : vector<16xf32>
    %sub3A_67 = arith.constant 1.050000e+00 : f32
    %sub3A_68 = vector.broadcast %sub3A_67 : f32 to vector<16xf32>
    %sub3A_69 = arith.subf %max3A_57, %sub3A_68 : vector<16xf32>
    %sub3A_70 = arith.constant 1.300000e+00 : f32
    %sub3A_71 = vector.broadcast %sub3A_70 : f32 to vector<16xf32>
    %sub3A_72 = arith.subf %max3A_57, %sub3A_71 : vector<16xf32>
    %sub3A_73 = arith.constant 1.550000e+00 : f32
    %sub3A_74 = vector.broadcast %sub3A_73 : f32 to vector<16xf32>
    %sub3A_75 = arith.subf %max3A_57, %sub3A_74 : vector<16xf32>
    %sub3A_76 = arith.constant 1.800000e+00 : f32
    %sub3A_77 = vector.broadcast %sub3A_76 : f32 to vector<16xf32>
    %sub3A_78 = arith.subf %max3A_57, %sub3A_77 : vector<16xf32>
    %sub3A_79 = arith.constant 2.050000e+00 : f32
    %sub3A_80 = vector.broadcast %sub3A_79 : f32 to vector<16xf32>
    %sub3A_81 = arith.subf %max3A_57, %sub3A_80 : vector<16xf32>
    %sub3A_82 = arith.constant 2.300000e+00 : f32
    %sub3A_83 = vector.broadcast %sub3A_82 : f32 to vector<16xf32>
    %sub3A_84 = arith.subf %max3A_57, %sub3A_83 : vector<16xf32>
    %sub3A_85 = arith.constant 2.550000e+00 : f32
    %sub3A_86 = vector.broadcast %sub3A_85 : f32 to vector<16xf32>
    %sub3A_87 = arith.subf %max3A_57, %sub3A_86 : vector<16xf32>
    %sub3A_88 = arith.constant 2.800000e+00 : f32
    %sub3A_89 = vector.broadcast %sub3A_88 : f32 to vector<16xf32>
    %sub3A_90 = arith.subf %max3A_57, %sub3A_89 : vector<16xf32>
    %sub3A_91 = arith.constant 3.050000e+00 : f32
    %sub3A_92 = vector.broadcast %sub3A_91 : f32 to vector<16xf32>
    %sub3A_93 = arith.subf %max3A_57, %sub3A_92 : vector<16xf32>
    %sub3A_94 = arith.constant 3.300000e+00 : f32
    %sub3A_95 = vector.broadcast %sub3A_94 : f32 to vector<16xf32>
    %sub3A_96 = arith.subf %max3A_57, %sub3A_95 : vector<16xf32>
    %sub3A_97 = arith.constant 3.550000e+00 : f32
    %sub3A_98 = vector.broadcast %sub3A_97 : f32 to vector<16xf32>
    %sub3A_99 = arith.subf %max3A_57, %sub3A_98 : vector<16xf32>
    %sub3A_100 = arith.constant 3.800000e+00 : f32
    %sub3A_101 = vector.broadcast %sub3A_100 : f32 to vector<16xf32>
    %sub3A_102 = arith.subf %max3A_57, %sub3A_101 : vector<16xf32>
    %sub3A_103 = arith.constant 4.300000e+00 : f32
    %sub3A_104 = vector.broadcast %sub3A_103 : f32 to vector<16xf32>
    %sub3A_105 = arith.subf %max3A_57, %sub3A_104 : vector<16xf32>
    %sub3A_106 = arith.constant 5.300000e+00 : f32
    %sub3A_107 = vector.broadcast %sub3A_106 : f32 to vector<16xf32>
    %sub3A_108 = arith.subf %max3A_57, %sub3A_107 : vector<16xf32>
    %sub3A_109 = arith.constant 7.000000e+00 : f32
    %sub3A_110 = vector.broadcast %sub3A_109 : f32 to vector<16xf32>
    %sub3A_111 = arith.subf %max3A_57, %sub3A_110 : vector<16xf32>
    %sub3A_112 = arith.constant 1.000000e+01 : f32
    %sub3A_113 = vector.broadcast %sub3A_112 : f32 to vector<16xf32>
    %sub3A_114 = arith.subf %max3A_57, %sub3A_113 : vector<16xf32>
    %sub3A_115 = arith.constant 5.000000e+01 : f32
    %sub3A_116 = vector.broadcast %sub3A_115 : f32 to vector<16xf32>
    %sub3A_117 = arith.subf %max3A_57, %sub3A_116 : vector<16xf32>
    %scan3A_118 = arith.constant 0 : i32
    %scan3A_119 = arith.constant 6250 : i32
    %scan3A_120 = arith.addi %scan3A_118, %scan3A_119 : i32
    %scan3A_121 = arith.constant 1 : i32
    %scan3A_122:19 = scf.for %scan3A_1277 = %scan3A_118 to %scan3A_120 step %scan3A_121 iter_args(%scan3A_1278 = %broadcast_in_dim3A_61, %scan3A_1279 = %broadcast_in_dim3A_61, %scan3A_1280 = %broadcast_in_dim3A_61, %scan3A_1281 = %broadcast_in_dim3A_61, %scan3A_1282 = %broadcast_in_dim3A_61, %scan3A_1283 = %broadcast_in_dim3A_61, %scan3A_1284 = %broadcast_in_dim3A_61, %scan3A_1285 = %broadcast_in_dim3A_61, %scan3A_1286 = %broadcast_in_dim3A_61, %scan3A_1287 = %broadcast_in_dim3A_61, %scan3A_1288 = %broadcast_in_dim3A_61, %scan3A_1289 = %broadcast_in_dim3A_61, %scan3A_1290 = %broadcast_in_dim3A_61, %scan3A_1291 = %broadcast_in_dim3A_61, %scan3A_1292 = %broadcast_in_dim3A_61, %scan3A_1293 = %broadcast_in_dim3A_61, %scan3A_1294 = %broadcast_in_dim3A_61, %scan3A_1295 = %broadcast_in_dim3A_61, %scan3A_1296 = %broadcast_in_dim3A_61) -> (vector<16xi32>, vector<16xi32>, vector<16xi32>, vector<16xi32>, vector<16xi32>, vector<16xi32>, vector<16xi32>, vector<16xi32>, vector<16xi32>, vector<16xi32>, vector<16xi32>, vector<16xi32>, vector<16xi32>, vector<16xi32>, vector<16xi32>, vector<16xi32>, vector<16xi32>, vector<16xi32>, vector<16xi32>)  : i32 {
      %mul3A_1297 = arith.constant 16 : i32
      %mul3A_1298 = arith.muli %scan3A_1277, %mul3A_1297 : i32
      %get3A = arith.index_cast %mul3A_1298 : i32 to index
      %get3A_1299 = tpu.vector_load %arg5[%get3A] {strides = array<i32>} : memref<100000xf32, #tpu.memory_space<vmem>>, vector<16xf32>,
      %gt3A = arith.cmpf ogt, %get3A_1299, %sub3A_63 : vector<16xf32>
      %select_n3A_1300 = arith.select %gt3A, %broadcast_in_dim3A_59, %broadcast_in_dim3A_61 : vector<16xi1>, vector<16xi32>
      %add3A_1301 = arith.addi %scan3A_1278, %select_n3A_1300 : vector<16xi32>
      %gt3A_1302 = arith.cmpf ogt, %get3A_1299, %sub3A_66 : vector<16xf32>
      %select_n3A_1303 = arith.select %gt3A_1302, %broadcast_in_dim3A_59, %broadcast_in_dim3A_61 : vector<16xi1>, vector<16xi32>
      %add3A_1304 = arith.addi %scan3A_1279, %select_n3A_1303 : vector<16xi32>
      %gt3A_1305 = arith.cmpf ogt, %get3A_1299, %sub3A_69 : vector<16xf32>
      %select_n3A_1306 = arith.select %gt3A_1305, %broadcast_in_dim3A_59, %broadcast_in_dim3A_61 : vector<16xi1>, vector<16xi32>
      %add3A_1307 = arith.addi %scan3A_1280, %select_n3A_1306 : vector<16xi32>
      %gt3A_1308 = arith.cmpf ogt, %get3A_1299, %sub3A_72 : vector<16xf32>
      %select_n3A_1309 = arith.select %gt3A_1308, %broadcast_in_dim3A_59, %broadcast_in_dim3A_61 : vector<16xi1>, vector<16xi32>
      %add3A_1310 = arith.addi %scan3A_1281, %select_n3A_1309 : vector<16xi32>
      %gt3A_1311 = arith.cmpf ogt, %get3A_1299, %sub3A_75 : vector<16xf32>
      %select_n3A_1312 = arith.select %gt3A_1311, %broadcast_in_dim3A_59, %broadcast_in_dim3A_61 : vector<16xi1>, vector<16xi32>
      %add3A_1313 = arith.addi %scan3A_1282, %select_n3A_1312 : vector<16xi32>
      %gt3A_1314 = arith.cmpf ogt, %get3A_1299, %sub3A_78 : vector<16xf32>
      %select_n3A_1315 = arith.select %gt3A_1314, %broadcast_in_dim3A_59, %broadcast_in_dim3A_61 : vector<16xi1>, vector<16xi32>
      %add3A_1316 = arith.addi %scan3A_1283, %select_n3A_1315 : vector<16xi32>
      %gt3A_1317 = arith.cmpf ogt, %get3A_1299, %sub3A_81 : vector<16xf32>
      %select_n3A_1318 = arith.select %gt3A_1317, %broadcast_in_dim3A_59, %broadcast_in_dim3A_61 : vector<16xi1>, vector<16xi32>
      %add3A_1319 = arith.addi %scan3A_1284, %select_n3A_1318 : vector<16xi32>
      %gt3A_1320 = arith.cmpf ogt, %get3A_1299, %sub3A_84 : vector<16xf32>
      %select_n3A_1321 = arith.select %gt3A_1320, %broadcast_in_dim3A_59, %broadcast_in_dim3A_61 : vector<16xi1>, vector<16xi32>
      %add3A_1322 = arith.addi %scan3A_1285, %select_n3A_1321 : vector<16xi32>
      %gt3A_1323 = arith.cmpf ogt, %get3A_1299, %sub3A_87 : vector<16xf32>
      %select_n3A_1324 = arith.select %gt3A_1323, %broadcast_in_dim3A_59, %broadcast_in_dim3A_61 : vector<16xi1>, vector<16xi32>
      %add3A_1325 = arith.addi %scan3A_1286, %select_n3A_1324 : vector<16xi32>
      %gt3A_1326 = arith.cmpf ogt, %get3A_1299, %sub3A_90 : vector<16xf32>
      %select_n3A_1327 = arith.select %gt3A_1326, %broadcast_in_dim3A_59, %broadcast_in_dim3A_61 : vector<16xi1>, vector<16xi32>
      %add3A_1328 = arith.addi %scan3A_1287, %select_n3A_1327 : vector<16xi32>
      %gt3A_1329 = arith.cmpf ogt, %get3A_1299, %sub3A_93 : vector<16xf32>
      %select_n3A_1330 = arith.select %gt3A_1329, %broadcast_in_dim3A_59, %broadcast_in_dim3A_61 : vector<16xi1>, vector<16xi32>
      %add3A_1331 = arith.addi %scan3A_1288, %select_n3A_1330 : vector<16xi32>
      %gt3A_1332 = arith.cmpf ogt, %get3A_1299, %sub3A_96 : vector<16xf32>
      %select_n3A_1333 = arith.select %gt3A_1332, %broadcast_in_dim3A_59, %broadcast_in_dim3A_61 : vector<16xi1>, vector<16xi32>
      %add3A_1334 = arith.addi %scan3A_1289, %select_n3A_1333 : vector<16xi32>
      %gt3A_1335 = arith.cmpf ogt, %get3A_1299, %sub3A_99 : vector<16xf32>
      %select_n3A_1336 = arith.select %gt3A_1335, %broadcast_in_dim3A_59, %broadcast_in_dim3A_61 : vector<16xi1>, vector<16xi32>
      %add3A_1337 = arith.addi %scan3A_1290, %select_n3A_1336 : vector<16xi32>
      %gt3A_1338 = arith.cmpf ogt, %get3A_1299, %sub3A_102 : vector<16xf32>
      %select_n3A_1339 = arith.select %gt3A_1338, %broadcast_in_dim3A_59, %broadcast_in_dim3A_61 : vector<16xi1>, vector<16xi32>
      %add3A_1340 = arith.addi %scan3A_1291, %select_n3A_1339 : vector<16xi32>
      %gt3A_1341 = arith.cmpf ogt, %get3A_1299, %sub3A_105 : vector<16xf32>
      %select_n3A_1342 = arith.select %gt3A_1341, %broadcast_in_dim3A_59, %broadcast_in_dim3A_61 : vector<16xi1>, vector<16xi32>
      %add3A_1343 = arith.addi %scan3A_1292, %select_n3A_1342 : vector<16xi32>
      %gt3A_1344 = arith.cmpf ogt, %get3A_1299, %sub3A_108 : vector<16xf32>
      %select_n3A_1345 = arith.select %gt3A_1344, %broadcast_in_dim3A_59, %broadcast_in_dim3A_61 : vector<16xi1>, vector<16xi32>
      %add3A_1346 = arith.addi %scan3A_1293, %select_n3A_1345 : vector<16xi32>
      %gt3A_1347 = arith.cmpf ogt, %get3A_1299, %sub3A_111 : vector<16xf32>
      %select_n3A_1348 = arith.select %gt3A_1347, %broadcast_in_dim3A_59, %broadcast_in_dim3A_61 : vector<16xi1>, vector<16xi32>
      %add3A_1349 = arith.addi %scan3A_1294, %select_n3A_1348 : vector<16xi32>
      %gt3A_1350 = arith.cmpf ogt, %get3A_1299, %sub3A_114 : vector<16xf32>
      %select_n3A_1351 = arith.select %gt3A_1350, %broadcast_in_dim3A_59, %broadcast_in_dim3A_61 : vector<16xi1>, vector<16xi32>
      %add3A_1352 = arith.addi %scan3A_1295, %select_n3A_1351 : vector<16xi32>
      %gt3A_1353 = arith.cmpf ogt, %get3A_1299, %sub3A_117 : vector<16xf32>
      %select_n3A_1354 = arith.select %gt3A_1353, %broadcast_in_dim3A_59, %broadcast_in_dim3A_61 : vector<16xi1>, vector<16xi32>
      %add3A_1355 = arith.addi %scan3A_1296, %select_n3A_1354 : vector<16xi32>
      scf.yield %add3A_1301, %add3A_1304, %add3A_1307, %add3A_1310, %add3A_1313, %add3A_1316, %add3A_1319, %add3A_1322, %add3A_1325, %add3A_1328, %add3A_1331, %add3A_1334, %add3A_1337, %add3A_1340, %add3A_1343, %add3A_1346, %add3A_1349, %add3A_1352, %add3A_1355 : vector<16xi32>, vector<16xi32>, vector<16xi32>, vector<16xi32>, vector<16xi32>, vector<16xi32>, vector<16xi32>, vector<16xi32>, vector<16xi32>, vector<16xi32>, vector<16xi32>, vector<16xi32>, vector<16xi32>, vector<16xi32>, vector<16xi32>, vector<16xi32>, vector<16xi32>, vector<16xi32>, vector<16xi32>
    }
    %scan3A_123 = arith.constant 6250 : i32
    %xor3A_124 = arith.constant 1 : i32
    %xor3A_125 = vector.broadcast %xor3A_124 : i32 to vector<16xi32>
    %xor3A_126 = arith.xori %iota3A, %xor3A_125 : vector<16xi32>
    %lt3A_127 = arith.constant 0 : i32
    %lt3A_128 = vector.broadcast %lt3A_127 : i32 to vector<16xi32>
    %lt3A_129 = arith.cmpi slt, %xor3A_126, %lt3A_128 : vector<16xi32>
    %add3A_130 = arith.constant 16 : i32
    %add3A_131 = vector.broadcast %add3A_130 : i32 to vector<16xi32>
    %add3A_132 = arith.addi %xor3A_126, %add3A_131 : vector<16xi32>
    %select_n3A_133 = arith.select %lt3A_129, %add3A_132, %xor3A_126 : vector<16xi1>, vector<16xi32>
    %broadcast_in_dim3A_134 = vector.shape_cast %select_n3A_133 : vector<16xi32> to vector<16x1xi32>
    %gather3A_135 = vector.shape_cast %broadcast_in_dim3A_134 : vector<16x1xi32> to vector<16xi32>
    %gather3A_136 = tpu.dynamic_gather %scan3A_122#0[%gather3A_135] in [0] : vector<16xi32>, vector<16xi32> -> vector<16xi32>
    %add3A_137 = arith.addi %scan3A_122#0, %gather3A_136 : vector<16xi32>
    %xor3A_138 = arith.constant 2 : i32
    %xor3A_139 = vector.broadcast %xor3A_138 : i32 to vector<16xi32>
    %xor3A_140 = arith.xori %iota3A, %xor3A_139 : vector<16xi32>
    %lt3A_141 = arith.constant 0 : i32
    %lt3A_142 = vector.broadcast %lt3A_141 : i32 to vector<16xi32>
    %lt3A_143 = arith.cmpi slt, %xor3A_140, %lt3A_142 : vector<16xi32>
    %add3A_144 = arith.constant 16 : i32
    %add3A_145 = vector.broadcast %add3A_144 : i32 to vector<16xi32>
    %add3A_146 = arith.addi %xor3A_140, %add3A_145 : vector<16xi32>
    %select_n3A_147 = arith.select %lt3A_143, %add3A_146, %xor3A_140 : vector<16xi1>, vector<16xi32>
    %broadcast_in_dim3A_148 = vector.shape_cast %select_n3A_147 : vector<16xi32> to vector<16x1xi32>
    %gather3A_149 = vector.shape_cast %broadcast_in_dim3A_148 : vector<16x1xi32> to vector<16xi32>
    %gather3A_150 = tpu.dynamic_gather %add3A_137[%gather3A_149] in [0] : vector<16xi32>, vector<16xi32> -> vector<16xi32>
    %add3A_151 = arith.addi %add3A_137, %gather3A_150 : vector<16xi32>
    %xor3A_152 = arith.constant 4 : i32
    %xor3A_153 = vector.broadcast %xor3A_152 : i32 to vector<16xi32>
    %xor3A_154 = arith.xori %iota3A, %xor3A_153 : vector<16xi32>
    %lt3A_155 = arith.constant 0 : i32
    %lt3A_156 = vector.broadcast %lt3A_155 : i32 to vector<16xi32>
    %lt3A_157 = arith.cmpi slt, %xor3A_154, %lt3A_156 : vector<16xi32>
    %add3A_158 = arith.constant 16 : i32
    %add3A_159 = vector.broadcast %add3A_158 : i32 to vector<16xi32>
    %add3A_160 = arith.addi %xor3A_154, %add3A_159 : vector<16xi32>
    %select_n3A_161 = arith.select %lt3A_157, %add3A_160, %xor3A_154 : vector<16xi1>, vector<16xi32>
    %broadcast_in_dim3A_162 = vector.shape_cast %select_n3A_161 : vector<16xi32> to vector<16x1xi32>
    %gather3A_163 = vector.shape_cast %broadcast_in_dim3A_162 : vector<16x1xi32> to vector<16xi32>
    %gather3A_164 = tpu.dynamic_gather %add3A_151[%gather3A_163] in [0] : vector<16xi32>, vector<16xi32> -> vector<16xi32>
    %add3A_165 = arith.addi %add3A_151, %gather3A_164 : vector<16xi32>
    %xor3A_166 = arith.constant 8 : i32
    %xor3A_167 = vector.broadcast %xor3A_166 : i32 to vector<16xi32>
    %xor3A_168 = arith.xori %iota3A, %xor3A_167 : vector<16xi32>
    %lt3A_169 = arith.constant 0 : i32
    %lt3A_170 = vector.broadcast %lt3A_169 : i32 to vector<16xi32>
    %lt3A_171 = arith.cmpi slt, %xor3A_168, %lt3A_170 : vector<16xi32>
    %add3A_172 = arith.constant 16 : i32
    %add3A_173 = vector.broadcast %add3A_172 : i32 to vector<16xi32>
    %add3A_174 = arith.addi %xor3A_168, %add3A_173 : vector<16xi32>
    %select_n3A_175 = arith.select %lt3A_171, %add3A_174, %xor3A_168 : vector<16xi1>, vector<16xi32>
    %broadcast_in_dim3A_176 = vector.shape_cast %select_n3A_175 : vector<16xi32> to vector<16x1xi32>
    %gather3A_177 = vector.shape_cast %broadcast_in_dim3A_176 : vector<16x1xi32> to vector<16xi32>
    %gather3A_178 = tpu.dynamic_gather %add3A_165[%gather3A_177] in [0] : vector<16xi32>, vector<16xi32> -> vector<16xi32>
    %add3A_179 = arith.addi %add3A_165, %gather3A_178 : vector<16xi32>
    %xor3A_180 = arith.constant 1 : i32
    %xor3A_181 = vector.broadcast %xor3A_180 : i32 to vector<16xi32>
    %xor3A_182 = arith.xori %iota3A, %xor3A_181 : vector<16xi32>
    %lt3A_183 = arith.constant 0 : i32
    %lt3A_184 = vector.broadcast %lt3A_183 : i32 to vector<16xi32>
    %lt3A_185 = arith.cmpi slt, %xor3A_182, %lt3A_184 : vector<16xi32>
    %add3A_186 = arith.constant 16 : i32
    %add3A_187 = vector.broadcast %add3A_186 : i32 to vector<16xi32>
    %add3A_188 = arith.addi %xor3A_182, %add3A_187 : vector<16xi32>
    %select_n3A_189 = arith.select %lt3A_185, %add3A_188, %xor3A_182 : vector<16xi1>, vector<16xi32>
    %broadcast_in_dim3A_190 = vector.shape_cast %select_n3A_189 : vector<16xi32> to vector<16x1xi32>
    %gather3A_191 = vector.shape_cast %broadcast_in_dim3A_190 : vector<16x1xi32> to vector<16xi32>
    %gather3A_192 = tpu.dynamic_gather %scan3A_122#1[%gather3A_191] in [0] : vector<16xi32>, vector<16xi32> -> vector<16xi32>
    %add3A_193 = arith.addi %scan3A_122#1, %gather3A_192 : vector<16xi32>
    %xor3A_194 = arith.constant 2 : i32
    %xor3A_195 = vector.broadcast %xor3A_194 : i32 to vector<16xi32>
    %xor3A_196 = arith.xori %iota3A, %xor3A_195 : vector<16xi32>
    %lt3A_197 = arith.constant 0 : i32
    %lt3A_198 = vector.broadcast %lt3A_197 : i32 to vector<16xi32>
    %lt3A_199 = arith.cmpi slt, %xor3A_196, %lt3A_198 : vector<16xi32>
    %add3A_200 = arith.constant 16 : i32
    %add3A_201 = vector.broadcast %add3A_200 : i32 to vector<16xi32>
    %add3A_202 = arith.addi %xor3A_196, %add3A_201 : vector<16xi32>
    %select_n3A_203 = arith.select %lt3A_199, %add3A_202, %xor3A_196 : vector<16xi1>, vector<16xi32>
    %broadcast_in_dim3A_204 = vector.shape_cast %select_n3A_203 : vector<16xi32> to vector<16x1xi32>
    %gather3A_205 = vector.shape_cast %broadcast_in_dim3A_204 : vector<16x1xi32> to vector<16xi32>
    %gather3A_206 = tpu.dynamic_gather %add3A_193[%gather3A_205] in [0] : vector<16xi32>, vector<16xi32> -> vector<16xi32>
    %add3A_207 = arith.addi %add3A_193, %gather3A_206 : vector<16xi32>
    %xor3A_208 = arith.constant 4 : i32
    %xor3A_209 = vector.broadcast %xor3A_208 : i32 to vector<16xi32>
    %xor3A_210 = arith.xori %iota3A, %xor3A_209 : vector<16xi32>
    %lt3A_211 = arith.constant 0 : i32
    %lt3A_212 = vector.broadcast %lt3A_211 : i32 to vector<16xi32>
    %lt3A_213 = arith.cmpi slt, %xor3A_210, %lt3A_212 : vector<16xi32>
    %add3A_214 = arith.constant 16 : i32
    %add3A_215 = vector.broadcast %add3A_214 : i32 to vector<16xi32>
    %add3A_216 = arith.addi %xor3A_210, %add3A_215 : vector<16xi32>
    %select_n3A_217 = arith.select %lt3A_213, %add3A_216, %xor3A_210 : vector<16xi1>, vector<16xi32>
    %broadcast_in_dim3A_218 = vector.shape_cast %select_n3A_217 : vector<16xi32> to vector<16x1xi32>
    %gather3A_219 = vector.shape_cast %broadcast_in_dim3A_218 : vector<16x1xi32> to vector<16xi32>
    %gather3A_220 = tpu.dynamic_gather %add3A_207[%gather3A_219] in [0] : vector<16xi32>, vector<16xi32> -> vector<16xi32>
    %add3A_221 = arith.addi %add3A_207, %gather3A_220 : vector<16xi32>
    %xor3A_222 = arith.constant 8 : i32
    %xor3A_223 = vector.broadcast %xor3A_222 : i32 to vector<16xi32>
    %xor3A_224 = arith.xori %iota3A, %xor3A_223 : vector<16xi32>
    %lt3A_225 = arith.constant 0 : i32
    %lt3A_226 = vector.broadcast %lt3A_225 : i32 to vector<16xi32>
    %lt3A_227 = arith.cmpi slt, %xor3A_224, %lt3A_226 : vector<16xi32>
    %add3A_228 = arith.constant 16 : i32
    %add3A_229 = vector.broadcast %add3A_228 : i32 to vector<16xi32>
    %add3A_230 = arith.addi %xor3A_224, %add3A_229 : vector<16xi32>
    %select_n3A_231 = arith.select %lt3A_227, %add3A_230, %xor3A_224 : vector<16xi1>, vector<16xi32>
    %broadcast_in_dim3A_232 = vector.shape_cast %select_n3A_231 : vector<16xi32> to vector<16x1xi32>
    %gather3A_233 = vector.shape_cast %broadcast_in_dim3A_232 : vector<16x1xi32> to vector<16xi32>
    %gather3A_234 = tpu.dynamic_gather %add3A_221[%gather3A_233] in [0] : vector<16xi32>, vector<16xi32> -> vector<16xi32>
    %add3A_235 = arith.addi %add3A_221, %gather3A_234 : vector<16xi32>
    %xor3A_236 = arith.constant 1 : i32
    %xor3A_237 = vector.broadcast %xor3A_236 : i32 to vector<16xi32>
    %xor3A_238 = arith.xori %iota3A, %xor3A_237 : vector<16xi32>
    %lt3A_239 = arith.constant 0 : i32
    %lt3A_240 = vector.broadcast %lt3A_239 : i32 to vector<16xi32>
    %lt3A_241 = arith.cmpi slt, %xor3A_238, %lt3A_240 : vector<16xi32>
    %add3A_242 = arith.constant 16 : i32
    %add3A_243 = vector.broadcast %add3A_242 : i32 to vector<16xi32>
    %add3A_244 = arith.addi %xor3A_238, %add3A_243 : vector<16xi32>
    %select_n3A_245 = arith.select %lt3A_241, %add3A_244, %xor3A_238 : vector<16xi1>, vector<16xi32>
    %broadcast_in_dim3A_246 = vector.shape_cast %select_n3A_245 : vector<16xi32> to vector<16x1xi32>
    %gather3A_247 = vector.shape_cast %broadcast_in_dim3A_246 : vector<16x1xi32> to vector<16xi32>
    %gather3A_248 = tpu.dynamic_gather %scan3A_122#2[%gather3A_247] in [0] : vector<16xi32>, vector<16xi32> -> vector<16xi32>
    %add3A_249 = arith.addi %scan3A_122#2, %gather3A_248 : vector<16xi32>
    %xor3A_250 = arith.constant 2 : i32
    %xor3A_251 = vector.broadcast %xor3A_250 : i32 to vector<16xi32>
    %xor3A_252 = arith.xori %iota3A, %xor3A_251 : vector<16xi32>
    %lt3A_253 = arith.constant 0 : i32
    %lt3A_254 = vector.broadcast %lt3A_253 : i32 to vector<16xi32>
    %lt3A_255 = arith.cmpi slt, %xor3A_252, %lt3A_254 : vector<16xi32>
    %add3A_256 = arith.constant 16 : i32
    %add3A_257 = vector.broadcast %add3A_256 : i32 to vector<16xi32>
    %add3A_258 = arith.addi %xor3A_252, %add3A_257 : vector<16xi32>
    %select_n3A_259 = arith.select %lt3A_255, %add3A_258, %xor3A_252 : vector<16xi1>, vector<16xi32>
    %broadcast_in_dim3A_260 = vector.shape_cast %select_n3A_259 : vector<16xi32> to vector<16x1xi32>
    %gather3A_261 = vector.shape_cast %broadcast_in_dim3A_260 : vector<16x1xi32> to vector<16xi32>
    %gather3A_262 = tpu.dynamic_gather %add3A_249[%gather3A_261] in [0] : vector<16xi32>, vector<16xi32> -> vector<16xi32>
    %add3A_263 = arith.addi %add3A_249, %gather3A_262 : vector<16xi32>
    %xor3A_264 = arith.constant 4 : i32
    %xor3A_265 = vector.broadcast %xor3A_264 : i32 to vector<16xi32>
    %xor3A_266 = arith.xori %iota3A, %xor3A_265 : vector<16xi32>
    %lt3A_267 = arith.constant 0 : i32
    %lt3A_268 = vector.broadcast %lt3A_267 : i32 to vector<16xi32>
    %lt3A_269 = arith.cmpi slt, %xor3A_266, %lt3A_268 : vector<16xi32>
    %add3A_270 = arith.constant 16 : i32
    %add3A_271 = vector.broadcast %add3A_270 : i32 to vector<16xi32>
    %add3A_272 = arith.addi %xor3A_266, %add3A_271 : vector<16xi32>
    %select_n3A_273 = arith.select %lt3A_269, %add3A_272, %xor3A_266 : vector<16xi1>, vector<16xi32>
    %broadcast_in_dim3A_274 = vector.shape_cast %select_n3A_273 : vector<16xi32> to vector<16x1xi32>
    %gather3A_275 = vector.shape_cast %broadcast_in_dim3A_274 : vector<16x1xi32> to vector<16xi32>
    %gather3A_276 = tpu.dynamic_gather %add3A_263[%gather3A_275] in [0] : vector<16xi32>, vector<16xi32> -> vector<16xi32>
    %add3A_277 = arith.addi %add3A_263, %gather3A_276 : vector<16xi32>
    %xor3A_278 = arith.constant 8 : i32
    %xor3A_279 = vector.broadcast %xor3A_278 : i32 to vector<16xi32>
    %xor3A_280 = arith.xori %iota3A, %xor3A_279 : vector<16xi32>
    %lt3A_281 = arith.constant 0 : i32
    %lt3A_282 = vector.broadcast %lt3A_281 : i32 to vector<16xi32>
    %lt3A_283 = arith.cmpi slt, %xor3A_280, %lt3A_282 : vector<16xi32>
    %add3A_284 = arith.constant 16 : i32
    %add3A_285 = vector.broadcast %add3A_284 : i32 to vector<16xi32>
    %add3A_286 = arith.addi %xor3A_280, %add3A_285 : vector<16xi32>
    %select_n3A_287 = arith.select %lt3A_283, %add3A_286, %xor3A_280 : vector<16xi1>, vector<16xi32>
    %broadcast_in_dim3A_288 = vector.shape_cast %select_n3A_287 : vector<16xi32> to vector<16x1xi32>
    %gather3A_289 = vector.shape_cast %broadcast_in_dim3A_288 : vector<16x1xi32> to vector<16xi32>
    %gather3A_290 = tpu.dynamic_gather %add3A_277[%gather3A_289] in [0] : vector<16xi32>, vector<16xi32> -> vector<16xi32>
    %add3A_291 = arith.addi %add3A_277, %gather3A_290 : vector<16xi32>
    %xor3A_292 = arith.constant 1 : i32
    %xor3A_293 = vector.broadcast %xor3A_292 : i32 to vector<16xi32>
    %xor3A_294 = arith.xori %iota3A, %xor3A_293 : vector<16xi32>
    %lt3A_295 = arith.constant 0 : i32
    %lt3A_296 = vector.broadcast %lt3A_295 : i32 to vector<16xi32>
    %lt3A_297 = arith.cmpi slt, %xor3A_294, %lt3A_296 : vector<16xi32>
    %add3A_298 = arith.constant 16 : i32
    %add3A_299 = vector.broadcast %add3A_298 : i32 to vector<16xi32>
    %add3A_300 = arith.addi %xor3A_294, %add3A_299 : vector<16xi32>
    %select_n3A_301 = arith.select %lt3A_297, %add3A_300, %xor3A_294 : vector<16xi1>, vector<16xi32>
    %broadcast_in_dim3A_302 = vector.shape_cast %select_n3A_301 : vector<16xi32> to vector<16x1xi32>
    %gather3A_303 = vector.shape_cast %broadcast_in_dim3A_302 : vector<16x1xi32> to vector<16xi32>
    %gather3A_304 = tpu.dynamic_gather %scan3A_122#3[%gather3A_303] in [0] : vector<16xi32>, vector<16xi32> -> vector<16xi32>
    %add3A_305 = arith.addi %scan3A_122#3, %gather3A_304 : vector<16xi32>
    %xor3A_306 = arith.constant 2 : i32
    %xor3A_307 = vector.broadcast %xor3A_306 : i32 to vector<16xi32>
    %xor3A_308 = arith.xori %iota3A, %xor3A_307 : vector<16xi32>
    %lt3A_309 = arith.constant 0 : i32
    %lt3A_310 = vector.broadcast %lt3A_309 : i32 to vector<16xi32>
    %lt3A_311 = arith.cmpi slt, %xor3A_308, %lt3A_310 : vector<16xi32>
    %add3A_312 = arith.constant 16 : i32
    %add3A_313 = vector.broadcast %add3A_312 : i32 to vector<16xi32>
    %add3A_314 = arith.addi %xor3A_308, %add3A_313 : vector<16xi32>
    %select_n3A_315 = arith.select %lt3A_311, %add3A_314, %xor3A_308 : vector<16xi1>, vector<16xi32>
    %broadcast_in_dim3A_316 = vector.shape_cast %select_n3A_315 : vector<16xi32> to vector<16x1xi32>
    %gather3A_317 = vector.shape_cast %broadcast_in_dim3A_316 : vector<16x1xi32> to vector<16xi32>
    %gather3A_318 = tpu.dynamic_gather %add3A_305[%gather3A_317] in [0] : vector<16xi32>, vector<16xi32> -> vector<16xi32>
    %add3A_319 = arith.addi %add3A_305, %gather3A_318 : vector<16xi32>
    %xor3A_320 = arith.constant 4 : i32
    %xor3A_321 = vector.broadcast %xor3A_320 : i32 to vector<16xi32>
    %xor3A_322 = arith.xori %iota3A, %xor3A_321 : vector<16xi32>
    %lt3A_323 = arith.constant 0 : i32
    %lt3A_324 = vector.broadcast %lt3A_323 : i32 to vector<16xi32>
    %lt3A_325 = arith.cmpi slt, %xor3A_322, %lt3A_324 : vector<16xi32>
    %add3A_326 = arith.constant 16 : i32
    %add3A_327 = vector.broadcast %add3A_326 : i32 to vector<16xi32>
    %add3A_328 = arith.addi %xor3A_322, %add3A_327 : vector<16xi32>
    %select_n3A_329 = arith.select %lt3A_325, %add3A_328, %xor3A_322 : vector<16xi1>, vector<16xi32>
    %broadcast_in_dim3A_330 = vector.shape_cast %select_n3A_329 : vector<16xi32> to vector<16x1xi32>
    %gather3A_331 = vector.shape_cast %broadcast_in_dim3A_330 : vector<16x1xi32> to vector<16xi32>
    %gather3A_332 = tpu.dynamic_gather %add3A_319[%gather3A_331] in [0] : vector<16xi32>, vector<16xi32> -> vector<16xi32>
    %add3A_333 = arith.addi %add3A_319, %gather3A_332 : vector<16xi32>
    %xor3A_334 = arith.constant 8 : i32
    %xor3A_335 = vector.broadcast %xor3A_334 : i32 to vector<16xi32>
    %xor3A_336 = arith.xori %iota3A, %xor3A_335 : vector<16xi32>
    %lt3A_337 = arith.constant 0 : i32
    %lt3A_338 = vector.broadcast %lt3A_337 : i32 to vector<16xi32>
    %lt3A_339 = arith.cmpi slt, %xor3A_336, %lt3A_338 : vector<16xi32>
    %add3A_340 = arith.constant 16 : i32
    %add3A_341 = vector.broadcast %add3A_340 : i32 to vector<16xi32>
    %add3A_342 = arith.addi %xor3A_336, %add3A_341 : vector<16xi32>
    %select_n3A_343 = arith.select %lt3A_339, %add3A_342, %xor3A_336 : vector<16xi1>, vector<16xi32>
    %broadcast_in_dim3A_344 = vector.shape_cast %select_n3A_343 : vector<16xi32> to vector<16x1xi32>
    %gather3A_345 = vector.shape_cast %broadcast_in_dim3A_344 : vector<16x1xi32> to vector<16xi32>
    %gather3A_346 = tpu.dynamic_gather %add3A_333[%gather3A_345] in [0] : vector<16xi32>, vector<16xi32> -> vector<16xi32>
    %add3A_347 = arith.addi %add3A_333, %gather3A_346 : vector<16xi32>
    %xor3A_348 = arith.constant 1 : i32
    %xor3A_349 = vector.broadcast %xor3A_348 : i32 to vector<16xi32>
    %xor3A_350 = arith.xori %iota3A, %xor3A_349 : vector<16xi32>
    %lt3A_351 = arith.constant 0 : i32
    %lt3A_352 = vector.broadcast %lt3A_351 : i32 to vector<16xi32>
    %lt3A_353 = arith.cmpi slt, %xor3A_350, %lt3A_352 : vector<16xi32>
    %add3A_354 = arith.constant 16 : i32
    %add3A_355 = vector.broadcast %add3A_354 : i32 to vector<16xi32>
    %add3A_356 = arith.addi %xor3A_350, %add3A_355 : vector<16xi32>
    %select_n3A_357 = arith.select %lt3A_353, %add3A_356, %xor3A_350 : vector<16xi1>, vector<16xi32>
    %broadcast_in_dim3A_358 = vector.shape_cast %select_n3A_357 : vector<16xi32> to vector<16x1xi32>
    %gather3A_359 = vector.shape_cast %broadcast_in_dim3A_358 : vector<16x1xi32> to vector<16xi32>
    %gather3A_360 = tpu.dynamic_gather %scan3A_122#4[%gather3A_359] in [0] : vector<16xi32>, vector<16xi32> -> vector<16xi32>
    %add3A_361 = arith.addi %scan3A_122#4, %gather3A_360 : vector<16xi32>
    %xor3A_362 = arith.constant 2 : i32
    %xor3A_363 = vector.broadcast %xor3A_362 : i32 to vector<16xi32>
    %xor3A_364 = arith.xori %iota3A, %xor3A_363 : vector<16xi32>
    %lt3A_365 = arith.constant 0 : i32
    %lt3A_366 = vector.broadcast %lt3A_365 : i32 to vector<16xi32>
    %lt3A_367 = arith.cmpi slt, %xor3A_364, %lt3A_366 : vector<16xi32>
    %add3A_368 = arith.constant 16 : i32
    %add3A_369 = vector.broadcast %add3A_368 : i32 to vector<16xi32>
    %add3A_370 = arith.addi %xor3A_364, %add3A_369 : vector<16xi32>
    %select_n3A_371 = arith.select %lt3A_367, %add3A_370, %xor3A_364 : vector<16xi1>, vector<16xi32>
    %broadcast_in_dim3A_372 = vector.shape_cast %select_n3A_371 : vector<16xi32> to vector<16x1xi32>
    %gather3A_373 = vector.shape_cast %broadcast_in_dim3A_372 : vector<16x1xi32> to vector<16xi32>
    %gather3A_374 = tpu.dynamic_gather %add3A_361[%gather3A_373] in [0] : vector<16xi32>, vector<16xi32> -> vector<16xi32>
    %add3A_375 = arith.addi %add3A_361, %gather3A_374 : vector<16xi32>
    %xor3A_376 = arith.constant 4 : i32
    %xor3A_377 = vector.broadcast %xor3A_376 : i32 to vector<16xi32>
    %xor3A_378 = arith.xori %iota3A, %xor3A_377 : vector<16xi32>
    %lt3A_379 = arith.constant 0 : i32
    %lt3A_380 = vector.broadcast %lt3A_379 : i32 to vector<16xi32>
    %lt3A_381 = arith.cmpi slt, %xor3A_378, %lt3A_380 : vector<16xi32>
    %add3A_382 = arith.constant 16 : i32
    %add3A_383 = vector.broadcast %add3A_382 : i32 to vector<16xi32>
    %add3A_384 = arith.addi %xor3A_378, %add3A_383 : vector<16xi32>
    %select_n3A_385 = arith.select %lt3A_381, %add3A_384, %xor3A_378 : vector<16xi1>, vector<16xi32>
    %broadcast_in_dim3A_386 = vector.shape_cast %select_n3A_385 : vector<16xi32> to vector<16x1xi32>
    %gather3A_387 = vector.shape_cast %broadcast_in_dim3A_386 : vector<16x1xi32> to vector<16xi32>
    %gather3A_388 = tpu.dynamic_gather %add3A_375[%gather3A_387] in [0] : vector<16xi32>, vector<16xi32> -> vector<16xi32>
    %add3A_389 = arith.addi %add3A_375, %gather3A_388 : vector<16xi32>
    %xor3A_390 = arith.constant 8 : i32
    %xor3A_391 = vector.broadcast %xor3A_390 : i32 to vector<16xi32>
    %xor3A_392 = arith.xori %iota3A, %xor3A_391 : vector<16xi32>
    %lt3A_393 = arith.constant 0 : i32
    %lt3A_394 = vector.broadcast %lt3A_393 : i32 to vector<16xi32>
    %lt3A_395 = arith.cmpi slt, %xor3A_392, %lt3A_394 : vector<16xi32>
    %add3A_396 = arith.constant 16 : i32
    %add3A_397 = vector.broadcast %add3A_396 : i32 to vector<16xi32>
    %add3A_398 = arith.addi %xor3A_392, %add3A_397 : vector<16xi32>
    %select_n3A_399 = arith.select %lt3A_395, %add3A_398, %xor3A_392 : vector<16xi1>, vector<16xi32>
    %broadcast_in_dim3A_400 = vector.shape_cast %select_n3A_399 : vector<16xi32> to vector<16x1xi32>
    %gather3A_401 = vector.shape_cast %broadcast_in_dim3A_400 : vector<16x1xi32> to vector<16xi32>
    %gather3A_402 = tpu.dynamic_gather %add3A_389[%gather3A_401] in [0] : vector<16xi32>, vector<16xi32> -> vector<16xi32>
    %add3A_403 = arith.addi %add3A_389, %gather3A_402 : vector<16xi32>
    %xor3A_404 = arith.constant 1 : i32
    %xor3A_405 = vector.broadcast %xor3A_404 : i32 to vector<16xi32>
    %xor3A_406 = arith.xori %iota3A, %xor3A_405 : vector<16xi32>
    %lt3A_407 = arith.constant 0 : i32
    %lt3A_408 = vector.broadcast %lt3A_407 : i32 to vector<16xi32>
    %lt3A_409 = arith.cmpi slt, %xor3A_406, %lt3A_408 : vector<16xi32>
    %add3A_410 = arith.constant 16 : i32
    %add3A_411 = vector.broadcast %add3A_410 : i32 to vector<16xi32>
    %add3A_412 = arith.addi %xor3A_406, %add3A_411 : vector<16xi32>
    %select_n3A_413 = arith.select %lt3A_409, %add3A_412, %xor3A_406 : vector<16xi1>, vector<16xi32>
    %broadcast_in_dim3A_414 = vector.shape_cast %select_n3A_413 : vector<16xi32> to vector<16x1xi32>
    %gather3A_415 = vector.shape_cast %broadcast_in_dim3A_414 : vector<16x1xi32> to vector<16xi32>
    %gather3A_416 = tpu.dynamic_gather %scan3A_122#5[%gather3A_415] in [0] : vector<16xi32>, vector<16xi32> -> vector<16xi32>
    %add3A_417 = arith.addi %scan3A_122#5, %gather3A_416 : vector<16xi32>
    %xor3A_418 = arith.constant 2 : i32
    %xor3A_419 = vector.broadcast %xor3A_418 : i32 to vector<16xi32>
    %xor3A_420 = arith.xori %iota3A, %xor3A_419 : vector<16xi32>
    %lt3A_421 = arith.constant 0 : i32
    %lt3A_422 = vector.broadcast %lt3A_421 : i32 to vector<16xi32>
    %lt3A_423 = arith.cmpi slt, %xor3A_420, %lt3A_422 : vector<16xi32>
    %add3A_424 = arith.constant 16 : i32
    %add3A_425 = vector.broadcast %add3A_424 : i32 to vector<16xi32>
    %add3A_426 = arith.addi %xor3A_420, %add3A_425 : vector<16xi32>
    %select_n3A_427 = arith.select %lt3A_423, %add3A_426, %xor3A_420 : vector<16xi1>, vector<16xi32>
    %broadcast_in_dim3A_428 = vector.shape_cast %select_n3A_427 : vector<16xi32> to vector<16x1xi32>
    %gather3A_429 = vector.shape_cast %broadcast_in_dim3A_428 : vector<16x1xi32> to vector<16xi32>
    %gather3A_430 = tpu.dynamic_gather %add3A_417[%gather3A_429] in [0] : vector<16xi32>, vector<16xi32> -> vector<16xi32>
    %add3A_431 = arith.addi %add3A_417, %gather3A_430 : vector<16xi32>
    %xor3A_432 = arith.constant 4 : i32
    %xor3A_433 = vector.broadcast %xor3A_432 : i32 to vector<16xi32>
    %xor3A_434 = arith.xori %iota3A, %xor3A_433 : vector<16xi32>
    %lt3A_435 = arith.constant 0 : i32
    %lt3A_436 = vector.broadcast %lt3A_435 : i32 to vector<16xi32>
    %lt3A_437 = arith.cmpi slt, %xor3A_434, %lt3A_436 : vector<16xi32>
    %add3A_438 = arith.constant 16 : i32
    %add3A_439 = vector.broadcast %add3A_438 : i32 to vector<16xi32>
    %add3A_440 = arith.addi %xor3A_434, %add3A_439 : vector<16xi32>
    %select_n3A_441 = arith.select %lt3A_437, %add3A_440, %xor3A_434 : vector<16xi1>, vector<16xi32>
    %broadcast_in_dim3A_442 = vector.shape_cast %select_n3A_441 : vector<16xi32> to vector<16x1xi32>
    %gather3A_443 = vector.shape_cast %broadcast_in_dim3A_442 : vector<16x1xi32> to vector<16xi32>
    %gather3A_444 = tpu.dynamic_gather %add3A_431[%gather3A_443] in [0] : vector<16xi32>, vector<16xi32> -> vector<16xi32>
    %add3A_445 = arith.addi %add3A_431, %gather3A_444 : vector<16xi32>
    %xor3A_446 = arith.constant 8 : i32
    %xor3A_447 = vector.broadcast %xor3A_446 : i32 to vector<16xi32>
    %xor3A_448 = arith.xori %iota3A, %xor3A_447 : vector<16xi32>
    %lt3A_449 = arith.constant 0 : i32
    %lt3A_450 = vector.broadcast %lt3A_449 : i32 to vector<16xi32>
    %lt3A_451 = arith.cmpi slt, %xor3A_448, %lt3A_450 : vector<16xi32>
    %add3A_452 = arith.constant 16 : i32
    %add3A_453 = vector.broadcast %add3A_452 : i32 to vector<16xi32>
    %add3A_454 = arith.addi %xor3A_448, %add3A_453 : vector<16xi32>
    %select_n3A_455 = arith.select %lt3A_451, %add3A_454, %xor3A_448 : vector<16xi1>, vector<16xi32>
    %broadcast_in_dim3A_456 = vector.shape_cast %select_n3A_455 : vector<16xi32> to vector<16x1xi32>
    %gather3A_457 = vector.shape_cast %broadcast_in_dim3A_456 : vector<16x1xi32> to vector<16xi32>
    %gather3A_458 = tpu.dynamic_gather %add3A_445[%gather3A_457] in [0] : vector<16xi32>, vector<16xi32> -> vector<16xi32>
    %add3A_459 = arith.addi %add3A_445, %gather3A_458 : vector<16xi32>
    %xor3A_460 = arith.constant 1 : i32
    %xor3A_461 = vector.broadcast %xor3A_460 : i32 to vector<16xi32>
    %xor3A_462 = arith.xori %iota3A, %xor3A_461 : vector<16xi32>
    %lt3A_463 = arith.constant 0 : i32
    %lt3A_464 = vector.broadcast %lt3A_463 : i32 to vector<16xi32>
    %lt3A_465 = arith.cmpi slt, %xor3A_462, %lt3A_464 : vector<16xi32>
    %add3A_466 = arith.constant 16 : i32
    %add3A_467 = vector.broadcast %add3A_466 : i32 to vector<16xi32>
    %add3A_468 = arith.addi %xor3A_462, %add3A_467 : vector<16xi32>
    %select_n3A_469 = arith.select %lt3A_465, %add3A_468, %xor3A_462 : vector<16xi1>, vector<16xi32>
    %broadcast_in_dim3A_470 = vector.shape_cast %select_n3A_469 : vector<16xi32> to vector<16x1xi32>
    %gather3A_471 = vector.shape_cast %broadcast_in_dim3A_470 : vector<16x1xi32> to vector<16xi32>
    %gather3A_472 = tpu.dynamic_gather %scan3A_122#6[%gather3A_471] in [0] : vector<16xi32>, vector<16xi32> -> vector<16xi32>
    %add3A_473 = arith.addi %scan3A_122#6, %gather3A_472 : vector<16xi32>
    %xor3A_474 = arith.constant 2 : i32
    %xor3A_475 = vector.broadcast %xor3A_474 : i32 to vector<16xi32>
    %xor3A_476 = arith.xori %iota3A, %xor3A_475 : vector<16xi32>
    %lt3A_477 = arith.constant 0 : i32
    %lt3A_478 = vector.broadcast %lt3A_477 : i32 to vector<16xi32>
    %lt3A_479 = arith.cmpi slt, %xor3A_476, %lt3A_478 : vector<16xi32>
    %add3A_480 = arith.constant 16 : i32
    %add3A_481 = vector.broadcast %add3A_480 : i32 to vector<16xi32>
    %add3A_482 = arith.addi %xor3A_476, %add3A_481 : vector<16xi32>
    %select_n3A_483 = arith.select %lt3A_479, %add3A_482, %xor3A_476 : vector<16xi1>, vector<16xi32>
    %broadcast_in_dim3A_484 = vector.shape_cast %select_n3A_483 : vector<16xi32> to vector<16x1xi32>
    %gather3A_485 = vector.shape_cast %broadcast_in_dim3A_484 : vector<16x1xi32> to vector<16xi32>
    %gather3A_486 = tpu.dynamic_gather %add3A_473[%gather3A_485] in [0] : vector<16xi32>, vector<16xi32> -> vector<16xi32>
    %add3A_487 = arith.addi %add3A_473, %gather3A_486 : vector<16xi32>
    %xor3A_488 = arith.constant 4 : i32
    %xor3A_489 = vector.broadcast %xor3A_488 : i32 to vector<16xi32>
    %xor3A_490 = arith.xori %iota3A, %xor3A_489 : vector<16xi32>
    %lt3A_491 = arith.constant 0 : i32
    %lt3A_492 = vector.broadcast %lt3A_491 : i32 to vector<16xi32>
    %lt3A_493 = arith.cmpi slt, %xor3A_490, %lt3A_492 : vector<16xi32>
    %add3A_494 = arith.constant 16 : i32
    %add3A_495 = vector.broadcast %add3A_494 : i32 to vector<16xi32>
    %add3A_496 = arith.addi %xor3A_490, %add3A_495 : vector<16xi32>
    %select_n3A_497 = arith.select %lt3A_493, %add3A_496, %xor3A_490 : vector<16xi1>, vector<16xi32>
    %broadcast_in_dim3A_498 = vector.shape_cast %select_n3A_497 : vector<16xi32> to vector<16x1xi32>
    %gather3A_499 = vector.shape_cast %broadcast_in_dim3A_498 : vector<16x1xi32> to vector<16xi32>
    %gather3A_500 = tpu.dynamic_gather %add3A_487[%gather3A_499] in [0] : vector<16xi32>, vector<16xi32> -> vector<16xi32>
    %add3A_501 = arith.addi %add3A_487, %gather3A_500 : vector<16xi32>
    %xor3A_502 = arith.constant 8 : i32
    %xor3A_503 = vector.broadcast %xor3A_502 : i32 to vector<16xi32>
    %xor3A_504 = arith.xori %iota3A, %xor3A_503 : vector<16xi32>
    %lt3A_505 = arith.constant 0 : i32
    %lt3A_506 = vector.broadcast %lt3A_505 : i32 to vector<16xi32>
    %lt3A_507 = arith.cmpi slt, %xor3A_504, %lt3A_506 : vector<16xi32>
    %add3A_508 = arith.constant 16 : i32
    %add3A_509 = vector.broadcast %add3A_508 : i32 to vector<16xi32>
    %add3A_510 = arith.addi %xor3A_504, %add3A_509 : vector<16xi32>
    %select_n3A_511 = arith.select %lt3A_507, %add3A_510, %xor3A_504 : vector<16xi1>, vector<16xi32>
    %broadcast_in_dim3A_512 = vector.shape_cast %select_n3A_511 : vector<16xi32> to vector<16x1xi32>
    %gather3A_513 = vector.shape_cast %broadcast_in_dim3A_512 : vector<16x1xi32> to vector<16xi32>
    %gather3A_514 = tpu.dynamic_gather %add3A_501[%gather3A_513] in [0] : vector<16xi32>, vector<16xi32> -> vector<16xi32>
    %add3A_515 = arith.addi %add3A_501, %gather3A_514 : vector<16xi32>
    %xor3A_516 = arith.constant 1 : i32
    %xor3A_517 = vector.broadcast %xor3A_516 : i32 to vector<16xi32>
    %xor3A_518 = arith.xori %iota3A, %xor3A_517 : vector<16xi32>
    %lt3A_519 = arith.constant 0 : i32
    %lt3A_520 = vector.broadcast %lt3A_519 : i32 to vector<16xi32>
    %lt3A_521 = arith.cmpi slt, %xor3A_518, %lt3A_520 : vector<16xi32>
    %add3A_522 = arith.constant 16 : i32
    %add3A_523 = vector.broadcast %add3A_522 : i32 to vector<16xi32>
    %add3A_524 = arith.addi %xor3A_518, %add3A_523 : vector<16xi32>
    %select_n3A_525 = arith.select %lt3A_521, %add3A_524, %xor3A_518 : vector<16xi1>, vector<16xi32>
    %broadcast_in_dim3A_526 = vector.shape_cast %select_n3A_525 : vector<16xi32> to vector<16x1xi32>
    %gather3A_527 = vector.shape_cast %broadcast_in_dim3A_526 : vector<16x1xi32> to vector<16xi32>
    %gather3A_528 = tpu.dynamic_gather %scan3A_122#7[%gather3A_527] in [0] : vector<16xi32>, vector<16xi32> -> vector<16xi32>
    %add3A_529 = arith.addi %scan3A_122#7, %gather3A_528 : vector<16xi32>
    %xor3A_530 = arith.constant 2 : i32
    %xor3A_531 = vector.broadcast %xor3A_530 : i32 to vector<16xi32>
    %xor3A_532 = arith.xori %iota3A, %xor3A_531 : vector<16xi32>
    %lt3A_533 = arith.constant 0 : i32
    %lt3A_534 = vector.broadcast %lt3A_533 : i32 to vector<16xi32>
    %lt3A_535 = arith.cmpi slt, %xor3A_532, %lt3A_534 : vector<16xi32>
    %add3A_536 = arith.constant 16 : i32
    %add3A_537 = vector.broadcast %add3A_536 : i32 to vector<16xi32>
    %add3A_538 = arith.addi %xor3A_532, %add3A_537 : vector<16xi32>
    %select_n3A_539 = arith.select %lt3A_535, %add3A_538, %xor3A_532 : vector<16xi1>, vector<16xi32>
    %broadcast_in_dim3A_540 = vector.shape_cast %select_n3A_539 : vector<16xi32> to vector<16x1xi32>
    %gather3A_541 = vector.shape_cast %broadcast_in_dim3A_540 : vector<16x1xi32> to vector<16xi32>
    %gather3A_542 = tpu.dynamic_gather %add3A_529[%gather3A_541] in [0] : vector<16xi32>, vector<16xi32> -> vector<16xi32>
    %add3A_543 = arith.addi %add3A_529, %gather3A_542 : vector<16xi32>
    %xor3A_544 = arith.constant 4 : i32
    %xor3A_545 = vector.broadcast %xor3A_544 : i32 to vector<16xi32>
    %xor3A_546 = arith.xori %iota3A, %xor3A_545 : vector<16xi32>
    %lt3A_547 = arith.constant 0 : i32
    %lt3A_548 = vector.broadcast %lt3A_547 : i32 to vector<16xi32>
    %lt3A_549 = arith.cmpi slt, %xor3A_546, %lt3A_548 : vector<16xi32>
    %add3A_550 = arith.constant 16 : i32
    %add3A_551 = vector.broadcast %add3A_550 : i32 to vector<16xi32>
    %add3A_552 = arith.addi %xor3A_546, %add3A_551 : vector<16xi32>
    %select_n3A_553 = arith.select %lt3A_549, %add3A_552, %xor3A_546 : vector<16xi1>, vector<16xi32>
    %broadcast_in_dim3A_554 = vector.shape_cast %select_n3A_553 : vector<16xi32> to vector<16x1xi32>
    %gather3A_555 = vector.shape_cast %broadcast_in_dim3A_554 : vector<16x1xi32> to vector<16xi32>
    %gather3A_556 = tpu.dynamic_gather %add3A_543[%gather3A_555] in [0] : vector<16xi32>, vector<16xi32> -> vector<16xi32>
    %add3A_557 = arith.addi %add3A_543, %gather3A_556 : vector<16xi32>
    %xor3A_558 = arith.constant 8 : i32
    %xor3A_559 = vector.broadcast %xor3A_558 : i32 to vector<16xi32>
    %xor3A_560 = arith.xori %iota3A, %xor3A_559 : vector<16xi32>
    %lt3A_561 = arith.constant 0 : i32
    %lt3A_562 = vector.broadcast %lt3A_561 : i32 to vector<16xi32>
    %lt3A_563 = arith.cmpi slt, %xor3A_560, %lt3A_562 : vector<16xi32>
    %add3A_564 = arith.constant 16 : i32
    %add3A_565 = vector.broadcast %add3A_564 : i32 to vector<16xi32>
    %add3A_566 = arith.addi %xor3A_560, %add3A_565 : vector<16xi32>
    %select_n3A_567 = arith.select %lt3A_563, %add3A_566, %xor3A_560 : vector<16xi1>, vector<16xi32>
    %broadcast_in_dim3A_568 = vector.shape_cast %select_n3A_567 : vector<16xi32> to vector<16x1xi32>
    %gather3A_569 = vector.shape_cast %broadcast_in_dim3A_568 : vector<16x1xi32> to vector<16xi32>
    %gather3A_570 = tpu.dynamic_gather %add3A_557[%gather3A_569] in [0] : vector<16xi32>, vector<16xi32> -> vector<16xi32>
    %add3A_571 = arith.addi %add3A_557, %gather3A_570 : vector<16xi32>
    %xor3A_572 = arith.constant 1 : i32
    %xor3A_573 = vector.broadcast %xor3A_572 : i32 to vector<16xi32>
    %xor3A_574 = arith.xori %iota3A, %xor3A_573 : vector<16xi32>
    %lt3A_575 = arith.constant 0 : i32
    %lt3A_576 = vector.broadcast %lt3A_575 : i32 to vector<16xi32>
    %lt3A_577 = arith.cmpi slt, %xor3A_574, %lt3A_576 : vector<16xi32>
    %add3A_578 = arith.constant 16 : i32
    %add3A_579 = vector.broadcast %add3A_578 : i32 to vector<16xi32>
    %add3A_580 = arith.addi %xor3A_574, %add3A_579 : vector<16xi32>
    %select_n3A_581 = arith.select %lt3A_577, %add3A_580, %xor3A_574 : vector<16xi1>, vector<16xi32>
    %broadcast_in_dim3A_582 = vector.shape_cast %select_n3A_581 : vector<16xi32> to vector<16x1xi32>
    %gather3A_583 = vector.shape_cast %broadcast_in_dim3A_582 : vector<16x1xi32> to vector<16xi32>
    %gather3A_584 = tpu.dynamic_gather %scan3A_122#8[%gather3A_583] in [0] : vector<16xi32>, vector<16xi32> -> vector<16xi32>
    %add3A_585 = arith.addi %scan3A_122#8, %gather3A_584 : vector<16xi32>
    %xor3A_586 = arith.constant 2 : i32
    %xor3A_587 = vector.broadcast %xor3A_586 : i32 to vector<16xi32>
    %xor3A_588 = arith.xori %iota3A, %xor3A_587 : vector<16xi32>
    %lt3A_589 = arith.constant 0 : i32
    %lt3A_590 = vector.broadcast %lt3A_589 : i32 to vector<16xi32>
    %lt3A_591 = arith.cmpi slt, %xor3A_588, %lt3A_590 : vector<16xi32>
    %add3A_592 = arith.constant 16 : i32
    %add3A_593 = vector.broadcast %add3A_592 : i32 to vector<16xi32>
    %add3A_594 = arith.addi %xor3A_588, %add3A_593 : vector<16xi32>
    %select_n3A_595 = arith.select %lt3A_591, %add3A_594, %xor3A_588 : vector<16xi1>, vector<16xi32>
    %broadcast_in_dim3A_596 = vector.shape_cast %select_n3A_595 : vector<16xi32> to vector<16x1xi32>
    %gather3A_597 = vector.shape_cast %broadcast_in_dim3A_596 : vector<16x1xi32> to vector<16xi32>
    %gather3A_598 = tpu.dynamic_gather %add3A_585[%gather3A_597] in [0] : vector<16xi32>, vector<16xi32> -> vector<16xi32>
    %add3A_599 = arith.addi %add3A_585, %gather3A_598 : vector<16xi32>
    %xor3A_600 = arith.constant 4 : i32
    %xor3A_601 = vector.broadcast %xor3A_600 : i32 to vector<16xi32>
    %xor3A_602 = arith.xori %iota3A, %xor3A_601 : vector<16xi32>
    %lt3A_603 = arith.constant 0 : i32
    %lt3A_604 = vector.broadcast %lt3A_603 : i32 to vector<16xi32>
    %lt3A_605 = arith.cmpi slt, %xor3A_602, %lt3A_604 : vector<16xi32>
    %add3A_606 = arith.constant 16 : i32
    %add3A_607 = vector.broadcast %add3A_606 : i32 to vector<16xi32>
    %add3A_608 = arith.addi %xor3A_602, %add3A_607 : vector<16xi32>
    %select_n3A_609 = arith.select %lt3A_605, %add3A_608, %xor3A_602 : vector<16xi1>, vector<16xi32>
    %broadcast_in_dim3A_610 = vector.shape_cast %select_n3A_609 : vector<16xi32> to vector<16x1xi32>
    %gather3A_611 = vector.shape_cast %broadcast_in_dim3A_610 : vector<16x1xi32> to vector<16xi32>
    %gather3A_612 = tpu.dynamic_gather %add3A_599[%gather3A_611] in [0] : vector<16xi32>, vector<16xi32> -> vector<16xi32>
    %add3A_613 = arith.addi %add3A_599, %gather3A_612 : vector<16xi32>
    %xor3A_614 = arith.constant 8 : i32
    %xor3A_615 = vector.broadcast %xor3A_614 : i32 to vector<16xi32>
    %xor3A_616 = arith.xori %iota3A, %xor3A_615 : vector<16xi32>
    %lt3A_617 = arith.constant 0 : i32
    %lt3A_618 = vector.broadcast %lt3A_617 : i32 to vector<16xi32>
    %lt3A_619 = arith.cmpi slt, %xor3A_616, %lt3A_618 : vector<16xi32>
    %add3A_620 = arith.constant 16 : i32
    %add3A_621 = vector.broadcast %add3A_620 : i32 to vector<16xi32>
    %add3A_622 = arith.addi %xor3A_616, %add3A_621 : vector<16xi32>
    %select_n3A_623 = arith.select %lt3A_619, %add3A_622, %xor3A_616 : vector<16xi1>, vector<16xi32>
    %broadcast_in_dim3A_624 = vector.shape_cast %select_n3A_623 : vector<16xi32> to vector<16x1xi32>
    %gather3A_625 = vector.shape_cast %broadcast_in_dim3A_624 : vector<16x1xi32> to vector<16xi32>
    %gather3A_626 = tpu.dynamic_gather %add3A_613[%gather3A_625] in [0] : vector<16xi32>, vector<16xi32> -> vector<16xi32>
    %add3A_627 = arith.addi %add3A_613, %gather3A_626 : vector<16xi32>
    %xor3A_628 = arith.constant 1 : i32
    %xor3A_629 = vector.broadcast %xor3A_628 : i32 to vector<16xi32>
    %xor3A_630 = arith.xori %iota3A, %xor3A_629 : vector<16xi32>
    %lt3A_631 = arith.constant 0 : i32
    %lt3A_632 = vector.broadcast %lt3A_631 : i32 to vector<16xi32>
    %lt3A_633 = arith.cmpi slt, %xor3A_630, %lt3A_632 : vector<16xi32>
    %add3A_634 = arith.constant 16 : i32
    %add3A_635 = vector.broadcast %add3A_634 : i32 to vector<16xi32>
    %add3A_636 = arith.addi %xor3A_630, %add3A_635 : vector<16xi32>
    %select_n3A_637 = arith.select %lt3A_633, %add3A_636, %xor3A_630 : vector<16xi1>, vector<16xi32>
    %broadcast_in_dim3A_638 = vector.shape_cast %select_n3A_637 : vector<16xi32> to vector<16x1xi32>
    %gather3A_639 = vector.shape_cast %broadcast_in_dim3A_638 : vector<16x1xi32> to vector<16xi32>
    %gather3A_640 = tpu.dynamic_gather %scan3A_122#9[%gather3A_639] in [0] : vector<16xi32>, vector<16xi32> -> vector<16xi32>
    %add3A_641 = arith.addi %scan3A_122#9, %gather3A_640 : vector<16xi32>
    %xor3A_642 = arith.constant 2 : i32
    %xor3A_643 = vector.broadcast %xor3A_642 : i32 to vector<16xi32>
    %xor3A_644 = arith.xori %iota3A, %xor3A_643 : vector<16xi32>
    %lt3A_645 = arith.constant 0 : i32
    %lt3A_646 = vector.broadcast %lt3A_645 : i32 to vector<16xi32>
    %lt3A_647 = arith.cmpi slt, %xor3A_644, %lt3A_646 : vector<16xi32>
    %add3A_648 = arith.constant 16 : i32
    %add3A_649 = vector.broadcast %add3A_648 : i32 to vector<16xi32>
    %add3A_650 = arith.addi %xor3A_644, %add3A_649 : vector<16xi32>
    %select_n3A_651 = arith.select %lt3A_647, %add3A_650, %xor3A_644 : vector<16xi1>, vector<16xi32>
    %broadcast_in_dim3A_652 = vector.shape_cast %select_n3A_651 : vector<16xi32> to vector<16x1xi32>
    %gather3A_653 = vector.shape_cast %broadcast_in_dim3A_652 : vector<16x1xi32> to vector<16xi32>
    %gather3A_654 = tpu.dynamic_gather %add3A_641[%gather3A_653] in [0] : vector<16xi32>, vector<16xi32> -> vector<16xi32>
    %add3A_655 = arith.addi %add3A_641, %gather3A_654 : vector<16xi32>
    %xor3A_656 = arith.constant 4 : i32
    %xor3A_657 = vector.broadcast %xor3A_656 : i32 to vector<16xi32>
    %xor3A_658 = arith.xori %iota3A, %xor3A_657 : vector<16xi32>
    %lt3A_659 = arith.constant 0 : i32
    %lt3A_660 = vector.broadcast %lt3A_659 : i32 to vector<16xi32>
    %lt3A_661 = arith.cmpi slt, %xor3A_658, %lt3A_660 : vector<16xi32>
    %add3A_662 = arith.constant 16 : i32
    %add3A_663 = vector.broadcast %add3A_662 : i32 to vector<16xi32>
    %add3A_664 = arith.addi %xor3A_658, %add3A_663 : vector<16xi32>
    %select_n3A_665 = arith.select %lt3A_661, %add3A_664, %xor3A_658 : vector<16xi1>, vector<16xi32>
    %broadcast_in_dim3A_666 = vector.shape_cast %select_n3A_665 : vector<16xi32> to vector<16x1xi32>
    %gather3A_667 = vector.shape_cast %broadcast_in_dim3A_666 : vector<16x1xi32> to vector<16xi32>
    %gather3A_668 = tpu.dynamic_gather %add3A_655[%gather3A_667] in [0] : vector<16xi32>, vector<16xi32> -> vector<16xi32>
    %add3A_669 = arith.addi %add3A_655, %gather3A_668 : vector<16xi32>
    %xor3A_670 = arith.constant 8 : i32
    %xor3A_671 = vector.broadcast %xor3A_670 : i32 to vector<16xi32>
    %xor3A_672 = arith.xori %iota3A, %xor3A_671 : vector<16xi32>
    %lt3A_673 = arith.constant 0 : i32
    %lt3A_674 = vector.broadcast %lt3A_673 : i32 to vector<16xi32>
    %lt3A_675 = arith.cmpi slt, %xor3A_672, %lt3A_674 : vector<16xi32>
    %add3A_676 = arith.constant 16 : i32
    %add3A_677 = vector.broadcast %add3A_676 : i32 to vector<16xi32>
    %add3A_678 = arith.addi %xor3A_672, %add3A_677 : vector<16xi32>
    %select_n3A_679 = arith.select %lt3A_675, %add3A_678, %xor3A_672 : vector<16xi1>, vector<16xi32>
    %broadcast_in_dim3A_680 = vector.shape_cast %select_n3A_679 : vector<16xi32> to vector<16x1xi32>
    %gather3A_681 = vector.shape_cast %broadcast_in_dim3A_680 : vector<16x1xi32> to vector<16xi32>
    %gather3A_682 = tpu.dynamic_gather %add3A_669[%gather3A_681] in [0] : vector<16xi32>, vector<16xi32> -> vector<16xi32>
    %add3A_683 = arith.addi %add3A_669, %gather3A_682 : vector<16xi32>
    %xor3A_684 = arith.constant 1 : i32
    %xor3A_685 = vector.broadcast %xor3A_684 : i32 to vector<16xi32>
    %xor3A_686 = arith.xori %iota3A, %xor3A_685 : vector<16xi32>
    %lt3A_687 = arith.constant 0 : i32
    %lt3A_688 = vector.broadcast %lt3A_687 : i32 to vector<16xi32>
    %lt3A_689 = arith.cmpi slt, %xor3A_686, %lt3A_688 : vector<16xi32>
    %add3A_690 = arith.constant 16 : i32
    %add3A_691 = vector.broadcast %add3A_690 : i32 to vector<16xi32>
    %add3A_692 = arith.addi %xor3A_686, %add3A_691 : vector<16xi32>
    %select_n3A_693 = arith.select %lt3A_689, %add3A_692, %xor3A_686 : vector<16xi1>, vector<16xi32>
    %broadcast_in_dim3A_694 = vector.shape_cast %select_n3A_693 : vector<16xi32> to vector<16x1xi32>
    %gather3A_695 = vector.shape_cast %broadcast_in_dim3A_694 : vector<16x1xi32> to vector<16xi32>
    %gather3A_696 = tpu.dynamic_gather %scan3A_122#10[%gather3A_695] in [0] : vector<16xi32>, vector<16xi32> -> vector<16xi32>
    %add3A_697 = arith.addi %scan3A_122#10, %gather3A_696 : vector<16xi32>
    %xor3A_698 = arith.constant 2 : i32
    %xor3A_699 = vector.broadcast %xor3A_698 : i32 to vector<16xi32>
    %xor3A_700 = arith.xori %iota3A, %xor3A_699 : vector<16xi32>
    %lt3A_701 = arith.constant 0 : i32
    %lt3A_702 = vector.broadcast %lt3A_701 : i32 to vector<16xi32>
    %lt3A_703 = arith.cmpi slt, %xor3A_700, %lt3A_702 : vector<16xi32>
    %add3A_704 = arith.constant 16 : i32
    %add3A_705 = vector.broadcast %add3A_704 : i32 to vector<16xi32>
    %add3A_706 = arith.addi %xor3A_700, %add3A_705 : vector<16xi32>
    %select_n3A_707 = arith.select %lt3A_703, %add3A_706, %xor3A_700 : vector<16xi1>, vector<16xi32>
    %broadcast_in_dim3A_708 = vector.shape_cast %select_n3A_707 : vector<16xi32> to vector<16x1xi32>
    %gather3A_709 = vector.shape_cast %broadcast_in_dim3A_708 : vector<16x1xi32> to vector<16xi32>
    %gather3A_710 = tpu.dynamic_gather %add3A_697[%gather3A_709] in [0] : vector<16xi32>, vector<16xi32> -> vector<16xi32>
    %add3A_711 = arith.addi %add3A_697, %gather3A_710 : vector<16xi32>
    %xor3A_712 = arith.constant 4 : i32
    %xor3A_713 = vector.broadcast %xor3A_712 : i32 to vector<16xi32>
    %xor3A_714 = arith.xori %iota3A, %xor3A_713 : vector<16xi32>
    %lt3A_715 = arith.constant 0 : i32
    %lt3A_716 = vector.broadcast %lt3A_715 : i32 to vector<16xi32>
    %lt3A_717 = arith.cmpi slt, %xor3A_714, %lt3A_716 : vector<16xi32>
    %add3A_718 = arith.constant 16 : i32
    %add3A_719 = vector.broadcast %add3A_718 : i32 to vector<16xi32>
    %add3A_720 = arith.addi %xor3A_714, %add3A_719 : vector<16xi32>
    %select_n3A_721 = arith.select %lt3A_717, %add3A_720, %xor3A_714 : vector<16xi1>, vector<16xi32>
    %broadcast_in_dim3A_722 = vector.shape_cast %select_n3A_721 : vector<16xi32> to vector<16x1xi32>
    %gather3A_723 = vector.shape_cast %broadcast_in_dim3A_722 : vector<16x1xi32> to vector<16xi32>
    %gather3A_724 = tpu.dynamic_gather %add3A_711[%gather3A_723] in [0] : vector<16xi32>, vector<16xi32> -> vector<16xi32>
    %add3A_725 = arith.addi %add3A_711, %gather3A_724 : vector<16xi32>
    %xor3A_726 = arith.constant 8 : i32
    %xor3A_727 = vector.broadcast %xor3A_726 : i32 to vector<16xi32>
    %xor3A_728 = arith.xori %iota3A, %xor3A_727 : vector<16xi32>
    %lt3A_729 = arith.constant 0 : i32
    %lt3A_730 = vector.broadcast %lt3A_729 : i32 to vector<16xi32>
    %lt3A_731 = arith.cmpi slt, %xor3A_728, %lt3A_730 : vector<16xi32>
    %add3A_732 = arith.constant 16 : i32
    %add3A_733 = vector.broadcast %add3A_732 : i32 to vector<16xi32>
    %add3A_734 = arith.addi %xor3A_728, %add3A_733 : vector<16xi32>
    %select_n3A_735 = arith.select %lt3A_731, %add3A_734, %xor3A_728 : vector<16xi1>, vector<16xi32>
    %broadcast_in_dim3A_736 = vector.shape_cast %select_n3A_735 : vector<16xi32> to vector<16x1xi32>
    %gather3A_737 = vector.shape_cast %broadcast_in_dim3A_736 : vector<16x1xi32> to vector<16xi32>
    %gather3A_738 = tpu.dynamic_gather %add3A_725[%gather3A_737] in [0] : vector<16xi32>, vector<16xi32> -> vector<16xi32>
    %add3A_739 = arith.addi %add3A_725, %gather3A_738 : vector<16xi32>
    %xor3A_740 = arith.constant 1 : i32
    %xor3A_741 = vector.broadcast %xor3A_740 : i32 to vector<16xi32>
    %xor3A_742 = arith.xori %iota3A, %xor3A_741 : vector<16xi32>
    %lt3A_743 = arith.constant 0 : i32
    %lt3A_744 = vector.broadcast %lt3A_743 : i32 to vector<16xi32>
    %lt3A_745 = arith.cmpi slt, %xor3A_742, %lt3A_744 : vector<16xi32>
    %add3A_746 = arith.constant 16 : i32
    %add3A_747 = vector.broadcast %add3A_746 : i32 to vector<16xi32>
    %add3A_748 = arith.addi %xor3A_742, %add3A_747 : vector<16xi32>
    %select_n3A_749 = arith.select %lt3A_745, %add3A_748, %xor3A_742 : vector<16xi1>, vector<16xi32>
    %broadcast_in_dim3A_750 = vector.shape_cast %select_n3A_749 : vector<16xi32> to vector<16x1xi32>
    %gather3A_751 = vector.shape_cast %broadcast_in_dim3A_750 : vector<16x1xi32> to vector<16xi32>
    %gather3A_752 = tpu.dynamic_gather %scan3A_122#11[%gather3A_751] in [0] : vector<16xi32>, vector<16xi32> -> vector<16xi32>
    %add3A_753 = arith.addi %scan3A_122#11, %gather3A_752 : vector<16xi32>
    %xor3A_754 = arith.constant 2 : i32
    %xor3A_755 = vector.broadcast %xor3A_754 : i32 to vector<16xi32>
    %xor3A_756 = arith.xori %iota3A, %xor3A_755 : vector<16xi32>
    %lt3A_757 = arith.constant 0 : i32
    %lt3A_758 = vector.broadcast %lt3A_757 : i32 to vector<16xi32>
    %lt3A_759 = arith.cmpi slt, %xor3A_756, %lt3A_758 : vector<16xi32>
    %add3A_760 = arith.constant 16 : i32
    %add3A_761 = vector.broadcast %add3A_760 : i32 to vector<16xi32>
    %add3A_762 = arith.addi %xor3A_756, %add3A_761 : vector<16xi32>
    %select_n3A_763 = arith.select %lt3A_759, %add3A_762, %xor3A_756 : vector<16xi1>, vector<16xi32>
    %broadcast_in_dim3A_764 = vector.shape_cast %select_n3A_763 : vector<16xi32> to vector<16x1xi32>
    %gather3A_765 = vector.shape_cast %broadcast_in_dim3A_764 : vector<16x1xi32> to vector<16xi32>
    %gather3A_766 = tpu.dynamic_gather %add3A_753[%gather3A_765] in [0] : vector<16xi32>, vector<16xi32> -> vector<16xi32>
    %add3A_767 = arith.addi %add3A_753, %gather3A_766 : vector<16xi32>
    %xor3A_768 = arith.constant 4 : i32
    %xor3A_769 = vector.broadcast %xor3A_768 : i32 to vector<16xi32>
    %xor3A_770 = arith.xori %iota3A, %xor3A_769 : vector<16xi32>
    %lt3A_771 = arith.constant 0 : i32
    %lt3A_772 = vector.broadcast %lt3A_771 : i32 to vector<16xi32>
    %lt3A_773 = arith.cmpi slt, %xor3A_770, %lt3A_772 : vector<16xi32>
    %add3A_774 = arith.constant 16 : i32
    %add3A_775 = vector.broadcast %add3A_774 : i32 to vector<16xi32>
    %add3A_776 = arith.addi %xor3A_770, %add3A_775 : vector<16xi32>
    %select_n3A_777 = arith.select %lt3A_773, %add3A_776, %xor3A_770 : vector<16xi1>, vector<16xi32>
    %broadcast_in_dim3A_778 = vector.shape_cast %select_n3A_777 : vector<16xi32> to vector<16x1xi32>
    %gather3A_779 = vector.shape_cast %broadcast_in_dim3A_778 : vector<16x1xi32> to vector<16xi32>
    %gather3A_780 = tpu.dynamic_gather %add3A_767[%gather3A_779] in [0] : vector<16xi32>, vector<16xi32> -> vector<16xi32>
    %add3A_781 = arith.addi %add3A_767, %gather3A_780 : vector<16xi32>
    %xor3A_782 = arith.constant 8 : i32
    %xor3A_783 = vector.broadcast %xor3A_782 : i32 to vector<16xi32>
    %xor3A_784 = arith.xori %iota3A, %xor3A_783 : vector<16xi32>
    %lt3A_785 = arith.constant 0 : i32
    %lt3A_786 = vector.broadcast %lt3A_785 : i32 to vector<16xi32>
    %lt3A_787 = arith.cmpi slt, %xor3A_784, %lt3A_786 : vector<16xi32>
    %add3A_788 = arith.constant 16 : i32
    %add3A_789 = vector.broadcast %add3A_788 : i32 to vector<16xi32>
    %add3A_790 = arith.addi %xor3A_784, %add3A_789 : vector<16xi32>
    %select_n3A_791 = arith.select %lt3A_787, %add3A_790, %xor3A_784 : vector<16xi1>, vector<16xi32>
    %broadcast_in_dim3A_792 = vector.shape_cast %select_n3A_791 : vector<16xi32> to vector<16x1xi32>
    %gather3A_793 = vector.shape_cast %broadcast_in_dim3A_792 : vector<16x1xi32> to vector<16xi32>
    %gather3A_794 = tpu.dynamic_gather %add3A_781[%gather3A_793] in [0] : vector<16xi32>, vector<16xi32> -> vector<16xi32>
    %add3A_795 = arith.addi %add3A_781, %gather3A_794 : vector<16xi32>
    %xor3A_796 = arith.constant 1 : i32
    %xor3A_797 = vector.broadcast %xor3A_796 : i32 to vector<16xi32>
    %xor3A_798 = arith.xori %iota3A, %xor3A_797 : vector<16xi32>
    %lt3A_799 = arith.constant 0 : i32
    %lt3A_800 = vector.broadcast %lt3A_799 : i32 to vector<16xi32>
    %lt3A_801 = arith.cmpi slt, %xor3A_798, %lt3A_800 : vector<16xi32>
    %add3A_802 = arith.constant 16 : i32
    %add3A_803 = vector.broadcast %add3A_802 : i32 to vector<16xi32>
    %add3A_804 = arith.addi %xor3A_798, %add3A_803 : vector<16xi32>
    %select_n3A_805 = arith.select %lt3A_801, %add3A_804, %xor3A_798 : vector<16xi1>, vector<16xi32>
    %broadcast_in_dim3A_806 = vector.shape_cast %select_n3A_805 : vector<16xi32> to vector<16x1xi32>
    %gather3A_807 = vector.shape_cast %broadcast_in_dim3A_806 : vector<16x1xi32> to vector<16xi32>
    %gather3A_808 = tpu.dynamic_gather %scan3A_122#12[%gather3A_807] in [0] : vector<16xi32>, vector<16xi32> -> vector<16xi32>
    %add3A_809 = arith.addi %scan3A_122#12, %gather3A_808 : vector<16xi32>
    %xor3A_810 = arith.constant 2 : i32
    %xor3A_811 = vector.broadcast %xor3A_810 : i32 to vector<16xi32>
    %xor3A_812 = arith.xori %iota3A, %xor3A_811 : vector<16xi32>
    %lt3A_813 = arith.constant 0 : i32
    %lt3A_814 = vector.broadcast %lt3A_813 : i32 to vector<16xi32>
    %lt3A_815 = arith.cmpi slt, %xor3A_812, %lt3A_814 : vector<16xi32>
    %add3A_816 = arith.constant 16 : i32
    %add3A_817 = vector.broadcast %add3A_816 : i32 to vector<16xi32>
    %add3A_818 = arith.addi %xor3A_812, %add3A_817 : vector<16xi32>
    %select_n3A_819 = arith.select %lt3A_815, %add3A_818, %xor3A_812 : vector<16xi1>, vector<16xi32>
    %broadcast_in_dim3A_820 = vector.shape_cast %select_n3A_819 : vector<16xi32> to vector<16x1xi32>
    %gather3A_821 = vector.shape_cast %broadcast_in_dim3A_820 : vector<16x1xi32> to vector<16xi32>
    %gather3A_822 = tpu.dynamic_gather %add3A_809[%gather3A_821] in [0] : vector<16xi32>, vector<16xi32> -> vector<16xi32>
    %add3A_823 = arith.addi %add3A_809, %gather3A_822 : vector<16xi32>
    %xor3A_824 = arith.constant 4 : i32
    %xor3A_825 = vector.broadcast %xor3A_824 : i32 to vector<16xi32>
    %xor3A_826 = arith.xori %iota3A, %xor3A_825 : vector<16xi32>
    %lt3A_827 = arith.constant 0 : i32
    %lt3A_828 = vector.broadcast %lt3A_827 : i32 to vector<16xi32>
    %lt3A_829 = arith.cmpi slt, %xor3A_826, %lt3A_828 : vector<16xi32>
    %add3A_830 = arith.constant 16 : i32
    %add3A_831 = vector.broadcast %add3A_830 : i32 to vector<16xi32>
    %add3A_832 = arith.addi %xor3A_826, %add3A_831 : vector<16xi32>
    %select_n3A_833 = arith.select %lt3A_829, %add3A_832, %xor3A_826 : vector<16xi1>, vector<16xi32>
    %broadcast_in_dim3A_834 = vector.shape_cast %select_n3A_833 : vector<16xi32> to vector<16x1xi32>
    %gather3A_835 = vector.shape_cast %broadcast_in_dim3A_834 : vector<16x1xi32> to vector<16xi32>
    %gather3A_836 = tpu.dynamic_gather %add3A_823[%gather3A_835] in [0] : vector<16xi32>, vector<16xi32> -> vector<16xi32>
    %add3A_837 = arith.addi %add3A_823, %gather3A_836 : vector<16xi32>
    %xor3A_838 = arith.constant 8 : i32
    %xor3A_839 = vector.broadcast %xor3A_838 : i32 to vector<16xi32>
    %xor3A_840 = arith.xori %iota3A, %xor3A_839 : vector<16xi32>
    %lt3A_841 = arith.constant 0 : i32
    %lt3A_842 = vector.broadcast %lt3A_841 : i32 to vector<16xi32>
    %lt3A_843 = arith.cmpi slt, %xor3A_840, %lt3A_842 : vector<16xi32>
    %add3A_844 = arith.constant 16 : i32
    %add3A_845 = vector.broadcast %add3A_844 : i32 to vector<16xi32>
    %add3A_846 = arith.addi %xor3A_840, %add3A_845 : vector<16xi32>
    %select_n3A_847 = arith.select %lt3A_843, %add3A_846, %xor3A_840 : vector<16xi1>, vector<16xi32>
    %broadcast_in_dim3A_848 = vector.shape_cast %select_n3A_847 : vector<16xi32> to vector<16x1xi32>
    %gather3A_849 = vector.shape_cast %broadcast_in_dim3A_848 : vector<16x1xi32> to vector<16xi32>
    %gather3A_850 = tpu.dynamic_gather %add3A_837[%gather3A_849] in [0] : vector<16xi32>, vector<16xi32> -> vector<16xi32>
    %add3A_851 = arith.addi %add3A_837, %gather3A_850 : vector<16xi32>
    %xor3A_852 = arith.constant 1 : i32
    %xor3A_853 = vector.broadcast %xor3A_852 : i32 to vector<16xi32>
    %xor3A_854 = arith.xori %iota3A, %xor3A_853 : vector<16xi32>
    %lt3A_855 = arith.constant 0 : i32
    %lt3A_856 = vector.broadcast %lt3A_855 : i32 to vector<16xi32>
    %lt3A_857 = arith.cmpi slt, %xor3A_854, %lt3A_856 : vector<16xi32>
    %add3A_858 = arith.constant 16 : i32
    %add3A_859 = vector.broadcast %add3A_858 : i32 to vector<16xi32>
    %add3A_860 = arith.addi %xor3A_854, %add3A_859 : vector<16xi32>
    %select_n3A_861 = arith.select %lt3A_857, %add3A_860, %xor3A_854 : vector<16xi1>, vector<16xi32>
    %broadcast_in_dim3A_862 = vector.shape_cast %select_n3A_861 : vector<16xi32> to vector<16x1xi32>
    %gather3A_863 = vector.shape_cast %broadcast_in_dim3A_862 : vector<16x1xi32> to vector<16xi32>
    %gather3A_864 = tpu.dynamic_gather %scan3A_122#13[%gather3A_863] in [0] : vector<16xi32>, vector<16xi32> -> vector<16xi32>
    %add3A_865 = arith.addi %scan3A_122#13, %gather3A_864 : vector<16xi32>
    %xor3A_866 = arith.constant 2 : i32
    %xor3A_867 = vector.broadcast %xor3A_866 : i32 to vector<16xi32>
    %xor3A_868 = arith.xori %iota3A, %xor3A_867 : vector<16xi32>
    %lt3A_869 = arith.constant 0 : i32
    %lt3A_870 = vector.broadcast %lt3A_869 : i32 to vector<16xi32>
    %lt3A_871 = arith.cmpi slt, %xor3A_868, %lt3A_870 : vector<16xi32>
    %add3A_872 = arith.constant 16 : i32
    %add3A_873 = vector.broadcast %add3A_872 : i32 to vector<16xi32>
    %add3A_874 = arith.addi %xor3A_868, %add3A_873 : vector<16xi32>
    %select_n3A_875 = arith.select %lt3A_871, %add3A_874, %xor3A_868 : vector<16xi1>, vector<16xi32>
    %broadcast_in_dim3A_876 = vector.shape_cast %select_n3A_875 : vector<16xi32> to vector<16x1xi32>
    %gather3A_877 = vector.shape_cast %broadcast_in_dim3A_876 : vector<16x1xi32> to vector<16xi32>
    %gather3A_878 = tpu.dynamic_gather %add3A_865[%gather3A_877] in [0] : vector<16xi32>, vector<16xi32> -> vector<16xi32>
    %add3A_879 = arith.addi %add3A_865, %gather3A_878 : vector<16xi32>
    %xor3A_880 = arith.constant 4 : i32
    %xor3A_881 = vector.broadcast %xor3A_880 : i32 to vector<16xi32>
    %xor3A_882 = arith.xori %iota3A, %xor3A_881 : vector<16xi32>
    %lt3A_883 = arith.constant 0 : i32
    %lt3A_884 = vector.broadcast %lt3A_883 : i32 to vector<16xi32>
    %lt3A_885 = arith.cmpi slt, %xor3A_882, %lt3A_884 : vector<16xi32>
    %add3A_886 = arith.constant 16 : i32
    %add3A_887 = vector.broadcast %add3A_886 : i32 to vector<16xi32>
    %add3A_888 = arith.addi %xor3A_882, %add3A_887 : vector<16xi32>
    %select_n3A_889 = arith.select %lt3A_885, %add3A_888, %xor3A_882 : vector<16xi1>, vector<16xi32>
    %broadcast_in_dim3A_890 = vector.shape_cast %select_n3A_889 : vector<16xi32> to vector<16x1xi32>
    %gather3A_891 = vector.shape_cast %broadcast_in_dim3A_890 : vector<16x1xi32> to vector<16xi32>
    %gather3A_892 = tpu.dynamic_gather %add3A_879[%gather3A_891] in [0] : vector<16xi32>, vector<16xi32> -> vector<16xi32>
    %add3A_893 = arith.addi %add3A_879, %gather3A_892 : vector<16xi32>
    %xor3A_894 = arith.constant 8 : i32
    %xor3A_895 = vector.broadcast %xor3A_894 : i32 to vector<16xi32>
    %xor3A_896 = arith.xori %iota3A, %xor3A_895 : vector<16xi32>
    %lt3A_897 = arith.constant 0 : i32
    %lt3A_898 = vector.broadcast %lt3A_897 : i32 to vector<16xi32>
    %lt3A_899 = arith.cmpi slt, %xor3A_896, %lt3A_898 : vector<16xi32>
    %add3A_900 = arith.constant 16 : i32
    %add3A_901 = vector.broadcast %add3A_900 : i32 to vector<16xi32>
    %add3A_902 = arith.addi %xor3A_896, %add3A_901 : vector<16xi32>
    %select_n3A_903 = arith.select %lt3A_899, %add3A_902, %xor3A_896 : vector<16xi1>, vector<16xi32>
    %broadcast_in_dim3A_904 = vector.shape_cast %select_n3A_903 : vector<16xi32> to vector<16x1xi32>
    %gather3A_905 = vector.shape_cast %broadcast_in_dim3A_904 : vector<16x1xi32> to vector<16xi32>
    %gather3A_906 = tpu.dynamic_gather %add3A_893[%gather3A_905] in [0] : vector<16xi32>, vector<16xi32> -> vector<16xi32>
    %add3A_907 = arith.addi %add3A_893, %gather3A_906 : vector<16xi32>
    %xor3A_908 = arith.constant 1 : i32
    %xor3A_909 = vector.broadcast %xor3A_908 : i32 to vector<16xi32>
    %xor3A_910 = arith.xori %iota3A, %xor3A_909 : vector<16xi32>
    %lt3A_911 = arith.constant 0 : i32
    %lt3A_912 = vector.broadcast %lt3A_911 : i32 to vector<16xi32>
    %lt3A_913 = arith.cmpi slt, %xor3A_910, %lt3A_912 : vector<16xi32>
    %add3A_914 = arith.constant 16 : i32
    %add3A_915 = vector.broadcast %add3A_914 : i32 to vector<16xi32>
    %add3A_916 = arith.addi %xor3A_910, %add3A_915 : vector<16xi32>
    %select_n3A_917 = arith.select %lt3A_913, %add3A_916, %xor3A_910 : vector<16xi1>, vector<16xi32>
    %broadcast_in_dim3A_918 = vector.shape_cast %select_n3A_917 : vector<16xi32> to vector<16x1xi32>
    %gather3A_919 = vector.shape_cast %broadcast_in_dim3A_918 : vector<16x1xi32> to vector<16xi32>
    %gather3A_920 = tpu.dynamic_gather %scan3A_122#14[%gather3A_919] in [0] : vector<16xi32>, vector<16xi32> -> vector<16xi32>
    %add3A_921 = arith.addi %scan3A_122#14, %gather3A_920 : vector<16xi32>
    %xor3A_922 = arith.constant 2 : i32
    %xor3A_923 = vector.broadcast %xor3A_922 : i32 to vector<16xi32>
    %xor3A_924 = arith.xori %iota3A, %xor3A_923 : vector<16xi32>
    %lt3A_925 = arith.constant 0 : i32
    %lt3A_926 = vector.broadcast %lt3A_925 : i32 to vector<16xi32>
    %lt3A_927 = arith.cmpi slt, %xor3A_924, %lt3A_926 : vector<16xi32>
    %add3A_928 = arith.constant 16 : i32
    %add3A_929 = vector.broadcast %add3A_928 : i32 to vector<16xi32>
    %add3A_930 = arith.addi %xor3A_924, %add3A_929 : vector<16xi32>
    %select_n3A_931 = arith.select %lt3A_927, %add3A_930, %xor3A_924 : vector<16xi1>, vector<16xi32>
    %broadcast_in_dim3A_932 = vector.shape_cast %select_n3A_931 : vector<16xi32> to vector<16x1xi32>
    %gather3A_933 = vector.shape_cast %broadcast_in_dim3A_932 : vector<16x1xi32> to vector<16xi32>
    %gather3A_934 = tpu.dynamic_gather %add3A_921[%gather3A_933] in [0] : vector<16xi32>, vector<16xi32> -> vector<16xi32>
    %add3A_935 = arith.addi %add3A_921, %gather3A_934 : vector<16xi32>
    %xor3A_936 = arith.constant 4 : i32
    %xor3A_937 = vector.broadcast %xor3A_936 : i32 to vector<16xi32>
    %xor3A_938 = arith.xori %iota3A, %xor3A_937 : vector<16xi32>
    %lt3A_939 = arith.constant 0 : i32
    %lt3A_940 = vector.broadcast %lt3A_939 : i32 to vector<16xi32>
    %lt3A_941 = arith.cmpi slt, %xor3A_938, %lt3A_940 : vector<16xi32>
    %add3A_942 = arith.constant 16 : i32
    %add3A_943 = vector.broadcast %add3A_942 : i32 to vector<16xi32>
    %add3A_944 = arith.addi %xor3A_938, %add3A_943 : vector<16xi32>
    %select_n3A_945 = arith.select %lt3A_941, %add3A_944, %xor3A_938 : vector<16xi1>, vector<16xi32>
    %broadcast_in_dim3A_946 = vector.shape_cast %select_n3A_945 : vector<16xi32> to vector<16x1xi32>
    %gather3A_947 = vector.shape_cast %broadcast_in_dim3A_946 : vector<16x1xi32> to vector<16xi32>
    %gather3A_948 = tpu.dynamic_gather %add3A_935[%gather3A_947] in [0] : vector<16xi32>, vector<16xi32> -> vector<16xi32>
    %add3A_949 = arith.addi %add3A_935, %gather3A_948 : vector<16xi32>
    %xor3A_950 = arith.constant 8 : i32
    %xor3A_951 = vector.broadcast %xor3A_950 : i32 to vector<16xi32>
    %xor3A_952 = arith.xori %iota3A, %xor3A_951 : vector<16xi32>
    %lt3A_953 = arith.constant 0 : i32
    %lt3A_954 = vector.broadcast %lt3A_953 : i32 to vector<16xi32>
    %lt3A_955 = arith.cmpi slt, %xor3A_952, %lt3A_954 : vector<16xi32>
    %add3A_956 = arith.constant 16 : i32
    %add3A_957 = vector.broadcast %add3A_956 : i32 to vector<16xi32>
    %add3A_958 = arith.addi %xor3A_952, %add3A_957 : vector<16xi32>
    %select_n3A_959 = arith.select %lt3A_955, %add3A_958, %xor3A_952 : vector<16xi1>, vector<16xi32>
    %broadcast_in_dim3A_960 = vector.shape_cast %select_n3A_959 : vector<16xi32> to vector<16x1xi32>
    %gather3A_961 = vector.shape_cast %broadcast_in_dim3A_960 : vector<16x1xi32> to vector<16xi32>
    %gather3A_962 = tpu.dynamic_gather %add3A_949[%gather3A_961] in [0] : vector<16xi32>, vector<16xi32> -> vector<16xi32>
    %add3A_963 = arith.addi %add3A_949, %gather3A_962 : vector<16xi32>
    %xor3A_964 = arith.constant 1 : i32
    %xor3A_965 = vector.broadcast %xor3A_964 : i32 to vector<16xi32>
    %xor3A_966 = arith.xori %iota3A, %xor3A_965 : vector<16xi32>
    %lt3A_967 = arith.constant 0 : i32
    %lt3A_968 = vector.broadcast %lt3A_967 : i32 to vector<16xi32>
    %lt3A_969 = arith.cmpi slt, %xor3A_966, %lt3A_968 : vector<16xi32>
    %add3A_970 = arith.constant 16 : i32
    %add3A_971 = vector.broadcast %add3A_970 : i32 to vector<16xi32>
    %add3A_972 = arith.addi %xor3A_966, %add3A_971 : vector<16xi32>
    %select_n3A_973 = arith.select %lt3A_969, %add3A_972, %xor3A_966 : vector<16xi1>, vector<16xi32>
    %broadcast_in_dim3A_974 = vector.shape_cast %select_n3A_973 : vector<16xi32> to vector<16x1xi32>
    %gather3A_975 = vector.shape_cast %broadcast_in_dim3A_974 : vector<16x1xi32> to vector<16xi32>
    %gather3A_976 = tpu.dynamic_gather %scan3A_122#15[%gather3A_975] in [0] : vector<16xi32>, vector<16xi32> -> vector<16xi32>
    %add3A_977 = arith.addi %scan3A_122#15, %gather3A_976 : vector<16xi32>
    %xor3A_978 = arith.constant 2 : i32
    %xor3A_979 = vector.broadcast %xor3A_978 : i32 to vector<16xi32>
    %xor3A_980 = arith.xori %iota3A, %xor3A_979 : vector<16xi32>
    %lt3A_981 = arith.constant 0 : i32
    %lt3A_982 = vector.broadcast %lt3A_981 : i32 to vector<16xi32>
    %lt3A_983 = arith.cmpi slt, %xor3A_980, %lt3A_982 : vector<16xi32>
    %add3A_984 = arith.constant 16 : i32
    %add3A_985 = vector.broadcast %add3A_984 : i32 to vector<16xi32>
    %add3A_986 = arith.addi %xor3A_980, %add3A_985 : vector<16xi32>
    %select_n3A_987 = arith.select %lt3A_983, %add3A_986, %xor3A_980 : vector<16xi1>, vector<16xi32>
    %broadcast_in_dim3A_988 = vector.shape_cast %select_n3A_987 : vector<16xi32> to vector<16x1xi32>
    %gather3A_989 = vector.shape_cast %broadcast_in_dim3A_988 : vector<16x1xi32> to vector<16xi32>
    %gather3A_990 = tpu.dynamic_gather %add3A_977[%gather3A_989] in [0] : vector<16xi32>, vector<16xi32> -> vector<16xi32>
    %add3A_991 = arith.addi %add3A_977, %gather3A_990 : vector<16xi32>
    %xor3A_992 = arith.constant 4 : i32
    %xor3A_993 = vector.broadcast %xor3A_992 : i32 to vector<16xi32>
    %xor3A_994 = arith.xori %iota3A, %xor3A_993 : vector<16xi32>
    %lt3A_995 = arith.constant 0 : i32
    %lt3A_996 = vector.broadcast %lt3A_995 : i32 to vector<16xi32>
    %lt3A_997 = arith.cmpi slt, %xor3A_994, %lt3A_996 : vector<16xi32>
    %add3A_998 = arith.constant 16 : i32
    %add3A_999 = vector.broadcast %add3A_998 : i32 to vector<16xi32>
    %add3A_1000 = arith.addi %xor3A_994, %add3A_999 : vector<16xi32>
    %select_n3A_1001 = arith.select %lt3A_997, %add3A_1000, %xor3A_994 : vector<16xi1>, vector<16xi32>
    %broadcast_in_dim3A_1002 = vector.shape_cast %select_n3A_1001 : vector<16xi32> to vector<16x1xi32>
    %gather3A_1003 = vector.shape_cast %broadcast_in_dim3A_1002 : vector<16x1xi32> to vector<16xi32>
    %gather3A_1004 = tpu.dynamic_gather %add3A_991[%gather3A_1003] in [0] : vector<16xi32>, vector<16xi32> -> vector<16xi32>
    %add3A_1005 = arith.addi %add3A_991, %gather3A_1004 : vector<16xi32>
    %xor3A_1006 = arith.constant 8 : i32
    %xor3A_1007 = vector.broadcast %xor3A_1006 : i32 to vector<16xi32>
    %xor3A_1008 = arith.xori %iota3A, %xor3A_1007 : vector<16xi32>
    %lt3A_1009 = arith.constant 0 : i32
    %lt3A_1010 = vector.broadcast %lt3A_1009 : i32 to vector<16xi32>
    %lt3A_1011 = arith.cmpi slt, %xor3A_1008, %lt3A_1010 : vector<16xi32>
    %add3A_1012 = arith.constant 16 : i32
    %add3A_1013 = vector.broadcast %add3A_1012 : i32 to vector<16xi32>
    %add3A_1014 = arith.addi %xor3A_1008, %add3A_1013 : vector<16xi32>
    %select_n3A_1015 = arith.select %lt3A_1011, %add3A_1014, %xor3A_1008 : vector<16xi1>, vector<16xi32>
    %broadcast_in_dim3A_1016 = vector.shape_cast %select_n3A_1015 : vector<16xi32> to vector<16x1xi32>
    %gather3A_1017 = vector.shape_cast %broadcast_in_dim3A_1016 : vector<16x1xi32> to vector<16xi32>
    %gather3A_1018 = tpu.dynamic_gather %add3A_1005[%gather3A_1017] in [0] : vector<16xi32>, vector<16xi32> -> vector<16xi32>
    %add3A_1019 = arith.addi %add3A_1005, %gather3A_1018 : vector<16xi32>
    %xor3A_1020 = arith.constant 1 : i32
    %xor3A_1021 = vector.broadcast %xor3A_1020 : i32 to vector<16xi32>
    %xor3A_1022 = arith.xori %iota3A, %xor3A_1021 : vector<16xi32>
    %lt3A_1023 = arith.constant 0 : i32
    %lt3A_1024 = vector.broadcast %lt3A_1023 : i32 to vector<16xi32>
    %lt3A_1025 = arith.cmpi slt, %xor3A_1022, %lt3A_1024 : vector<16xi32>
    %add3A_1026 = arith.constant 16 : i32
    %add3A_1027 = vector.broadcast %add3A_1026 : i32 to vector<16xi32>
    %add3A_1028 = arith.addi %xor3A_1022, %add3A_1027 : vector<16xi32>
    %select_n3A_1029 = arith.select %lt3A_1025, %add3A_1028, %xor3A_1022 : vector<16xi1>, vector<16xi32>
    %broadcast_in_dim3A_1030 = vector.shape_cast %select_n3A_1029 : vector<16xi32> to vector<16x1xi32>
    %gather3A_1031 = vector.shape_cast %broadcast_in_dim3A_1030 : vector<16x1xi32> to vector<16xi32>
    %gather3A_1032 = tpu.dynamic_gather %scan3A_122#16[%gather3A_1031] in [0] : vector<16xi32>, vector<16xi32> -> vector<16xi32>
    %add3A_1033 = arith.addi %scan3A_122#16, %gather3A_1032 : vector<16xi32>
    %xor3A_1034 = arith.constant 2 : i32
    %xor3A_1035 = vector.broadcast %xor3A_1034 : i32 to vector<16xi32>
    %xor3A_1036 = arith.xori %iota3A, %xor3A_1035 : vector<16xi32>
    %lt3A_1037 = arith.constant 0 : i32
    %lt3A_1038 = vector.broadcast %lt3A_1037 : i32 to vector<16xi32>
    %lt3A_1039 = arith.cmpi slt, %xor3A_1036, %lt3A_1038 : vector<16xi32>
    %add3A_1040 = arith.constant 16 : i32
    %add3A_1041 = vector.broadcast %add3A_1040 : i32 to vector<16xi32>
    %add3A_1042 = arith.addi %xor3A_1036, %add3A_1041 : vector<16xi32>
    %select_n3A_1043 = arith.select %lt3A_1039, %add3A_1042, %xor3A_1036 : vector<16xi1>, vector<16xi32>
    %broadcast_in_dim3A_1044 = vector.shape_cast %select_n3A_1043 : vector<16xi32> to vector<16x1xi32>
    %gather3A_1045 = vector.shape_cast %broadcast_in_dim3A_1044 : vector<16x1xi32> to vector<16xi32>
    %gather3A_1046 = tpu.dynamic_gather %add3A_1033[%gather3A_1045] in [0] : vector<16xi32>, vector<16xi32> -> vector<16xi32>
    %add3A_1047 = arith.addi %add3A_1033, %gather3A_1046 : vector<16xi32>
    %xor3A_1048 = arith.constant 4 : i32
    %xor3A_1049 = vector.broadcast %xor3A_1048 : i32 to vector<16xi32>
    %xor3A_1050 = arith.xori %iota3A, %xor3A_1049 : vector<16xi32>
    %lt3A_1051 = arith.constant 0 : i32
    %lt3A_1052 = vector.broadcast %lt3A_1051 : i32 to vector<16xi32>
    %lt3A_1053 = arith.cmpi slt, %xor3A_1050, %lt3A_1052 : vector<16xi32>
    %add3A_1054 = arith.constant 16 : i32
    %add3A_1055 = vector.broadcast %add3A_1054 : i32 to vector<16xi32>
    %add3A_1056 = arith.addi %xor3A_1050, %add3A_1055 : vector<16xi32>
    %select_n3A_1057 = arith.select %lt3A_1053, %add3A_1056, %xor3A_1050 : vector<16xi1>, vector<16xi32>
    %broadcast_in_dim3A_1058 = vector.shape_cast %select_n3A_1057 : vector<16xi32> to vector<16x1xi32>
    %gather3A_1059 = vector.shape_cast %broadcast_in_dim3A_1058 : vector<16x1xi32> to vector<16xi32>
    %gather3A_1060 = tpu.dynamic_gather %add3A_1047[%gather3A_1059] in [0] : vector<16xi32>, vector<16xi32> -> vector<16xi32>
    %add3A_1061 = arith.addi %add3A_1047, %gather3A_1060 : vector<16xi32>
    %xor3A_1062 = arith.constant 8 : i32
    %xor3A_1063 = vector.broadcast %xor3A_1062 : i32 to vector<16xi32>
    %xor3A_1064 = arith.xori %iota3A, %xor3A_1063 : vector<16xi32>
    %lt3A_1065 = arith.constant 0 : i32
    %lt3A_1066 = vector.broadcast %lt3A_1065 : i32 to vector<16xi32>
    %lt3A_1067 = arith.cmpi slt, %xor3A_1064, %lt3A_1066 : vector<16xi32>
    %add3A_1068 = arith.constant 16 : i32
    %add3A_1069 = vector.broadcast %add3A_1068 : i32 to vector<16xi32>
    %add3A_1070 = arith.addi %xor3A_1064, %add3A_1069 : vector<16xi32>
    %select_n3A_1071 = arith.select %lt3A_1067, %add3A_1070, %xor3A_1064 : vector<16xi1>, vector<16xi32>
    %broadcast_in_dim3A_1072 = vector.shape_cast %select_n3A_1071 : vector<16xi32> to vector<16x1xi32>
    %gather3A_1073 = vector.shape_cast %broadcast_in_dim3A_1072 : vector<16x1xi32> to vector<16xi32>
    %gather3A_1074 = tpu.dynamic_gather %add3A_1061[%gather3A_1073] in [0] : vector<16xi32>, vector<16xi32> -> vector<16xi32>
    %add3A_1075 = arith.addi %add3A_1061, %gather3A_1074 : vector<16xi32>
    %xor3A_1076 = arith.constant 1 : i32
    %xor3A_1077 = vector.broadcast %xor3A_1076 : i32 to vector<16xi32>
    %xor3A_1078 = arith.xori %iota3A, %xor3A_1077 : vector<16xi32>
    %lt3A_1079 = arith.constant 0 : i32
    %lt3A_1080 = vector.broadcast %lt3A_1079 : i32 to vector<16xi32>
    %lt3A_1081 = arith.cmpi slt, %xor3A_1078, %lt3A_1080 : vector<16xi32>
    %add3A_1082 = arith.constant 16 : i32
    %add3A_1083 = vector.broadcast %add3A_1082 : i32 to vector<16xi32>
    %add3A_1084 = arith.addi %xor3A_1078, %add3A_1083 : vector<16xi32>
    %select_n3A_1085 = arith.select %lt3A_1081, %add3A_1084, %xor3A_1078 : vector<16xi1>, vector<16xi32>
    %broadcast_in_dim3A_1086 = vector.shape_cast %select_n3A_1085 : vector<16xi32> to vector<16x1xi32>
    %gather3A_1087 = vector.shape_cast %broadcast_in_dim3A_1086 : vector<16x1xi32> to vector<16xi32>
    %gather3A_1088 = tpu.dynamic_gather %scan3A_122#17[%gather3A_1087] in [0] : vector<16xi32>, vector<16xi32> -> vector<16xi32>
    %add3A_1089 = arith.addi %scan3A_122#17, %gather3A_1088 : vector<16xi32>
    %xor3A_1090 = arith.constant 2 : i32
    %xor3A_1091 = vector.broadcast %xor3A_1090 : i32 to vector<16xi32>
    %xor3A_1092 = arith.xori %iota3A, %xor3A_1091 : vector<16xi32>
    %lt3A_1093 = arith.constant 0 : i32
    %lt3A_1094 = vector.broadcast %lt3A_1093 : i32 to vector<16xi32>
    %lt3A_1095 = arith.cmpi slt, %xor3A_1092, %lt3A_1094 : vector<16xi32>
    %add3A_1096 = arith.constant 16 : i32
    %add3A_1097 = vector.broadcast %add3A_1096 : i32 to vector<16xi32>
    %add3A_1098 = arith.addi %xor3A_1092, %add3A_1097 : vector<16xi32>
    %select_n3A_1099 = arith.select %lt3A_1095, %add3A_1098, %xor3A_1092 : vector<16xi1>, vector<16xi32>
    %broadcast_in_dim3A_1100 = vector.shape_cast %select_n3A_1099 : vector<16xi32> to vector<16x1xi32>
    %gather3A_1101 = vector.shape_cast %broadcast_in_dim3A_1100 : vector<16x1xi32> to vector<16xi32>
    %gather3A_1102 = tpu.dynamic_gather %add3A_1089[%gather3A_1101] in [0] : vector<16xi32>, vector<16xi32> -> vector<16xi32>
    %add3A_1103 = arith.addi %add3A_1089, %gather3A_1102 : vector<16xi32>
    %xor3A_1104 = arith.constant 4 : i32
    %xor3A_1105 = vector.broadcast %xor3A_1104 : i32 to vector<16xi32>
    %xor3A_1106 = arith.xori %iota3A, %xor3A_1105 : vector<16xi32>
    %lt3A_1107 = arith.constant 0 : i32
    %lt3A_1108 = vector.broadcast %lt3A_1107 : i32 to vector<16xi32>
    %lt3A_1109 = arith.cmpi slt, %xor3A_1106, %lt3A_1108 : vector<16xi32>
    %add3A_1110 = arith.constant 16 : i32
    %add3A_1111 = vector.broadcast %add3A_1110 : i32 to vector<16xi32>
    %add3A_1112 = arith.addi %xor3A_1106, %add3A_1111 : vector<16xi32>
    %select_n3A_1113 = arith.select %lt3A_1109, %add3A_1112, %xor3A_1106 : vector<16xi1>, vector<16xi32>
    %broadcast_in_dim3A_1114 = vector.shape_cast %select_n3A_1113 : vector<16xi32> to vector<16x1xi32>
    %gather3A_1115 = vector.shape_cast %broadcast_in_dim3A_1114 : vector<16x1xi32> to vector<16xi32>
    %gather3A_1116 = tpu.dynamic_gather %add3A_1103[%gather3A_1115] in [0] : vector<16xi32>, vector<16xi32> -> vector<16xi32>
    %add3A_1117 = arith.addi %add3A_1103, %gather3A_1116 : vector<16xi32>
    %xor3A_1118 = arith.constant 8 : i32
    %xor3A_1119 = vector.broadcast %xor3A_1118 : i32 to vector<16xi32>
    %xor3A_1120 = arith.xori %iota3A, %xor3A_1119 : vector<16xi32>
    %lt3A_1121 = arith.constant 0 : i32
    %lt3A_1122 = vector.broadcast %lt3A_1121 : i32 to vector<16xi32>
    %lt3A_1123 = arith.cmpi slt, %xor3A_1120, %lt3A_1122 : vector<16xi32>
    %add3A_1124 = arith.constant 16 : i32
    %add3A_1125 = vector.broadcast %add3A_1124 : i32 to vector<16xi32>
    %add3A_1126 = arith.addi %xor3A_1120, %add3A_1125 : vector<16xi32>
    %select_n3A_1127 = arith.select %lt3A_1123, %add3A_1126, %xor3A_1120 : vector<16xi1>, vector<16xi32>
    %broadcast_in_dim3A_1128 = vector.shape_cast %select_n3A_1127 : vector<16xi32> to vector<16x1xi32>
    %gather3A_1129 = vector.shape_cast %broadcast_in_dim3A_1128 : vector<16x1xi32> to vector<16xi32>
    %gather3A_1130 = tpu.dynamic_gather %add3A_1117[%gather3A_1129] in [0] : vector<16xi32>, vector<16xi32> -> vector<16xi32>
    %add3A_1131 = arith.addi %add3A_1117, %gather3A_1130 : vector<16xi32>
    %xor3A_1132 = arith.constant 1 : i32
    %xor3A_1133 = vector.broadcast %xor3A_1132 : i32 to vector<16xi32>
    %xor3A_1134 = arith.xori %iota3A, %xor3A_1133 : vector<16xi32>
    %lt3A_1135 = arith.constant 0 : i32
    %lt3A_1136 = vector.broadcast %lt3A_1135 : i32 to vector<16xi32>
    %lt3A_1137 = arith.cmpi slt, %xor3A_1134, %lt3A_1136 : vector<16xi32>
    %add3A_1138 = arith.constant 16 : i32
    %add3A_1139 = vector.broadcast %add3A_1138 : i32 to vector<16xi32>
    %add3A_1140 = arith.addi %xor3A_1134, %add3A_1139 : vector<16xi32>
    %select_n3A_1141 = arith.select %lt3A_1137, %add3A_1140, %xor3A_1134 : vector<16xi1>, vector<16xi32>
    %broadcast_in_dim3A_1142 = vector.shape_cast %select_n3A_1141 : vector<16xi32> to vector<16x1xi32>
    %gather3A_1143 = vector.shape_cast %broadcast_in_dim3A_1142 : vector<16x1xi32> to vector<16xi32>
    %gather3A_1144 = tpu.dynamic_gather %scan3A_122#18[%gather3A_1143] in [0] : vector<16xi32>, vector<16xi32> -> vector<16xi32>
    %add3A_1145 = arith.addi %scan3A_122#18, %gather3A_1144 : vector<16xi32>
    %xor3A_1146 = arith.constant 2 : i32
    %xor3A_1147 = vector.broadcast %xor3A_1146 : i32 to vector<16xi32>
    %xor3A_1148 = arith.xori %iota3A, %xor3A_1147 : vector<16xi32>
    %lt3A_1149 = arith.constant 0 : i32
    %lt3A_1150 = vector.broadcast %lt3A_1149 : i32 to vector<16xi32>
    %lt3A_1151 = arith.cmpi slt, %xor3A_1148, %lt3A_1150 : vector<16xi32>
    %add3A_1152 = arith.constant 16 : i32
    %add3A_1153 = vector.broadcast %add3A_1152 : i32 to vector<16xi32>
    %add3A_1154 = arith.addi %xor3A_1148, %add3A_1153 : vector<16xi32>
    %select_n3A_1155 = arith.select %lt3A_1151, %add3A_1154, %xor3A_1148 : vector<16xi1>, vector<16xi32>
    %broadcast_in_dim3A_1156 = vector.shape_cast %select_n3A_1155 : vector<16xi32> to vector<16x1xi32>
    %gather3A_1157 = vector.shape_cast %broadcast_in_dim3A_1156 : vector<16x1xi32> to vector<16xi32>
    %gather3A_1158 = tpu.dynamic_gather %add3A_1145[%gather3A_1157] in [0] : vector<16xi32>, vector<16xi32> -> vector<16xi32>
    %add3A_1159 = arith.addi %add3A_1145, %gather3A_1158 : vector<16xi32>
    %xor3A_1160 = arith.constant 4 : i32
    %xor3A_1161 = vector.broadcast %xor3A_1160 : i32 to vector<16xi32>
    %xor3A_1162 = arith.xori %iota3A, %xor3A_1161 : vector<16xi32>
    %lt3A_1163 = arith.constant 0 : i32
    %lt3A_1164 = vector.broadcast %lt3A_1163 : i32 to vector<16xi32>
    %lt3A_1165 = arith.cmpi slt, %xor3A_1162, %lt3A_1164 : vector<16xi32>
    %add3A_1166 = arith.constant 16 : i32
    %add3A_1167 = vector.broadcast %add3A_1166 : i32 to vector<16xi32>
    %add3A_1168 = arith.addi %xor3A_1162, %add3A_1167 : vector<16xi32>
    %select_n3A_1169 = arith.select %lt3A_1165, %add3A_1168, %xor3A_1162 : vector<16xi1>, vector<16xi32>
    %broadcast_in_dim3A_1170 = vector.shape_cast %select_n3A_1169 : vector<16xi32> to vector<16x1xi32>
    %gather3A_1171 = vector.shape_cast %broadcast_in_dim3A_1170 : vector<16x1xi32> to vector<16xi32>
    %gather3A_1172 = tpu.dynamic_gather %add3A_1159[%gather3A_1171] in [0] : vector<16xi32>, vector<16xi32> -> vector<16xi32>
    %add3A_1173 = arith.addi %add3A_1159, %gather3A_1172 : vector<16xi32>
    %xor3A_1174 = arith.constant 8 : i32
    %xor3A_1175 = vector.broadcast %xor3A_1174 : i32 to vector<16xi32>
    %xor3A_1176 = arith.xori %iota3A, %xor3A_1175 : vector<16xi32>
    %lt3A_1177 = arith.constant 0 : i32
    %lt3A_1178 = vector.broadcast %lt3A_1177 : i32 to vector<16xi32>
    %lt3A_1179 = arith.cmpi slt, %xor3A_1176, %lt3A_1178 : vector<16xi32>
    %add3A_1180 = arith.constant 16 : i32
    %add3A_1181 = vector.broadcast %add3A_1180 : i32 to vector<16xi32>
    %add3A_1182 = arith.addi %xor3A_1176, %add3A_1181 : vector<16xi32>
    %select_n3A_1183 = arith.select %lt3A_1179, %add3A_1182, %xor3A_1176 : vector<16xi1>, vector<16xi32>
    %broadcast_in_dim3A_1184 = vector.shape_cast %select_n3A_1183 : vector<16xi32> to vector<16x1xi32>
    %gather3A_1185 = vector.shape_cast %broadcast_in_dim3A_1184 : vector<16x1xi32> to vector<16xi32>
    %gather3A_1186 = tpu.dynamic_gather %add3A_1173[%gather3A_1185] in [0] : vector<16xi32>, vector<16xi32> -> vector<16xi32>
    %add3A_1187 = arith.addi %add3A_1173, %gather3A_1186 : vector<16xi32>
    %ge3A = arith.constant 128 : i32
    %ge3A_1188 = vector.broadcast %ge3A : i32 to vector<16xi32>
    %ge3A_1189 = arith.cmpi sge, %add3A_1131, %ge3A_1188 : vector<16xi32>
    %select_n3A_1190 = arith.select %ge3A_1189, %sub3A_114, %sub3A_117 : vector<16xi1>, vector<16xf32>
    %ge3A_1191 = arith.constant 128 : i32
    %ge3A_1192 = vector.broadcast %ge3A_1191 : i32 to vector<16xi32>
    %ge3A_1193 = arith.cmpi sge, %add3A_1075, %ge3A_1192 : vector<16xi32>
    %select_n3A_1194 = arith.select %ge3A_1193, %sub3A_111, %select_n3A_1190 : vector<16xi1>, vector<16xf32>
    %ge3A_1195 = arith.constant 128 : i32
    %ge3A_1196 = vector.broadcast %ge3A_1195 : i32 to vector<16xi32>
    %ge3A_1197 = arith.cmpi sge, %add3A_1019, %ge3A_1196 : vector<16xi32>
    %select_n3A_1198 = arith.select %ge3A_1197, %sub3A_108, %select_n3A_1194 : vector<16xi1>, vector<16xf32>
    %ge3A_1199 = arith.constant 128 : i32
    %ge3A_1200 = vector.broadcast %ge3A_1199 : i32 to vector<16xi32>
    %ge3A_1201 = arith.cmpi sge, %add3A_963, %ge3A_1200 : vector<16xi32>
    %select_n3A_1202 = arith.select %ge3A_1201, %sub3A_105, %select_n3A_1198 : vector<16xi1>, vector<16xf32>
    %ge3A_1203 = arith.constant 128 : i32
    %ge3A_1204 = vector.broadcast %ge3A_1203 : i32 to vector<16xi32>
    %ge3A_1205 = arith.cmpi sge, %add3A_907, %ge3A_1204 : vector<16xi32>
    %select_n3A_1206 = arith.select %ge3A_1205, %sub3A_102, %select_n3A_1202 : vector<16xi1>, vector<16xf32>
    %ge3A_1207 = arith.constant 128 : i32
    %ge3A_1208 = vector.broadcast %ge3A_1207 : i32 to vector<16xi32>
    %ge3A_1209 = arith.cmpi sge, %add3A_851, %ge3A_1208 : vector<16xi32>
    %select_n3A_1210 = arith.select %ge3A_1209, %sub3A_99, %select_n3A_1206 : vector<16xi1>, vector<16xf32>
    %ge3A_1211 = arith.constant 128 : i32
    %ge3A_1212 = vector.broadcast %ge3A_1211 : i32 to vector<16xi32>
    %ge3A_1213 = arith.cmpi sge, %add3A_795, %ge3A_1212 : vector<16xi32>
    %select_n3A_1214 = arith.select %ge3A_1213, %sub3A_96, %select_n3A_1210 : vector<16xi1>, vector<16xf32>
    %ge3A_1215 = arith.constant 128 : i32
    %ge3A_1216 = vector.broadcast %ge3A_1215 : i32 to vector<16xi32>
    %ge3A_1217 = arith.cmpi sge, %add3A_739, %ge3A_1216 : vector<16xi32>
    %select_n3A_1218 = arith.select %ge3A_1217, %sub3A_93, %select_n3A_1214 : vector<16xi1>, vector<16xf32>
    %ge3A_1219 = arith.constant 128 : i32
    %ge3A_1220 = vector.broadcast %ge3A_1219 : i32 to vector<16xi32>
    %ge3A_1221 = arith.cmpi sge, %add3A_683, %ge3A_1220 : vector<16xi32>
    %select_n3A_1222 = arith.select %ge3A_1221, %sub3A_90, %select_n3A_1218 : vector<16xi1>, vector<16xf32>
    %ge3A_1223 = arith.constant 128 : i32
    %ge3A_1224 = vector.broadcast %ge3A_1223 : i32 to vector<16xi32>
    %ge3A_1225 = arith.cmpi sge, %add3A_627, %ge3A_1224 : vector<16xi32>
    %select_n3A_1226 = arith.select %ge3A_1225, %sub3A_87, %select_n3A_1222 : vector<16xi1>, vector<16xf32>
    %ge3A_1227 = arith.constant 128 : i32
    %ge3A_1228 = vector.broadcast %ge3A_1227 : i32 to vector<16xi32>
    %ge3A_1229 = arith.cmpi sge, %add3A_571, %ge3A_1228 : vector<16xi32>
    %select_n3A_1230 = arith.select %ge3A_1229, %sub3A_84, %select_n3A_1226 : vector<16xi1>, vector<16xf32>
    %ge3A_1231 = arith.constant 128 : i32
    %ge3A_1232 = vector.broadcast %ge3A_1231 : i32 to vector<16xi32>
    %ge3A_1233 = arith.cmpi sge, %add3A_515, %ge3A_1232 : vector<16xi32>
    %select_n3A_1234 = arith.select %ge3A_1233, %sub3A_81, %select_n3A_1230 : vector<16xi1>, vector<16xf32>
    %ge3A_1235 = arith.constant 128 : i32
    %ge3A_1236 = vector.broadcast %ge3A_1235 : i32 to vector<16xi32>
    %ge3A_1237 = arith.cmpi sge, %add3A_459, %ge3A_1236 : vector<16xi32>
    %select_n3A_1238 = arith.select %ge3A_1237, %sub3A_78, %select_n3A_1234 : vector<16xi1>, vector<16xf32>
    %ge3A_1239 = arith.constant 128 : i32
    %ge3A_1240 = vector.broadcast %ge3A_1239 : i32 to vector<16xi32>
    %ge3A_1241 = arith.cmpi sge, %add3A_403, %ge3A_1240 : vector<16xi32>
    %select_n3A_1242 = arith.select %ge3A_1241, %sub3A_75, %select_n3A_1238 : vector<16xi1>, vector<16xf32>
    %ge3A_1243 = arith.constant 128 : i32
    %ge3A_1244 = vector.broadcast %ge3A_1243 : i32 to vector<16xi32>
    %ge3A_1245 = arith.cmpi sge, %add3A_347, %ge3A_1244 : vector<16xi32>
    %select_n3A_1246 = arith.select %ge3A_1245, %sub3A_72, %select_n3A_1242 : vector<16xi1>, vector<16xf32>
    %ge3A_1247 = arith.constant 128 : i32
    %ge3A_1248 = vector.broadcast %ge3A_1247 : i32 to vector<16xi32>
    %ge3A_1249 = arith.cmpi sge, %add3A_291, %ge3A_1248 : vector<16xi32>
    %select_n3A_1250 = arith.select %ge3A_1249, %sub3A_69, %select_n3A_1246 : vector<16xi1>, vector<16xf32>
    %ge3A_1251 = arith.constant 128 : i32
    %ge3A_1252 = vector.broadcast %ge3A_1251 : i32 to vector<16xi32>
    %ge3A_1253 = arith.cmpi sge, %add3A_235, %ge3A_1252 : vector<16xi32>
    %select_n3A_1254 = arith.select %ge3A_1253, %sub3A_66, %select_n3A_1250 : vector<16xi1>, vector<16xf32>
    %ge3A_1255 = arith.constant 128 : i32
    %ge3A_1256 = vector.broadcast %ge3A_1255 : i32 to vector<16xi32>
    %ge3A_1257 = arith.cmpi sge, %add3A_179, %ge3A_1256 : vector<16xi32>
    %select_n3A_1258 = arith.select %ge3A_1257, %sub3A_63, %select_n3A_1254 : vector<16xi1>, vector<16xf32>
    %scan3A_1259 = arith.constant 0 : i32
    %scan3A_1260 = arith.constant 0 : i32
    %scan3A_1261 = arith.constant 33 : i32
    %scan3A_1262 = arith.addi %scan3A_1260, %scan3A_1261 : i32
    %scan3A_1263 = arith.constant 1 : i32
    scf.for %scan3A_1277 = %scan3A_1260 to %scan3A_1262 step %scan3A_1263  : i32 {
      %mul3A_1278 = arith.constant 16 : i32
      %mul3A_1279 = arith.muli %scan3A_1277, %mul3A_1278 : i32
      %swap3A = arith.index_cast %mul3A_1279 : i32 to index
      %swap3A_1280 = tpu.vector_load %arg6[%swap3A] {strides = array<i32>} : memref<528xf32, #tpu.memory_space<vmem>>, vector<16xf32>,
      tpu.vector_store %arg6[%swap3A], %broadcast_in_dim3A_1 {strides = array<i32>} : memref<528xf32, #tpu.memory_space<vmem>>, vector<16xf32>,
      %broadcast_in_dim3A_1281 = arith.constant 0 : i32
      %broadcast_in_dim3A_1282 = vector.broadcast %broadcast_in_dim3A_1281 : i32 to vector<16xi32>
      %mul3A_1283 = arith.constant 16 : i32
      %mul3A_1284 = arith.muli %scan3A_1277, %mul3A_1283 : i32
      %swap3A_1285 = arith.index_cast %mul3A_1284 : i32 to index
      %swap3A_1286 = tpu.vector_load %arg7[%swap3A_1285] {strides = array<i32>} : memref<528xi32, #tpu.memory_space<vmem>>, vector<16xi32>,
      tpu.vector_store %arg7[%swap3A_1285], %broadcast_in_dim3A_1282 {strides = array<i32>} : memref<528xi32, #tpu.memory_space<vmem>>, vector<16xi32>,
    }
    %scan3A_1264 = arith.constant 33 : i32
    %broadcast_in_dim3A_1265 = arith.constant 512 : i32
    %broadcast_in_dim3A_1266 = vector.broadcast %broadcast_in_dim3A_1265 : i32 to vector<16xi32>
    %broadcast_in_dim3A_1267 = arith.constant 512 : i32
    %broadcast_in_dim3A_1268 = vector.broadcast %broadcast_in_dim3A_1267 : i32 to vector<16xi32>
    %broadcast_in_dim3A_1269 = arith.constant 0 : i32
    %broadcast_in_dim3A_1270 = vector.broadcast %broadcast_in_dim3A_1269 : i32 to vector<16xi32>
    %scan3A_1271 = arith.constant 0 : i32
    %scan3A_1272 = arith.constant 6250 : i32
    %scan3A_1273 = arith.addi %scan3A_1271, %scan3A_1272 : i32
    %scan3A_1274 = arith.constant 1 : i32
    %scan3A_1275 = scf.for %scan3A_1277 = %scan3A_1271 to %scan3A_1273 step %scan3A_1274 iter_args(%scan3A_1278 = %broadcast_in_dim3A_1270) -> (vector<16xi32>)  : i32 {
      %mul3A_1279 = arith.constant 16 : i32
      %mul3A_1280 = arith.muli %scan3A_1277, %mul3A_1279 : i32
      %get3A = arith.index_cast %mul3A_1280 : i32 to index
      %get3A_1281 = tpu.vector_load %arg5[%get3A] {strides = array<i32>} : memref<100000xf32, #tpu.memory_space<vmem>>, vector<16xf32>,
      %gt3A = arith.cmpf ogt, %get3A_1281, %select_n3A_1258 : vector<16xf32>
      %select_n3A_1282 = arith.select %gt3A, %broadcast_in_dim3A_59, %broadcast_in_dim3A_61 : vector<16xi1>, vector<16xi32>
      %min3A = arith.minsi %scan3A_1278, %broadcast_in_dim3A_1266 : vector<16xi32>
      %sub3A_1283 = arith.constant 1 : i32
      %sub3A_1284 = vector.broadcast %sub3A_1283 : i32 to vector<16xi32>
      %sub3A_1285 = arith.subi %iota3A, %sub3A_1284 : vector<16xi32>
      %max3A_1286 = arith.constant 0 : i32
      %max3A_1287 = vector.broadcast %max3A_1286 : i32 to vector<16xi32>
      %max3A_1288 = arith.maxsi %sub3A_1285, %max3A_1287 : vector<16xi32>
      %lt3A_1289 = arith.constant 0 : i32
      %lt3A_1290 = vector.broadcast %lt3A_1289 : i32 to vector<16xi32>
      %lt3A_1291 = arith.cmpi slt, %max3A_1288, %lt3A_1290 : vector<16xi32>
      %add3A_1292 = arith.constant 16 : i32
      %add3A_1293 = vector.broadcast %add3A_1292 : i32 to vector<16xi32>
      %add3A_1294 = arith.addi %max3A_1288, %add3A_1293 : vector<16xi32>
      %select_n3A_1295 = arith.select %lt3A_1291, %add3A_1294, %max3A_1288 : vector<16xi1>, vector<16xi32>
      %broadcast_in_dim3A_1296 = vector.shape_cast %select_n3A_1295 : vector<16xi32> to vector<16x1xi32>
      %gather3A_1297 = vector.shape_cast %broadcast_in_dim3A_1296 : vector<16x1xi32> to vector<16xi32>
      %gather3A_1298 = tpu.dynamic_gather %select_n3A_1282[%gather3A_1297] in [0] : vector<16xi32>, vector<16xi32> -> vector<16xi32>
      %ge3A_1299 = arith.constant 1 : i32
      %ge3A_1300 = vector.broadcast %ge3A_1299 : i32 to vector<16xi32>
      %ge3A_1301 = arith.cmpi sge, %iota3A, %ge3A_1300 : vector<16xi32>
      %select_n3A_1302 = arith.select %ge3A_1301, %gather3A_1298, %broadcast_in_dim3A_61 : vector<16xi1>, vector<16xi32>
      %add3A_1303 = arith.addi %select_n3A_1282, %select_n3A_1302 : vector<16xi32>
      %sub3A_1304 = arith.constant 2 : i32
      %sub3A_1305 = vector.broadcast %sub3A_1304 : i32 to vector<16xi32>
      %sub3A_1306 = arith.subi %iota3A, %sub3A_1305 : vector<16xi32>
      %max3A_1307 = arith.constant 0 : i32
      %max3A_1308 = vector.broadcast %max3A_1307 : i32 to vector<16xi32>
      %max3A_1309 = arith.maxsi %sub3A_1306, %max3A_1308 : vector<16xi32>
      %lt3A_1310 = arith.constant 0 : i32
      %lt3A_1311 = vector.broadcast %lt3A_1310 : i32 to vector<16xi32>
      %lt3A_1312 = arith.cmpi slt, %max3A_1309, %lt3A_1311 : vector<16xi32>
      %add3A_1313 = arith.constant 16 : i32
      %add3A_1314 = vector.broadcast %add3A_1313 : i32 to vector<16xi32>
      %add3A_1315 = arith.addi %max3A_1309, %add3A_1314 : vector<16xi32>
      %select_n3A_1316 = arith.select %lt3A_1312, %add3A_1315, %max3A_1309 : vector<16xi1>, vector<16xi32>
      %broadcast_in_dim3A_1317 = vector.shape_cast %select_n3A_1316 : vector<16xi32> to vector<16x1xi32>
      %gather3A_1318 = vector.shape_cast %broadcast_in_dim3A_1317 : vector<16x1xi32> to vector<16xi32>
      %gather3A_1319 = tpu.dynamic_gather %add3A_1303[%gather3A_1318] in [0] : vector<16xi32>, vector<16xi32> -> vector<16xi32>
      %ge3A_1320 = arith.constant 2 : i32
      %ge3A_1321 = vector.broadcast %ge3A_1320 : i32 to vector<16xi32>
      %ge3A_1322 = arith.cmpi sge, %iota3A, %ge3A_1321 : vector<16xi32>
      %select_n3A_1323 = arith.select %ge3A_1322, %gather3A_1319, %broadcast_in_dim3A_61 : vector<16xi1>, vector<16xi32>
      %add3A_1324 = arith.addi %add3A_1303, %select_n3A_1323 : vector<16xi32>
      %sub3A_1325 = arith.constant 4 : i32
      %sub3A_1326 = vector.broadcast %sub3A_1325 : i32 to vector<16xi32>
      %sub3A_1327 = arith.subi %iota3A, %sub3A_1326 : vector<16xi32>
      %max3A_1328 = arith.constant 0 : i32
      %max3A_1329 = vector.broadcast %max3A_1328 : i32 to vector<16xi32>
      %max3A_1330 = arith.maxsi %sub3A_1327, %max3A_1329 : vector<16xi32>
      %lt3A_1331 = arith.constant 0 : i32
      %lt3A_1332 = vector.broadcast %lt3A_1331 : i32 to vector<16xi32>
      %lt3A_1333 = arith.cmpi slt, %max3A_1330, %lt3A_1332 : vector<16xi32>
      %add3A_1334 = arith.constant 16 : i32
      %add3A_1335 = vector.broadcast %add3A_1334 : i32 to vector<16xi32>
      %add3A_1336 = arith.addi %max3A_1330, %add3A_1335 : vector<16xi32>
      %select_n3A_1337 = arith.select %lt3A_1333, %add3A_1336, %max3A_1330 : vector<16xi1>, vector<16xi32>
      %broadcast_in_dim3A_1338 = vector.shape_cast %select_n3A_1337 : vector<16xi32> to vector<16x1xi32>
      %gather3A_1339 = vector.shape_cast %broadcast_in_dim3A_1338 : vector<16x1xi32> to vector<16xi32>
      %gather3A_1340 = tpu.dynamic_gather %add3A_1324[%gather3A_1339] in [0] : vector<16xi32>, vector<16xi32> -> vector<16xi32>
      %ge3A_1341 = arith.constant 4 : i32
      %ge3A_1342 = vector.broadcast %ge3A_1341 : i32 to vector<16xi32>
      %ge3A_1343 = arith.cmpi sge, %iota3A, %ge3A_1342 : vector<16xi32>
      %select_n3A_1344 = arith.select %ge3A_1343, %gather3A_1340, %broadcast_in_dim3A_61 : vector<16xi1>, vector<16xi32>
      %add3A_1345 = arith.addi %add3A_1324, %select_n3A_1344 : vector<16xi32>
      %sub3A_1346 = arith.constant 8 : i32
      %sub3A_1347 = vector.broadcast %sub3A_1346 : i32 to vector<16xi32>
      %sub3A_1348 = arith.subi %iota3A, %sub3A_1347 : vector<16xi32>
      %max3A_1349 = arith.constant 0 : i32
      %max3A_1350 = vector.broadcast %max3A_1349 : i32 to vector<16xi32>
      %max3A_1351 = arith.maxsi %sub3A_1348, %max3A_1350 : vector<16xi32>
      %lt3A_1352 = arith.constant 0 : i32
      %lt3A_1353 = vector.broadcast %lt3A_1352 : i32 to vector<16xi32>
      %lt3A_1354 = arith.cmpi slt, %max3A_1351, %lt3A_1353 : vector<16xi32>
      %add3A_1355 = arith.constant 16 : i32
      %add3A_1356 = vector.broadcast %add3A_1355 : i32 to vector<16xi32>
      %add3A_1357 = arith.addi %max3A_1351, %add3A_1356 : vector<16xi32>
      %select_n3A_1358 = arith.select %lt3A_1354, %add3A_1357, %max3A_1351 : vector<16xi1>, vector<16xi32>
      %broadcast_in_dim3A_1359 = vector.shape_cast %select_n3A_1358 : vector<16xi32> to vector<16x1xi32>
      %gather3A_1360 = vector.shape_cast %broadcast_in_dim3A_1359 : vector<16x1xi32> to vector<16xi32>
      %gather3A_1361 = tpu.dynamic_gather %add3A_1345[%gather3A_1360] in [0] : vector<16xi32>, vector<16xi32> -> vector<16xi32>
      %ge3A_1362 = arith.constant 8 : i32
      %ge3A_1363 = vector.broadcast %ge3A_1362 : i32 to vector<16xi32>
      %ge3A_1364 = arith.cmpi sge, %iota3A, %ge3A_1363 : vector<16xi32>
      %select_n3A_1365 = arith.select %ge3A_1364, %gather3A_1361, %broadcast_in_dim3A_61 : vector<16xi1>, vector<16xi32>
      %add3A_1366 = arith.addi %add3A_1345, %select_n3A_1365 : vector<16xi32>
      %sub3A_1367 = arith.subi %add3A_1366, %select_n3A_1282 : vector<16xi32>
      %add3A_1368 = arith.addi %min3A, %sub3A_1367 : vector<16xi32>
      %select_n3A_1369 = arith.select %gt3A, %add3A_1368, %broadcast_in_dim3A_1268 : vector<16xi1>, vector<16xi32>
      tpu.vector_store_idx %arg6[%select_n3A_1369], %get3A_1281 : memref<528xf32, #tpu.memory_space<vmem>>[vector<16xi32>], vector<16xf32>,
      %mul3A_1370 = arith.constant 16 : i32
      %mul3A_1371 = arith.muli %scan3A_1277, %mul3A_1370 : i32
      %add3A_1372 = vector.broadcast %mul3A_1371 : i32 to vector<16xi32>
      %add3A_1373 = arith.addi %add3A_1372, %iota3A : vector<16xi32>
      tpu.vector_store_idx %arg7[%select_n3A_1369], %add3A_1373 : memref<528xi32, #tpu.memory_space<vmem>>[vector<16xi32>], vector<16xi32>,
      %xor3A_1374 = arith.constant 1 : i32
      %xor3A_1375 = vector.broadcast %xor3A_1374 : i32 to vector<16xi32>
      %xor3A_1376 = arith.xori %iota3A, %xor3A_1375 : vector<16xi32>
      %lt3A_1377 = arith.constant 0 : i32
      %lt3A_1378 = vector.broadcast %lt3A_1377 : i32 to vector<16xi32>
      %lt3A_1379 = arith.cmpi slt, %xor3A_1376, %lt3A_1378 : vector<16xi32>
      %add3A_1380 = arith.constant 16 : i32
      %add3A_1381 = vector.broadcast %add3A_1380 : i32 to vector<16xi32>
      %add3A_1382 = arith.addi %xor3A_1376, %add3A_1381 : vector<16xi32>
      %select_n3A_1383 = arith.select %lt3A_1379, %add3A_1382, %xor3A_1376 : vector<16xi1>, vector<16xi32>
      %broadcast_in_dim3A_1384 = vector.shape_cast %select_n3A_1383 : vector<16xi32> to vector<16x1xi32>
      %gather3A_1385 = vector.shape_cast %broadcast_in_dim3A_1384 : vector<16x1xi32> to vector<16xi32>
      %gather3A_1386 = tpu.dynamic_gather %select_n3A_1282[%gather3A_1385] in [0] : vector<16xi32>, vector<16xi32> -> vector<16xi32>
      %add3A_1387 = arith.addi %select_n3A_1282, %gather3A_1386 : vector<16xi32>
      %xor3A_1388 = arith.constant 2 : i32
      %xor3A_1389 = vector.broadcast %xor3A_1388 : i32 to vector<16xi32>
      %xor3A_1390 = arith.xori %iota3A, %xor3A_1389 : vector<16xi32>
      %lt3A_1391 = arith.constant 0 : i32
      %lt3A_1392 = vector.broadcast %lt3A_1391 : i32 to vector<16xi32>
      %lt3A_1393 = arith.cmpi slt, %xor3A_1390, %lt3A_1392 : vector<16xi32>
      %add3A_1394 = arith.constant 16 : i32
      %add3A_1395 = vector.broadcast %add3A_1394 : i32 to vector<16xi32>
      %add3A_1396 = arith.addi %xor3A_1390, %add3A_1395 : vector<16xi32>
      %select_n3A_1397 = arith.select %lt3A_1393, %add3A_1396, %xor3A_1390 : vector<16xi1>, vector<16xi32>
      %broadcast_in_dim3A_1398 = vector.shape_cast %select_n3A_1397 : vector<16xi32> to vector<16x1xi32>
      %gather3A_1399 = vector.shape_cast %broadcast_in_dim3A_1398 : vector<16x1xi32> to vector<16xi32>
      %gather3A_1400 = tpu.dynamic_gather %add3A_1387[%gather3A_1399] in [0] : vector<16xi32>, vector<16xi32> -> vector<16xi32>
      %add3A_1401 = arith.addi %add3A_1387, %gather3A_1400 : vector<16xi32>
      %xor3A_1402 = arith.constant 4 : i32
      %xor3A_1403 = vector.broadcast %xor3A_1402 : i32 to vector<16xi32>
      %xor3A_1404 = arith.xori %iota3A, %xor3A_1403 : vector<16xi32>
      %lt3A_1405 = arith.constant 0 : i32
      %lt3A_1406 = vector.broadcast %lt3A_1405 : i32 to vector<16xi32>
      %lt3A_1407 = arith.cmpi slt, %xor3A_1404, %lt3A_1406 : vector<16xi32>
      %add3A_1408 = arith.constant 16 : i32
      %add3A_1409 = vector.broadcast %add3A_1408 : i32 to vector<16xi32>
      %add3A_1410 = arith.addi %xor3A_1404, %add3A_1409 : vector<16xi32>
      %select_n3A_1411 = arith.select %lt3A_1407, %add3A_1410, %xor3A_1404 : vector<16xi1>, vector<16xi32>
      %broadcast_in_dim3A_1412 = vector.shape_cast %select_n3A_1411 : vector<16xi32> to vector<16x1xi32>
      %gather3A_1413 = vector.shape_cast %broadcast_in_dim3A_1412 : vector<16x1xi32> to vector<16xi32>
      %gather3A_1414 = tpu.dynamic_gather %add3A_1401[%gather3A_1413] in [0] : vector<16xi32>, vector<16xi32> -> vector<16xi32>
      %add3A_1415 = arith.addi %add3A_1401, %gather3A_1414 : vector<16xi32>
      %xor3A_1416 = arith.constant 8 : i32
      %xor3A_1417 = vector.broadcast %xor3A_1416 : i32 to vector<16xi32>
      %xor3A_1418 = arith.xori %iota3A, %xor3A_1417 : vector<16xi32>
      %lt3A_1419 = arith.constant 0 : i32
      %lt3A_1420 = vector.broadcast %lt3A_1419 : i32 to vector<16xi32>
      %lt3A_1421 = arith.cmpi slt, %xor3A_1418, %lt3A_1420 : vector<16xi32>
      %add3A_1422 = arith.constant 16 : i32
      %add3A_1423 = vector.broadcast %add3A_1422 : i32 to vector<16xi32>
      %add3A_1424 = arith.addi %xor3A_1418, %add3A_1423 : vector<16xi32>
      %select_n3A_1425 = arith.select %lt3A_1421, %add3A_1424, %xor3A_1418 : vector<16xi1>, vector<16xi32>
      %broadcast_in_dim3A_1426 = vector.shape_cast %select_n3A_1425 : vector<16xi32> to vector<16x1xi32>
      %gather3A_1427 = vector.shape_cast %broadcast_in_dim3A_1426 : vector<16x1xi32> to vector<16xi32>
      %gather3A_1428 = tpu.dynamic_gather %add3A_1415[%gather3A_1427] in [0] : vector<16xi32>, vector<16xi32> -> vector<16xi32>
      %add3A_1429 = arith.addi %add3A_1415, %gather3A_1428 : vector<16xi32>
      %add3A_1430 = arith.addi %scan3A_1278, %add3A_1429 : vector<16xi32>
      scf.yield %add3A_1430 : vector<16xi32>
    }
    %scan3A_1276 = arith.constant 6250 : i32
    "tpu.region"() ({
      %run_scoped3A = tpu.sem_alloc : memref<!tpu.dma_semaphore, #tpu.memory_space<semaphore_mem>>
      %dma_start3A = arith.constant 0 : i32
      %dma_start3A_1277 = tpu.memref_slice %arg6[%dma_start3A] : memref<528xf32, #tpu.memory_space<vmem>> -> memref<512xf32, #tpu.memory_space<vmem>>
      %dma_start3A_1278 = arith.constant 0 : i32
      %dma_start3A_1279 = tpu.memref_slice %arg3[%add3A, %dma_start3A_1278] : memref<32x512xf32, #tpu.memory_space<hbm>> -> memref<1x512xf32, #tpu.memory_space<hbm>>
      %dma_start3A_1280 = tpu.memref_squeeze %dma_start3A_1279 : memref<1x512xf32, #tpu.memory_space<hbm>> -> memref<512xf32, #tpu.memory_space<hbm>>
      %dma_start3A_1281 = arith.constant 0 : i32
      %dma_start3A_1282 = tpu.memref_slice %arg3[%add3A, %dma_start3A_1281] : memref<32x512xf32, #tpu.memory_space<hbm>> -> memref<1x512xf32, #tpu.memory_space<hbm>>
      %dma_start3A_1283 = tpu.memref_squeeze %dma_start3A_1282 : memref<1x512xf32, #tpu.memory_space<hbm>> -> memref<512xf32, #tpu.memory_space<hbm>>
      %dma_start3A_1284 = arith.constant 0 : i32
      %dma_start3A_1285 = tpu.memref_slice %arg6[%dma_start3A_1284] : memref<528xf32, #tpu.memory_space<vmem>> -> memref<512xf32, #tpu.memory_space<vmem>>
      tpu.enqueue_dma source(%dma_start3A_1285 : memref<512xf32, #tpu.memory_space<vmem>>) target(%dma_start3A_1283 : memref<512xf32, #tpu.memory_space<hbm>>) target_semaphore(%run_scoped3A : memref<!tpu.dma_semaphore, #tpu.memory_space<semaphore_mem>>)
      %dma_wait3A = arith.constant 0 : i32
      %dma_wait3A_1286 = tpu.memref_slice %arg6[%dma_wait3A] : memref<528xf32, #tpu.memory_space<vmem>> -> memref<512xf32, #tpu.memory_space<vmem>>
      %dma_wait3A_1287 = arith.constant 0 : i32
      %dma_wait3A_1288 = tpu.memref_slice %arg3[%add3A, %dma_wait3A_1287] : memref<32x512xf32, #tpu.memory_space<hbm>> -> memref<1x512xf32, #tpu.memory_space<hbm>>
      %dma_wait3A_1289 = tpu.memref_squeeze %dma_wait3A_1288 : memref<1x512xf32, #tpu.memory_space<hbm>> -> memref<512xf32, #tpu.memory_space<hbm>>
      %dma_wait3A_1290 = arith.constant 0 : i32
      %dma_wait3A_1291 = tpu.memref_slice %arg3[%add3A, %dma_wait3A_1290] : memref<32x512xf32, #tpu.memory_space<hbm>> -> memref<1x512xf32, #tpu.memory_space<hbm>>
      %dma_wait3A_1292 = tpu.memref_squeeze %dma_wait3A_1291 : memref<1x512xf32, #tpu.memory_space<hbm>> -> memref<512xf32, #tpu.memory_space<hbm>>
      %dma_wait3A_1293 = arith.constant 0 : i32
      %dma_wait3A_1294 = tpu.memref_slice %arg6[%dma_wait3A_1293] : memref<528xf32, #tpu.memory_space<vmem>> -> memref<512xf32, #tpu.memory_space<vmem>>
      tpu.wait_dma2 semaphore(%run_scoped3A : memref<!tpu.dma_semaphore, #tpu.memory_space<semaphore_mem>>) src(%dma_wait3A_1294 : memref<512xf32, #tpu.memory_space<vmem>>) dst(%dma_wait3A_1292 : memref<512xf32, #tpu.memory_space<hbm>>)
      tpu.yield
    }) : () -> ()
    "tpu.region"() ({
      %run_scoped3A = tpu.sem_alloc : memref<!tpu.dma_semaphore, #tpu.memory_space<semaphore_mem>>
      %dma_start3A = arith.constant 0 : i32
      %dma_start3A_1277 = tpu.memref_slice %arg7[%dma_start3A] : memref<528xi32, #tpu.memory_space<vmem>> -> memref<512xi32, #tpu.memory_space<vmem>>
      %dma_start3A_1278 = arith.constant 0 : i32
      %dma_start3A_1279 = tpu.memref_slice %arg4[%add3A, %dma_start3A_1278] : memref<32x512xi32, #tpu.memory_space<hbm>> -> memref<1x512xi32, #tpu.memory_space<hbm>>
      %dma_start3A_1280 = tpu.memref_squeeze %dma_start3A_1279 : memref<1x512xi32, #tpu.memory_space<hbm>> -> memref<512xi32, #tpu.memory_space<hbm>>
      %dma_start3A_1281 = arith.constant 0 : i32
      %dma_start3A_1282 = tpu.memref_slice %arg4[%add3A, %dma_start3A_1281] : memref<32x512xi32, #tpu.memory_space<hbm>> -> memref<1x512xi32, #tpu.memory_space<hbm>>
      %dma_start3A_1283 = tpu.memref_squeeze %dma_start3A_1282 : memref<1x512xi32, #tpu.memory_space<hbm>> -> memref<512xi32, #tpu.memory_space<hbm>>
      %dma_start3A_1284 = arith.constant 0 : i32
      %dma_start3A_1285 = tpu.memref_slice %arg7[%dma_start3A_1284] : memref<528xi32, #tpu.memory_space<vmem>> -> memref<512xi32, #tpu.memory_space<vmem>>
      tpu.enqueue_dma source(%dma_start3A_1285 : memref<512xi32, #tpu.memory_space<vmem>>) target(%dma_start3A_1283 : memref<512xi32, #tpu.memory_space<hbm>>) target_semaphore(%run_scoped3A : memref<!tpu.dma_semaphore, #tpu.memory_space<semaphore_mem>>)
      %dma_wait3A = arith.constant 0 : i32
      %dma_wait3A_1286 = tpu.memref_slice %arg7[%dma_wait3A] : memref<528xi32, #tpu.memory_space<vmem>> -> memref<512xi32, #tpu.memory_space<vmem>>
      %dma_wait3A_1287 = arith.constant 0 : i32
      %dma_wait3A_1288 = tpu.memref_slice %arg4[%add3A, %dma_wait3A_1287] : memref<32x512xi32, #tpu.memory_space<hbm>> -> memref<1x512xi32, #tpu.memory_space<hbm>>
      %dma_wait3A_1289 = tpu.memref_squeeze %dma_wait3A_1288 : memref<1x512xi32, #tpu.memory_space<hbm>> -> memref<512xi32, #tpu.memory_space<hbm>>
      %dma_wait3A_1290 = arith.constant 0 : i32
      %dma_wait3A_1291 = tpu.memref_slice %arg4[%add3A, %dma_wait3A_1290] : memref<32x512xi32, #tpu.memory_space<hbm>> -> memref<1x512xi32, #tpu.memory_space<hbm>>
      %dma_wait3A_1292 = tpu.memref_squeeze %dma_wait3A_1291 : memref<1x512xi32, #tpu.memory_space<hbm>> -> memref<512xi32, #tpu.memory_space<hbm>>
      %dma_wait3A_1293 = arith.constant 0 : i32
      %dma_wait3A_1294 = tpu.memref_slice %arg7[%dma_wait3A_1293] : memref<528xi32, #tpu.memory_space<vmem>> -> memref<512xi32, #tpu.memory_space<vmem>>
      tpu.wait_dma2 semaphore(%run_scoped3A : memref<!tpu.dma_semaphore, #tpu.memory_space<semaphore_mem>>) src(%dma_wait3A_1294 : memref<512xi32, #tpu.memory_space<vmem>>) dst(%dma_wait3A_1292 : memref<512xi32, #tpu.memory_space<hbm>>)
      tpu.yield
    }) : () -> ()
    return
  }
}

module attributes {stable_mosaic.version = 14 : i64} {
  func.func @_att1_body(%arg0: i32, %arg1: i32, %arg2: memref<1x4x256x256xf32, #tpu.memory_space<vmem>>, %arg3: memref<32x4x4xf32, #tpu.memory_space<vmem>>, %arg4: memref<32x4x4xf32, #tpu.memory_space<vmem>>, %arg5: memref<1x256x256xf32, #tpu.memory_space<vmem>>) attributes {dimension_semantics = [#tpu.dimension_semantics<arbitrary>, #tpu.dimension_semantics<arbitrary>], iteration_bounds = array<i64: 32, 4>, scalar_prefetch = 0 : i64, scratch_operands = 0 : i64, tpu.core_type = #tpu.core_type<tc>, window_params = [{transform_indices = @transform_0, window_bounds = array<i64: 1, 4, 256, 256>}, {pipeline_mode = #tpu.pipeline_mode<synchronous>, transform_indices = @transform_1, window_bounds = array<i64: 32, 4, 4>}, {pipeline_mode = #tpu.pipeline_mode<synchronous>, transform_indices = @transform_2, window_bounds = array<i64: 32, 4, 4>}, {transform_indices = @transform_3, window_bounds = array<i64: 1, 256, 256>}]} {
    %get3A = arith.constant 0 : index
    %get3A_0 = arith.constant 0 : index
    %get3A_1 = arith.constant 0 : index
    %get3A_2 = arith.constant 0 : index
    %get3A_3 = vector.load %arg2[%get3A, %get3A_0, %get3A_1, %get3A_2] : memref<1x4x256x256xf32, #tpu.memory_space<vmem>>, vector<1x4x256x256xf32>
    %get3A_4 = vector.shape_cast %get3A_3 : vector<1x4x256x256xf32> to vector<4x256x256xf32>
    %reduce_max3A = arith.constant dense<0xFF800000> : vector<4x256xf32>
    %reduce_max3A_5 = vector.multi_reduction <maximumf>, %get3A_4, %reduce_max3A [2] : vector<4x256x256xf32> to vector<4x256xf32>
    %broadcast_in_dim3A = vector.shape_cast %reduce_max3A_5 : vector<4x256xf32> to vector<4x256x1xf32>
    %sub3A = vector.broadcast %broadcast_in_dim3A : vector<4x256x1xf32> to vector<4x256x256xf32>
    %sub3A_6 = arith.subf %get3A_4, %sub3A : vector<4x256x256xf32>
    %exp3A = math.exp %sub3A_6 : vector<4x256x256xf32>
    %reduce_sum3A = arith.constant dense<0.000000e+00> : vector<4x256xf32>
    %reduce_sum3A_7 = vector.multi_reduction <add>, %exp3A, %reduce_sum3A [2] : vector<4x256x256xf32> to vector<4x256xf32>
    %broadcast_in_dim3A_8 = vector.shape_cast %reduce_sum3A_7 : vector<4x256xf32> to vector<4x256x1xf32>
    %div3A = vector.broadcast %broadcast_in_dim3A_8 : vector<4x256x1xf32> to vector<4x256x256xf32>
    %div3A_9 = arith.divf %exp3A, %div3A : vector<4x256x256xf32>
    %jit3A = arith.constant 1.000000e-10 : f32
    %max3A = vector.broadcast %jit3A : f32 to vector<4x256x256xf32>
    %max3A_10 = arith.maximumf %max3A, %div3A_9 : vector<4x256x256xf32>
    %log3A = math.log %max3A_10 : vector<4x256x256xf32>
    %log3A_11 = arith.constant 2.000000e+00 : f32
    %log3A_12 = math.log %log3A_11 : f32
    %div3A_13 = vector.broadcast %log3A_12 : f32 to vector<4x256x256xf32>
    %div3A_14 = arith.divf %log3A, %div3A_13 : vector<4x256x256xf32>
    %mul3A = arith.mulf %div3A_9, %div3A_14 : vector<4x256x256xf32>
    %reduce_sum3A_15 = arith.constant dense<0.000000e+00> : vector<4x256xf32>
    %reduce_sum3A_16 = vector.multi_reduction <add>, %mul3A, %reduce_sum3A_15 [2] : vector<4x256x256xf32> to vector<4x256xf32>
    %neg3A = arith.constant 0.000000e+00 : f32
    %neg3A_17 = vector.broadcast %neg3A : f32 to vector<4x256xf32>
    %neg3A_18 = arith.subf %neg3A_17, %reduce_sum3A_16 : vector<4x256xf32>
    %reduce_sum3A_19 = arith.constant dense<0.000000e+00> : vector<4xf32>
    %reduce_sum3A_20 = vector.multi_reduction <add>, %neg3A_18, %reduce_sum3A_19 [1] : vector<4x256xf32> to vector<4xf32>
    %div3A_21 = arith.constant 2.560000e+02 : f32
    %div3A_22 = vector.broadcast %div3A_21 : f32 to vector<4xf32>
    %div3A_23 = arith.divf %reduce_sum3A_20, %div3A_22 : vector<4xf32>
    %broadcast_in_dim3A_24 = vector.shape_cast %div3A_23 : vector<4xf32> to vector<1x1x4xf32>
    %swap3A = arith.index_cast %arg0 : i32 to index
    %swap3A_25 = arith.index_cast %arg1 : i32 to index
    %swap3A_26 = arith.constant 0 : index
    %swap3A_27 = vector.load %arg3[%swap3A, %swap3A_25, %swap3A_26] : memref<32x4x4xf32, #tpu.memory_space<vmem>>, vector<1x1x4xf32>
    tpu.vector_store %arg3[%swap3A, %swap3A_25, %swap3A_26], %broadcast_in_dim3A_24 {strides = array<i32>} : memref<32x4x4xf32, #tpu.memory_space<vmem>>, vector<1x1x4xf32>,
    %abs3A = math.absf %get3A_4 : vector<4x256x256xf32>
    %reduce_sum3A_28 = arith.constant dense<0.000000e+00> : vector<4xf32>
    %reduce_sum3A_29 = vector.multi_reduction <add>, %abs3A, %reduce_sum3A_28 [1, 2] : vector<4x256x256xf32> to vector<4xf32>
    %broadcast_in_dim3A_30 = vector.shape_cast %reduce_sum3A_29 : vector<4xf32> to vector<1x1x4xf32>
    %swap3A_31 = arith.index_cast %arg0 : i32 to index
    %swap3A_32 = arith.index_cast %arg1 : i32 to index
    %swap3A_33 = arith.constant 0 : index
    %swap3A_34 = vector.load %arg4[%swap3A_31, %swap3A_32, %swap3A_33] : memref<32x4x4xf32, #tpu.memory_space<vmem>>, vector<1x1x4xf32>
    tpu.vector_store %arg4[%swap3A_31, %swap3A_32, %swap3A_33], %broadcast_in_dim3A_30 {strides = array<i32>} : memref<32x4x4xf32, #tpu.memory_space<vmem>>, vector<1x1x4xf32>,
    %reduce_sum3A_35 = arith.constant dense<0.000000e+00> : vector<256x256xf32>
    %reduce_sum3A_36 = vector.multi_reduction <add>, %div3A_9, %reduce_sum3A_35 [0] : vector<4x256x256xf32> to vector<256x256xf32>
    %eq3A = arith.constant 0 : i32
    %eq3A_37 = arith.cmpi eq, %arg1, %eq3A : i32
    %convert_element_type3A = arith.extui %eq3A_37 : i1 to i32
    %cond3A = arith.constant 0 : i32
    %cond3A_38 = arith.cmpi ne, %convert_element_type3A, %cond3A : i32
    scf.if %cond3A_38 {
      %swap3A_48 = arith.constant 0 : index
      %swap3A_49 = arith.constant 0 : index
      %swap3A_50 = arith.constant 0 : index
      %swap3A_51 = vector.load %arg5[%swap3A_48, %swap3A_49, %swap3A_50] : memref<1x256x256xf32, #tpu.memory_space<vmem>>, vector<1x256x256xf32>
      %swap3A_52 = vector.shape_cast %swap3A_51 : vector<1x256x256xf32> to vector<256x256xf32>
      %swap3A_53 = vector.shape_cast %reduce_sum3A_36 : vector<256x256xf32> to vector<1x256x256xf32>
      tpu.vector_store %arg5[%swap3A_48, %swap3A_49, %swap3A_50], %swap3A_53 {strides = array<i32>} : memref<1x256x256xf32, #tpu.memory_space<vmem>>, vector<1x256x256xf32>,
    } else {
    }
    %ne3A = arith.constant 0 : i32
    %ne3A_39 = arith.cmpi ne, %arg1, %ne3A : i32
    %convert_element_type3A_40 = arith.extui %ne3A_39 : i1 to i32
    %cond3A_41 = arith.constant 0 : i32
    %cond3A_42 = arith.cmpi ne, %convert_element_type3A_40, %cond3A_41 : i32
    scf.if %cond3A_42 {
      %get3A_48 = arith.constant 0 : index
      %get3A_49 = arith.constant 0 : index
      %get3A_50 = arith.constant 0 : index
      %get3A_51 = vector.load %arg5[%get3A_48, %get3A_49, %get3A_50] : memref<1x256x256xf32, #tpu.memory_space<vmem>>, vector<1x256x256xf32>
      %get3A_52 = vector.shape_cast %get3A_51 : vector<1x256x256xf32> to vector<256x256xf32>
      %add3A = arith.addf %get3A_52, %reduce_sum3A_36 : vector<256x256xf32>
      %swap3A_53 = arith.constant 0 : index
      %swap3A_54 = arith.constant 0 : index
      %swap3A_55 = arith.constant 0 : index
      %swap3A_56 = vector.load %arg5[%swap3A_53, %swap3A_54, %swap3A_55] : memref<1x256x256xf32, #tpu.memory_space<vmem>>, vector<1x256x256xf32>
      %swap3A_57 = vector.shape_cast %swap3A_56 : vector<1x256x256xf32> to vector<256x256xf32>
      %swap3A_58 = vector.shape_cast %add3A : vector<256x256xf32> to vector<1x256x256xf32>
      tpu.vector_store %arg5[%swap3A_53, %swap3A_54, %swap3A_55], %swap3A_58 {strides = array<i32>} : memref<1x256x256xf32, #tpu.memory_space<vmem>>, vector<1x256x256xf32>,
    } else {
    }
    %eq3A_43 = arith.constant 3 : i32
    %eq3A_44 = arith.cmpi eq, %arg1, %eq3A_43 : i32
    %convert_element_type3A_45 = arith.extui %eq3A_44 : i1 to i32
    %cond3A_46 = arith.constant 0 : i32
    %cond3A_47 = arith.cmpi ne, %convert_element_type3A_45, %cond3A_46 : i32
    scf.if %cond3A_47 {
      %get3A_48 = arith.constant 0 : index
      %get3A_49 = arith.constant 0 : index
      %get3A_50 = arith.constant 0 : index
      %get3A_51 = vector.load %arg5[%get3A_48, %get3A_49, %get3A_50] : memref<1x256x256xf32, #tpu.memory_space<vmem>>, vector<1x256x256xf32>
      %get3A_52 = vector.shape_cast %get3A_51 : vector<1x256x256xf32> to vector<256x256xf32>
      %mul3A_53 = arith.constant 6.250000e-02 : f32
      %mul3A_54 = vector.broadcast %mul3A_53 : f32 to vector<256x256xf32>
      %mul3A_55 = arith.mulf %get3A_52, %mul3A_54 : vector<256x256xf32>
      %swap3A_56 = arith.constant 0 : index
      %swap3A_57 = arith.constant 0 : index
      %swap3A_58 = arith.constant 0 : index
      %swap3A_59 = vector.load %arg5[%swap3A_56, %swap3A_57, %swap3A_58] : memref<1x256x256xf32, #tpu.memory_space<vmem>>, vector<1x256x256xf32>
      %swap3A_60 = vector.shape_cast %swap3A_59 : vector<1x256x256xf32> to vector<256x256xf32>
      %swap3A_61 = vector.shape_cast %mul3A_55 : vector<256x256xf32> to vector<1x256x256xf32>
      tpu.vector_store %arg5[%swap3A_56, %swap3A_57, %swap3A_58], %swap3A_61 {strides = array<i32>} : memref<1x256x256xf32, #tpu.memory_space<vmem>>, vector<1x256x256xf32>,
    } else {
    }
    return
  }
  func.func @transform_0(%arg0: i32, %arg1: i32) -> (i32, i32, i32, i32) {
    %c0_i32 = arith.constant 0 : i32
    %c0_i32_0 = arith.constant 0 : i32
    %c0_i32_1 = arith.constant 0 : i32
    return %arg0, %arg1, %c0_i32, %c0_i32_0 : i32, i32, i32, i32
  }
  func.func @transform_1(%arg0: i32, %arg1: i32) -> (i32, i32, i32) {
    %c0_i32 = arith.constant 0 : i32
    %c0_i32_0 = arith.constant 0 : i32
    %c0_i32_1 = arith.constant 0 : i32
    %c0_i32_2 = arith.constant 0 : i32
    return %c0_i32, %c0_i32_0, %c0_i32_1 : i32, i32, i32
  }
  func.func @transform_2(%arg0: i32, %arg1: i32) -> (i32, i32, i32) {
    %c0_i32 = arith.constant 0 : i32
    %c0_i32_0 = arith.constant 0 : i32
    %c0_i32_1 = arith.constant 0 : i32
    %c0_i32_2 = arith.constant 0 : i32
    return %c0_i32, %c0_i32_0, %c0_i32_1 : i32, i32, i32
  }
  func.func @transform_3(%arg0: i32, %arg1: i32) -> (i32, i32, i32) {
    %c0_i32 = arith.constant 0 : i32
    %c0_i32_0 = arith.constant 0 : i32
    %c0_i32_1 = arith.constant 0 : i32
    return %arg0, %c0_i32, %c0_i32_0 : i32, i32, i32
  }
}

module attributes {stable_mosaic.version = 14 : i64} {
  func.func @_lstats_body(%arg0: i32, %arg1: i32, %arg2: memref<32x12544xf32, #tpu.memory_space<vmem>>, %arg3: memref<32x128xf32, #tpu.memory_space<vmem>>) attributes {dimension_semantics = [#tpu.dimension_semantics<arbitrary>, #tpu.dimension_semantics<arbitrary>], iteration_bounds = array<i64: 4, 8>, scalar_prefetch = 0 : i64, scratch_operands = 0 : i64, tpu.core_type = #tpu.core_type<tc>, window_params = [{transform_indices = @transform_0, window_bounds = array<i64: 32, 12544>}, {pipeline_mode = #tpu.pipeline_mode<synchronous>, transform_indices = @transform_1, window_bounds = array<i64: 32, 128>}]} {
    %iota3A = tpu.iota {dimensions = array<i32: 1>} : vector<32x128xi32>
    %eq3A = arith.constant 0 : i32
    %eq3A_0 = arith.cmpi eq, %arg0, %eq3A : i32
    %eq3A_1 = arith.constant 0 : i32
    %eq3A_2 = arith.cmpi eq, %arg1, %eq3A_1 : i32
    %and3A = arith.andi %eq3A_0, %eq3A_2 : i1
    %convert_element_type3A = arith.extui %and3A : i1 to i32
    %cond3A = arith.constant 0 : i32
    %cond3A_3 = arith.cmpi ne, %convert_element_type3A, %cond3A : i32
    scf.if %cond3A_3 {
      %eq3A_31 = arith.constant 0 : i32
      %eq3A_32 = vector.broadcast %eq3A_31 : i32 to vector<32x128xi32>
      %eq3A_33 = arith.cmpi eq, %iota3A, %eq3A_32 : vector<32x128xi32>
      %jit3A = arith.constant 0xFF800000 : f32
      %jit3A_34 = arith.constant 0.000000e+00 : f32
      %broadcast_in_dim3A = vector.broadcast %jit3A : f32 to vector<32x128xf32>
      %broadcast_in_dim3A_35 = vector.broadcast %jit3A_34 : f32 to vector<32x128xf32>
      %select_n3A = arith.select %eq3A_33, %broadcast_in_dim3A, %broadcast_in_dim3A_35 : vector<32x128xi1>, vector<32x128xf32>
      %swap3A = arith.constant 0 : index
      %swap3A_36 = arith.constant 0 : index
      %swap3A_37 = vector.load %arg3[%swap3A, %swap3A_36] : memref<32x128xf32, #tpu.memory_space<vmem>>, vector<32x128xf32>
      tpu.vector_store %arg3[%swap3A, %swap3A_36], %select_n3A {strides = array<i32>} : memref<32x128xf32, #tpu.memory_space<vmem>>, vector<32x128xf32>,
    } else {
    }
    %get3A = arith.constant 0 : index
    %get3A_4 = arith.constant 0 : index
    %get3A_5 = vector.load %arg2[%get3A, %get3A_4] : memref<32x12544xf32, #tpu.memory_space<vmem>>, vector<32x12544xf32>
    %mul3A = arith.constant 12544 : i32
    %mul3A_6 = arith.muli %arg1, %mul3A : i32
    %iota3A_7 = tpu.iota {dimensions = array<i32: 1>} : vector<32x12544xi32>
    %add3A = vector.broadcast %mul3A_6 : i32 to vector<32x12544xi32>
    %add3A_8 = arith.addi %add3A, %iota3A_7 : vector<32x12544xi32>
    %lt3A = arith.constant 100000 : i32
    %lt3A_9 = vector.broadcast %lt3A : i32 to vector<32x12544xi32>
    %lt3A_10 = arith.cmpi slt, %add3A_8, %lt3A_9 : vector<32x12544xi32>
    %eq3A_11 = arith.constant 0 : i32
    %eq3A_12 = arith.cmpi eq, %arg0, %eq3A_11 : i32
    %convert_element_type3A_13 = arith.extui %eq3A_12 : i1 to i32
    %cond3A_14 = arith.constant 0 : i32
    %cond3A_15 = arith.cmpi ne, %convert_element_type3A_13, %cond3A_14 : i32
    scf.if %cond3A_15 {
      %jit3A = arith.constant 0xFF800000 : f32
      %broadcast_in_dim3A = vector.broadcast %jit3A : f32 to vector<32x12544xf32>
      %select_n3A = arith.select %lt3A_10, %get3A_5, %broadcast_in_dim3A : vector<32x12544xi1>, vector<32x12544xf32>
      %reduce_max3A = arith.constant dense<0xFF800000> : vector<32xf32>
      %reduce_max3A_31 = vector.multi_reduction <maximumf>, %select_n3A, %reduce_max3A [1] : vector<32x12544xf32> to vector<32xf32>
      %broadcast_in_dim3A_32 = vector.shape_cast %reduce_max3A_31 : vector<32xf32> to vector<32x1xf32>
      %get3A_33 = arith.constant 0 : index
      %get3A_34 = arith.constant 0 : index
      %get3A_35 = vector.load %arg3[%get3A_33, %get3A_34] : memref<32x128xf32, #tpu.memory_space<vmem>>, vector<32x1xf32>
      %max3A = arith.maximumf %get3A_35, %broadcast_in_dim3A_32 : vector<32x1xf32>
      %swap3A = arith.constant 0 : index
      %swap3A_36 = arith.constant 0 : index
      %swap3A_37 = vector.load %arg3[%swap3A, %swap3A_36] : memref<32x128xf32, #tpu.memory_space<vmem>>, vector<32x1xf32>
      tpu.vector_store %arg3[%swap3A, %swap3A_36], %max3A {strides = array<i32>} : memref<32x128xf32, #tpu.memory_space<vmem>>, vector<32x1xf32>,
    } else {
    }
    %eq3A_16 = arith.constant 1 : i32
    %eq3A_17 = arith.cmpi eq, %arg0, %eq3A_16 : i32
    %convert_element_type3A_18 = arith.extui %eq3A_17 : i1 to i32
    %cond3A_19 = arith.constant 0 : i32
    %cond3A_20 = arith.cmpi ne, %convert_element_type3A_18, %cond3A_19 : i32
    scf.if %cond3A_20 {
      %get3A_31 = arith.constant 0 : index
      %get3A_32 = arith.constant 0 : index
      %get3A_33 = vector.load %arg3[%get3A_31, %get3A_32] : memref<32x128xf32, #tpu.memory_space<vmem>>, vector<32x1xf32>
      %div3A = arith.constant 6.660000e-01 : f32
      %div3A_34 = vector.broadcast %div3A : f32 to vector<32x1xf32>
      %div3A_35 = arith.divf %get3A_33, %div3A_34 : vector<32x1xf32>
      %div3A_36 = arith.constant 6.660000e-01 : f32
      %div3A_37 = vector.broadcast %div3A_36 : f32 to vector<32x12544xf32>
      %div3A_38 = arith.divf %get3A_5, %div3A_37 : vector<32x12544xf32>
      %sub3A = vector.broadcast %div3A_35 : vector<32x1xf32> to vector<32x12544xf32>
      %sub3A_39 = arith.subf %div3A_38, %sub3A : vector<32x12544xf32>
      %exp3A = math.exp %sub3A_39 : vector<32x12544xf32>
      %jit3A = arith.constant 0.000000e+00 : f32
      %broadcast_in_dim3A = vector.broadcast %jit3A : f32 to vector<32x12544xf32>
      %select_n3A = arith.select %lt3A_10, %exp3A, %broadcast_in_dim3A : vector<32x12544xi1>, vector<32x12544xf32>
      %sub3A_40 = vector.broadcast %get3A_33 : vector<32x1xf32> to vector<32x12544xf32>
      %sub3A_41 = arith.subf %get3A_5, %sub3A_40 : vector<32x12544xf32>
      %exp3A_42 = math.exp %sub3A_41 : vector<32x12544xf32>
      %jit3A_43 = arith.constant 0.000000e+00 : f32
      %broadcast_in_dim3A_44 = vector.broadcast %jit3A_43 : f32 to vector<32x12544xf32>
      %select_n3A_45 = arith.select %lt3A_10, %exp3A_42, %broadcast_in_dim3A_44 : vector<32x12544xi1>, vector<32x12544xf32>
      %get3A_46 = arith.constant 0 : index
      %get3A_47 = arith.constant 1 : index
      %get3A_48 = vector.load %arg3[%get3A_46, %get3A_47] : memref<32x128xf32, #tpu.memory_space<vmem>>, vector<32x1xf32>
      %reduce_sum3A = arith.constant dense<0.000000e+00> : vector<32xf32>
      %reduce_sum3A_49 = vector.multi_reduction <add>, %select_n3A, %reduce_sum3A [1] : vector<32x12544xf32> to vector<32xf32>
      %broadcast_in_dim3A_50 = vector.shape_cast %reduce_sum3A_49 : vector<32xf32> to vector<32x1xf32>
      %add3A_51 = arith.addf %get3A_48, %broadcast_in_dim3A_50 : vector<32x1xf32>
      %swap3A = arith.constant 0 : index
      %swap3A_52 = arith.constant 1 : index
      %swap3A_53 = vector.load %arg3[%swap3A, %swap3A_52] : memref<32x128xf32, #tpu.memory_space<vmem>>, vector<32x1xf32>
      tpu.vector_store %arg3[%swap3A, %swap3A_52], %add3A_51 {strides = array<i32>} : memref<32x128xf32, #tpu.memory_space<vmem>>, vector<32x1xf32>,
      %get3A_54 = arith.constant 0 : index
      %get3A_55 = arith.constant 2 : index
      %get3A_56 = vector.load %arg3[%get3A_54, %get3A_55] : memref<32x128xf32, #tpu.memory_space<vmem>>, vector<32x1xf32>
      %reduce_sum3A_57 = arith.constant dense<0.000000e+00> : vector<32xf32>
      %reduce_sum3A_58 = vector.multi_reduction <add>, %select_n3A_45, %reduce_sum3A_57 [1] : vector<32x12544xf32> to vector<32xf32>
      %broadcast_in_dim3A_59 = vector.shape_cast %reduce_sum3A_58 : vector<32xf32> to vector<32x1xf32>
      %add3A_60 = arith.addf %get3A_56, %broadcast_in_dim3A_59 : vector<32x1xf32>
      %swap3A_61 = arith.constant 0 : index
      %swap3A_62 = arith.constant 2 : index
      %swap3A_63 = vector.load %arg3[%swap3A_61, %swap3A_62] : memref<32x128xf32, #tpu.memory_space<vmem>>, vector<32x1xf32>
      tpu.vector_store %arg3[%swap3A_61, %swap3A_62], %add3A_60 {strides = array<i32>} : memref<32x128xf32, #tpu.memory_space<vmem>>, vector<32x1xf32>,
    } else {
    }
    %eq3A_21 = arith.constant 2 : i32
    %eq3A_22 = arith.cmpi eq, %arg0, %eq3A_21 : i32
    %convert_element_type3A_23 = arith.extui %eq3A_22 : i1 to i32
    %cond3A_24 = arith.constant 0 : i32
    %cond3A_25 = arith.cmpi ne, %convert_element_type3A_23, %cond3A_24 : i32
    scf.if %cond3A_25 {
      %get3A_31 = arith.constant 0 : index
      %get3A_32 = arith.constant 0 : index
      %get3A_33 = vector.load %arg3[%get3A_31, %get3A_32] : memref<32x128xf32, #tpu.memory_space<vmem>>, vector<32x1xf32>
      %div3A = arith.constant 6.660000e-01 : f32
      %div3A_34 = vector.broadcast %div3A : f32 to vector<32x1xf32>
      %div3A_35 = arith.divf %get3A_33, %div3A_34 : vector<32x1xf32>
      %get3A_36 = arith.constant 0 : index
      %get3A_37 = arith.constant 1 : index
      %get3A_38 = vector.load %arg3[%get3A_36, %get3A_37] : memref<32x128xf32, #tpu.memory_space<vmem>>, vector<32x1xf32>
      %div3A_39 = arith.constant 6.660000e-01 : f32
      %div3A_40 = vector.broadcast %div3A_39 : f32 to vector<32x12544xf32>
      %div3A_41 = arith.divf %get3A_5, %div3A_40 : vector<32x12544xf32>
      %sub3A = vector.broadcast %div3A_35 : vector<32x1xf32> to vector<32x12544xf32>
      %sub3A_42 = arith.subf %div3A_41, %sub3A : vector<32x12544xf32>
      %log3A = math.log %get3A_38 : vector<32x1xf32>
      %sub3A_43 = vector.broadcast %log3A : vector<32x1xf32> to vector<32x12544xf32>
      %sub3A_44 = arith.subf %sub3A_42, %sub3A_43 : vector<32x12544xf32>
      %exp3A = math.exp %sub3A_44 : vector<32x12544xf32>
      %get3A_45 = arith.constant 0 : index
      %get3A_46 = arith.constant 3 : index
      %get3A_47 = vector.load %arg3[%get3A_45, %get3A_46] : memref<32x128xf32, #tpu.memory_space<vmem>>, vector<32x1xf32>
      %mul3A_48 = arith.mulf %exp3A, %sub3A_44 : vector<32x12544xf32>
      %jit3A = arith.constant 0.000000e+00 : f32
      %broadcast_in_dim3A = vector.broadcast %jit3A : f32 to vector<32x12544xf32>
      %select_n3A = arith.select %lt3A_10, %mul3A_48, %broadcast_in_dim3A : vector<32x12544xi1>, vector<32x12544xf32>
      %reduce_sum3A = arith.constant dense<0.000000e+00> : vector<32xf32>
      %reduce_sum3A_49 = vector.multi_reduction <add>, %select_n3A, %reduce_sum3A [1] : vector<32x12544xf32> to vector<32xf32>
      %broadcast_in_dim3A_50 = vector.shape_cast %reduce_sum3A_49 : vector<32xf32> to vector<32x1xf32>
      %add3A_51 = arith.addf %get3A_47, %broadcast_in_dim3A_50 : vector<32x1xf32>
      %swap3A = arith.constant 0 : index
      %swap3A_52 = arith.constant 3 : index
      %swap3A_53 = vector.load %arg3[%swap3A, %swap3A_52] : memref<32x128xf32, #tpu.memory_space<vmem>>, vector<32x1xf32>
      tpu.vector_store %arg3[%swap3A, %swap3A_52], %add3A_51 {strides = array<i32>} : memref<32x128xf32, #tpu.memory_space<vmem>>, vector<32x1xf32>,
    } else {
    }
    %eq3A_26 = arith.constant 3 : i32
    %eq3A_27 = arith.cmpi eq, %arg0, %eq3A_26 : i32
    %convert_element_type3A_28 = arith.extui %eq3A_27 : i1 to i32
    %cond3A_29 = arith.constant 0 : i32
    %cond3A_30 = arith.cmpi ne, %convert_element_type3A_28, %cond3A_29 : i32
    scf.if %cond3A_30 {
      %get3A_31 = arith.constant 0 : index
      %get3A_32 = arith.constant 0 : index
      %get3A_33 = vector.load %arg3[%get3A_31, %get3A_32] : memref<32x128xf32, #tpu.memory_space<vmem>>, vector<32x1xf32>
      %div3A = arith.constant 6.660000e-01 : f32
      %div3A_34 = vector.broadcast %div3A : f32 to vector<32x1xf32>
      %div3A_35 = arith.divf %get3A_33, %div3A_34 : vector<32x1xf32>
      %get3A_36 = arith.constant 0 : index
      %get3A_37 = arith.constant 1 : index
      %get3A_38 = vector.load %arg3[%get3A_36, %get3A_37] : memref<32x128xf32, #tpu.memory_space<vmem>>, vector<32x1xf32>
      %get3A_39 = arith.constant 0 : index
      %get3A_40 = arith.constant 3 : index
      %get3A_41 = vector.load %arg3[%get3A_39, %get3A_40] : memref<32x128xf32, #tpu.memory_space<vmem>>, vector<32x1xf32>
      %neg3A = arith.constant 0.000000e+00 : f32
      %neg3A_42 = vector.broadcast %neg3A : f32 to vector<32x1xf32>
      %neg3A_43 = arith.subf %neg3A_42, %get3A_41 : vector<32x1xf32>
      %div3A_44 = arith.constant 0.693147182 : f32
      %div3A_45 = vector.broadcast %div3A_44 : f32 to vector<32x1xf32>
      %div3A_46 = arith.divf %neg3A_43, %div3A_45 : vector<32x1xf32>
      %div3A_47 = arith.constant 6.660000e-01 : f32
      %div3A_48 = vector.broadcast %div3A_47 : f32 to vector<32x12544xf32>
      %div3A_49 = arith.divf %get3A_5, %div3A_48 : vector<32x12544xf32>
      %sub3A = vector.broadcast %div3A_35 : vector<32x1xf32> to vector<32x12544xf32>
      %sub3A_50 = arith.subf %div3A_49, %sub3A : vector<32x12544xf32>
      %log3A = math.log %get3A_38 : vector<32x1xf32>
      %sub3A_51 = vector.broadcast %log3A : vector<32x1xf32> to vector<32x12544xf32>
      %sub3A_52 = arith.subf %sub3A_50, %sub3A_51 : vector<32x12544xf32>
      %exp3A = math.exp %sub3A_52 : vector<32x12544xf32>
      %div3A_53 = arith.constant 0.693147182 : f32
      %div3A_54 = vector.broadcast %div3A_53 : f32 to vector<32x12544xf32>
      %div3A_55 = arith.divf %sub3A_52, %div3A_54 : vector<32x12544xf32>
      %add3A_56 = vector.broadcast %div3A_46 : vector<32x1xf32> to vector<32x12544xf32>
      %add3A_57 = arith.addf %div3A_55, %add3A_56 : vector<32x12544xf32>
      %integer_pow3A = arith.mulf %add3A_57, %add3A_57 : vector<32x12544xf32>
      %mul3A_58 = arith.mulf %exp3A, %integer_pow3A : vector<32x12544xf32>
      %get3A_59 = arith.constant 0 : index
      %get3A_60 = arith.constant 4 : index
      %get3A_61 = vector.load %arg3[%get3A_59, %get3A_60] : memref<32x128xf32, #tpu.memory_space<vmem>>, vector<32x1xf32>
      %jit3A = arith.constant 0.000000e+00 : f32
      %broadcast_in_dim3A = vector.broadcast %jit3A : f32 to vector<32x12544xf32>
      %select_n3A = arith.select %lt3A_10, %mul3A_58, %broadcast_in_dim3A : vector<32x12544xi1>, vector<32x12544xf32>
      %reduce_sum3A = arith.constant dense<0.000000e+00> : vector<32xf32>
      %reduce_sum3A_62 = vector.multi_reduction <add>, %select_n3A, %reduce_sum3A [1] : vector<32x12544xf32> to vector<32xf32>
      %broadcast_in_dim3A_63 = vector.shape_cast %reduce_sum3A_62 : vector<32xf32> to vector<32x1xf32>
      %add3A_64 = arith.addf %get3A_61, %broadcast_in_dim3A_63 : vector<32x1xf32>
      %swap3A = arith.constant 0 : index
      %swap3A_65 = arith.constant 4 : index
      %swap3A_66 = vector.load %arg3[%swap3A, %swap3A_65] : memref<32x128xf32, #tpu.memory_space<vmem>>, vector<32x1xf32>
      tpu.vector_store %arg3[%swap3A, %swap3A_65], %add3A_64 {strides = array<i32>} : memref<32x128xf32, #tpu.memory_space<vmem>>, vector<32x1xf32>,
    } else {
    }
    return
  }
  func.func @transform_0(%arg0: i32, %arg1: i32) -> (i32, i32) {
    %c0_i32 = arith.constant 0 : i32
    %c0_i32_0 = arith.constant 0 : i32
    return %c0_i32, %arg1 : i32, i32
  }
  func.func @transform_1(%arg0: i32, %arg1: i32) -> (i32, i32) {
    %c0_i32 = arith.constant 0 : i32
    %c0_i32_0 = arith.constant 0 : i32
    %c0_i32_1 = arith.constant 0 : i32
    return %c0_i32, %c0_i32_0 : i32, i32
  }
}

module attributes {stable_mosaic.version = 14 : i64} {
  func.func @_final_a_body(%arg0: i32, %arg1: memref<32x12544xf32, #tpu.memory_space<vmem>>, %arg2: memref<32x512xf32, #tpu.memory_space<vmem>>, %arg3: memref<4xf32, #tpu.memory_space<smem>>, %arg4: memref<32x1xf32, #tpu.memory_space<vmem>>) attributes {dimension_semantics = [#tpu.dimension_semantics<arbitrary>], iteration_bounds = array<i64: 8>, scalar_prefetch = 0 : i64, scratch_operands = 0 : i64, tpu.core_type = #tpu.core_type<tc>, window_params = [{transform_indices = @transform_0, window_bounds = array<i64: 32, 12544>}, {pipeline_mode = #tpu.pipeline_mode<synchronous>, transform_indices = @transform_1, window_bounds = array<i64: 32, 512>}, {transform_indices = @transform_2, window_bounds = array<i64: 4>}, {pipeline_mode = #tpu.pipeline_mode<synchronous>, transform_indices = @transform_3, window_bounds = array<i64: 32, 1>}]} {
    %get3A = arith.constant 0 : index
    %get3A_0 = memref.load %arg3[%get3A] : memref<4xf32, #tpu.memory_space<smem>>
    %get3A_1 = arith.constant 0 : index
    %get3A_2 = arith.constant 0 : index
    %get3A_3 = vector.load %arg1[%get3A_1, %get3A_2] : memref<32x12544xf32, #tpu.memory_space<vmem>>, vector<32x12544xf32>
    %mul3A = arith.constant 12544 : i32
    %mul3A_4 = arith.muli %arg0, %mul3A : i32
    %iota3A = tpu.iota {dimensions = array<i32: 1>} : vector<32x12544xi32>
    %add3A = vector.broadcast %mul3A_4 : i32 to vector<32x12544xi32>
    %add3A_5 = arith.addi %add3A, %iota3A : vector<32x12544xi32>
    %lt3A = arith.constant 100000 : i32
    %lt3A_6 = vector.broadcast %lt3A : i32 to vector<32x12544xi32>
    %lt3A_7 = arith.cmpi slt, %add3A_5, %lt3A_6 : vector<32x12544xi32>
    %get3A_8 = arith.constant 0 : index
    %get3A_9 = arith.constant 0 : index
    %get3A_10 = vector.load %arg2[%get3A_8, %get3A_9] : memref<32x512xf32, #tpu.memory_space<vmem>>, vector<32x512xf32>
    %reduce_max3A = arith.constant dense<0xFF800000> : vector<32xf32>
    %reduce_max3A_11 = vector.multi_reduction <maximumf>, %get3A_10, %reduce_max3A [1] : vector<32x512xf32> to vector<32xf32>
    %broadcast_in_dim3A = vector.shape_cast %reduce_max3A_11 : vector<32xf32> to vector<32x1xf32>
    %div3A = vector.broadcast %get3A_0 : f32 to vector<32x1xf32>
    %div3A_12 = arith.divf %broadcast_in_dim3A, %div3A : vector<32x1xf32>
    %eq3A = arith.constant 0 : i32
    %eq3A_13 = arith.cmpi eq, %arg0, %eq3A : i32
    %convert_element_type3A = arith.extui %eq3A_13 : i1 to i32
    %cond3A = arith.constant 0 : i32
    %cond3A_14 = arith.cmpi ne, %convert_element_type3A, %cond3A : i32
    scf.if %cond3A_14 {
      %broadcast_in_dim3A_27 = arith.constant 0.000000e+00 : f32
      %broadcast_in_dim3A_28 = vector.broadcast %broadcast_in_dim3A_27 : f32 to vector<32x1xf32>
      %swap3A_29 = arith.constant 0 : index
      %swap3A_30 = arith.constant 0 : index
      %swap3A_31 = vector.load %arg4[%swap3A_29, %swap3A_30] : memref<32x1xf32, #tpu.memory_space<vmem>>, vector<32x1xf32>
      tpu.vector_store %arg4[%swap3A_29, %swap3A_30], %broadcast_in_dim3A_28 {strides = array<i32>} : memref<32x1xf32, #tpu.memory_space<vmem>>, vector<32x1xf32>,
    } else {
    }
    %div3A_15 = vector.broadcast %get3A_0 : f32 to vector<32x12544xf32>
    %div3A_16 = arith.divf %get3A_3, %div3A_15 : vector<32x12544xf32>
    %sub3A = vector.broadcast %div3A_12 : vector<32x1xf32> to vector<32x12544xf32>
    %sub3A_17 = arith.subf %div3A_16, %sub3A : vector<32x12544xf32>
    %exp3A = math.exp %sub3A_17 : vector<32x12544xf32>
    %jit3A = arith.constant 0.000000e+00 : f32
    %broadcast_in_dim3A_18 = vector.broadcast %jit3A : f32 to vector<32x12544xf32>
    %select_n3A = arith.select %lt3A_7, %exp3A, %broadcast_in_dim3A_18 : vector<32x12544xi1>, vector<32x12544xf32>
    %get3A_19 = arith.constant 0 : index
    %get3A_20 = arith.constant 0 : index
    %get3A_21 = vector.load %arg4[%get3A_19, %get3A_20] : memref<32x1xf32, #tpu.memory_space<vmem>>, vector<32x1xf32>
    %reduce_sum3A = arith.constant dense<0.000000e+00> : vector<32xf32>
    %reduce_sum3A_22 = vector.multi_reduction <add>, %select_n3A, %reduce_sum3A [1] : vector<32x12544xf32> to vector<32xf32>
    %broadcast_in_dim3A_23 = vector.shape_cast %reduce_sum3A_22 : vector<32xf32> to vector<32x1xf32>
    %add3A_24 = arith.addf %get3A_21, %broadcast_in_dim3A_23 : vector<32x1xf32>
    %swap3A = arith.constant 0 : index
    %swap3A_25 = arith.constant 0 : index
    %swap3A_26 = vector.load %arg4[%swap3A, %swap3A_25] : memref<32x1xf32, #tpu.memory_space<vmem>>, vector<32x1xf32>
    tpu.vector_store %arg4[%swap3A, %swap3A_25], %add3A_24 {strides = array<i32>} : memref<32x1xf32, #tpu.memory_space<vmem>>, vector<32x1xf32>,
    return
  }
  func.func @transform_0(%arg0: i32) -> (i32, i32) {
    %c0_i32 = arith.constant 0 : i32
    %c0_i32_0 = arith.constant 0 : i32
    return %c0_i32, %arg0 : i32, i32
  }
  func.func @transform_1(%arg0: i32) -> (i32, i32) {
    %c0_i32 = arith.constant 0 : i32
    %c0_i32_0 = arith.constant 0 : i32
    %c0_i32_1 = arith.constant 0 : i32
    return %c0_i32, %c0_i32_0 : i32, i32
  }
  func.func @transform_2(%arg0: i32) -> i32 {
    %c0_i32 = arith.constant 0 : i32
    %c0_i32_0 = arith.constant 0 : i32
    return %c0_i32 : i32
  }
  func.func @transform_3(%arg0: i32) -> (i32, i32) {
    %c0_i32 = arith.constant 0 : i32
    %c0_i32_0 = arith.constant 0 : i32
    %c0_i32_1 = arith.constant 0 : i32
    return %c0_i32, %c0_i32_0 : i32, i32
  }
}

module attributes {stable_mosaic.version = 14 : i64} {
  func.func @_att2_body(%arg0: i32, %arg1: i32, %arg2: memref<1x4x256x256xf32, #tpu.memory_space<vmem>>, %arg3: memref<1x256x256xf32, #tpu.memory_space<vmem>>, %arg4: memref<32x4x4xf32, #tpu.memory_space<vmem>>) attributes {dimension_semantics = [#tpu.dimension_semantics<arbitrary>, #tpu.dimension_semantics<arbitrary>], iteration_bounds = array<i64: 32, 4>, scalar_prefetch = 0 : i64, scratch_operands = 0 : i64, tpu.core_type = #tpu.core_type<tc>, window_params = [{transform_indices = @transform_0, window_bounds = array<i64: 1, 4, 256, 256>}, {transform_indices = @transform_1, window_bounds = array<i64: 1, 256, 256>}, {pipeline_mode = #tpu.pipeline_mode<synchronous>, transform_indices = @transform_2, window_bounds = array<i64: 32, 4, 4>}]} {
    %get3A = arith.constant 0 : index
    %get3A_0 = arith.constant 0 : index
    %get3A_1 = arith.constant 0 : index
    %get3A_2 = arith.constant 0 : index
    %get3A_3 = vector.load %arg2[%get3A, %get3A_0, %get3A_1, %get3A_2] : memref<1x4x256x256xf32, #tpu.memory_space<vmem>>, vector<1x4x256x256xf32>
    %get3A_4 = vector.shape_cast %get3A_3 : vector<1x4x256x256xf32> to vector<4x256x256xf32>
    %reduce_max3A = arith.constant dense<0xFF800000> : vector<4x256xf32>
    %reduce_max3A_5 = vector.multi_reduction <maximumf>, %get3A_4, %reduce_max3A [2] : vector<4x256x256xf32> to vector<4x256xf32>
    %broadcast_in_dim3A = vector.shape_cast %reduce_max3A_5 : vector<4x256xf32> to vector<4x256x1xf32>
    %sub3A = vector.broadcast %broadcast_in_dim3A : vector<4x256x1xf32> to vector<4x256x256xf32>
    %sub3A_6 = arith.subf %get3A_4, %sub3A : vector<4x256x256xf32>
    %exp3A = math.exp %sub3A_6 : vector<4x256x256xf32>
    %reduce_sum3A = arith.constant dense<0.000000e+00> : vector<4x256xf32>
    %reduce_sum3A_7 = vector.multi_reduction <add>, %exp3A, %reduce_sum3A [2] : vector<4x256x256xf32> to vector<4x256xf32>
    %broadcast_in_dim3A_8 = vector.shape_cast %reduce_sum3A_7 : vector<4x256xf32> to vector<4x256x1xf32>
    %div3A = vector.broadcast %broadcast_in_dim3A_8 : vector<4x256x1xf32> to vector<4x256x256xf32>
    %div3A_9 = arith.divf %exp3A, %div3A : vector<4x256x256xf32>
    %get3A_10 = arith.constant 0 : index
    %get3A_11 = arith.constant 0 : index
    %get3A_12 = arith.constant 0 : index
    %get3A_13 = vector.load %arg3[%get3A_10, %get3A_11, %get3A_12] : memref<1x256x256xf32, #tpu.memory_space<vmem>>, vector<1x256x256xf32>
    %get3A_14 = vector.shape_cast %get3A_13 : vector<1x256x256xf32> to vector<256x256xf32>
    %broadcast_in_dim3A_15 = vector.shape_cast %get3A_14 : vector<256x256xf32> to vector<1x256x256xf32>
    %sub3A_16 = vector.broadcast %broadcast_in_dim3A_15 : vector<1x256x256xf32> to vector<4x256x256xf32>
    %sub3A_17 = arith.subf %div3A_9, %sub3A_16 : vector<4x256x256xf32>
    %abs3A = math.absf %sub3A_17 : vector<4x256x256xf32>
    %reduce_sum3A_18 = arith.constant dense<0.000000e+00> : vector<4xf32>
    %reduce_sum3A_19 = vector.multi_reduction <add>, %abs3A, %reduce_sum3A_18 [1, 2] : vector<4x256x256xf32> to vector<4xf32>
    %broadcast_in_dim3A_20 = vector.shape_cast %reduce_sum3A_19 : vector<4xf32> to vector<1x1x4xf32>
    %swap3A = arith.index_cast %arg0 : i32 to index
    %swap3A_21 = arith.index_cast %arg1 : i32 to index
    %swap3A_22 = arith.constant 0 : index
    %swap3A_23 = vector.load %arg4[%swap3A, %swap3A_21, %swap3A_22] : memref<32x4x4xf32, #tpu.memory_space<vmem>>, vector<1x1x4xf32>
    tpu.vector_store %arg4[%swap3A, %swap3A_21, %swap3A_22], %broadcast_in_dim3A_20 {strides = array<i32>} : memref<32x4x4xf32, #tpu.memory_space<vmem>>, vector<1x1x4xf32>,
    return
  }
  func.func @transform_0(%arg0: i32, %arg1: i32) -> (i32, i32, i32, i32) {
    %c0_i32 = arith.constant 0 : i32
    %c0_i32_0 = arith.constant 0 : i32
    %c0_i32_1 = arith.constant 0 : i32
    return %arg0, %arg1, %c0_i32, %c0_i32_0 : i32, i32, i32, i32
  }
  func.func @transform_1(%arg0: i32, %arg1: i32) -> (i32, i32, i32) {
    %c0_i32 = arith.constant 0 : i32
    %c0_i32_0 = arith.constant 0 : i32
    %c0_i32_1 = arith.constant 0 : i32
    return %arg0, %c0_i32, %c0_i32_0 : i32, i32, i32
  }
  func.func @transform_2(%arg0: i32, %arg1: i32) -> (i32, i32, i32) {
    %c0_i32 = arith.constant 0 : i32
    %c0_i32_0 = arith.constant 0 : i32
    %c0_i32_1 = arith.constant 0 : i32
    %c0_i32_2 = arith.constant 0 : i32
    return %c0_i32, %c0_i32_0, %c0_i32_1 : i32, i32, i32
  }
}

module attributes {stable_mosaic.version = 14 : i64} {
  func.func @_final_b_body(%arg0: i32, %arg1: memref<32x12544xf32, #tpu.memory_space<vmem>>, %arg2: memref<32x512xf32, #tpu.memory_space<vmem>>, %arg3: memref<32x512xi32, #tpu.memory_space<vmem>>, %arg4: memref<32x1xf32, #tpu.memory_space<vmem>>, %arg5: memref<4xf32, #tpu.memory_space<smem>>, %arg6: memref<4xi32, #tpu.memory_space<smem>>, %arg7: memref<32x12544xf32, #tpu.memory_space<vmem>>, %arg8: memref<32x1xi32, #tpu.memory_space<vmem>>, %arg9: memref<32x1xi32, #tpu.memory_space<vmem>>, %arg10: memref<32x128xf32, #tpu.memory_space<vmem>>) attributes {dimension_semantics = [#tpu.dimension_semantics<arbitrary>], iteration_bounds = array<i64: 8>, scalar_prefetch = 0 : i64, scratch_operands = 1 : i64, tpu.core_type = #tpu.core_type<tc>, window_params = [{transform_indices = @transform_0, window_bounds = array<i64: 32, 12544>}, {pipeline_mode = #tpu.pipeline_mode<synchronous>, transform_indices = @transform_1, window_bounds = array<i64: 32, 512>}, {pipeline_mode = #tpu.pipeline_mode<synchronous>, transform_indices = @transform_2, window_bounds = array<i64: 32, 512>}, {pipeline_mode = #tpu.pipeline_mode<synchronous>, transform_indices = @transform_3, window_bounds = array<i64: 32, 1>}, {transform_indices = @transform_4, window_bounds = array<i64: 4>}, {transform_indices = @transform_5, window_bounds = array<i64: 4>}, {transform_indices = @transform_6, window_bounds = array<i64: 32, 12544>}, {pipeline_mode = #tpu.pipeline_mode<synchronous>, transform_indices = @transform_7, window_bounds = array<i64: 32, 1>}, {pipeline_mode = #tpu.pipeline_mode<synchronous>, transform_indices = @transform_8, window_bounds = array<i64: 32, 1>}]} {
    %get3A = arith.constant 0 : index
    %get3A_0 = memref.load %arg5[%get3A] : memref<4xf32, #tpu.memory_space<smem>>
    %get3A_1 = arith.constant 1 : index
    %get3A_2 = memref.load %arg5[%get3A_1] : memref<4xf32, #tpu.memory_space<smem>>
    %get3A_3 = arith.constant 2 : index
    %get3A_4 = memref.load %arg5[%get3A_3] : memref<4xf32, #tpu.memory_space<smem>>
    %get3A_5 = arith.constant 0 : index
    %get3A_6 = memref.load %arg6[%get3A_5] : memref<4xi32, #tpu.memory_space<smem>>
    %get3A_7 = arith.constant 1 : index
    %get3A_8 = memref.load %arg6[%get3A_7] : memref<4xi32, #tpu.memory_space<smem>>
    %get3A_9 = arith.constant 2 : index
    %get3A_10 = memref.load %arg6[%get3A_9] : memref<4xi32, #tpu.memory_space<smem>>
    %get3A_11 = arith.constant 0 : index
    %get3A_12 = arith.constant 0 : index
    %get3A_13 = vector.load %arg1[%get3A_11, %get3A_12] : memref<32x12544xf32, #tpu.memory_space<vmem>>, vector<32x12544xf32>
    %eq3A = arith.constant 0 : i32
    %eq3A_14 = arith.cmpi eq, %arg0, %eq3A : i32
    %convert_element_type3A = arith.extui %eq3A_14 : i1 to i32
    %cond3A = arith.constant 0 : i32
    %cond3A_15 = arith.cmpi ne, %convert_element_type3A, %cond3A : i32
    scf.if %cond3A_15 {
      %get3A_59 = arith.constant 0 : index
      %get3A_60 = arith.constant 0 : index
      %get3A_61 = vector.load %arg4[%get3A_59, %get3A_60] : memref<32x1xf32, #tpu.memory_space<vmem>>, vector<32x1xf32>
      %get3A_62 = arith.constant 0 : index
      %get3A_63 = arith.constant 0 : index
      %get3A_64 = vector.load %arg2[%get3A_62, %get3A_63] : memref<32x512xf32, #tpu.memory_space<vmem>>, vector<32x512xf32>
      %get3A_65 = arith.constant 0 : index
      %get3A_66 = arith.constant 0 : index
      %get3A_67 = vector.load %arg3[%get3A_65, %get3A_66] : memref<32x512xi32, #tpu.memory_space<vmem>>, vector<32x512xi32>
      %iota3A = tpu.iota {dimensions = array<i32: 1>} : vector<32x128xi32>
      %broadcast_in_dim3A_68 = arith.constant 0xFF800000 : f32
      %broadcast_in_dim3A_69 = vector.broadcast %broadcast_in_dim3A_68 : f32 to vector<32x128xf32>
      %broadcast_in_dim3A_70 = arith.constant 0 : i32
      %broadcast_in_dim3A_71 = vector.broadcast %broadcast_in_dim3A_70 : i32 to vector<32x128xi32>
      %scan3A = arith.constant 0 : i32
      %scan3A_72 = arith.constant 128 : i32
      %scan3A_73 = arith.addi %scan3A, %scan3A_72 : i32
      %scan3A_74 = arith.constant 1 : i32
      %scan3A_75:3 = scf.for %scan3A_486 = %scan3A to %scan3A_73 step %scan3A_74 iter_args(%scan3A_487 = %broadcast_in_dim3A_69, %scan3A_488 = %broadcast_in_dim3A_71, %scan3A_489 = %get3A_64) -> (vector<32x128xf32>, vector<32x128xi32>, vector<32x512xf32>)  : i32 {
        %reduce_max3A_490 = arith.constant dense<0xFF800000> : vector<32xf32>
        %reduce_max3A_491 = vector.multi_reduction <maximumf>, %scan3A_489, %reduce_max3A_490 [1] : vector<32x512xf32> to vector<32xf32>
        %broadcast_in_dim3A_492 = vector.shape_cast %reduce_max3A_491 : vector<32xf32> to vector<32x1xf32>
        %eq3A_493 = vector.broadcast %broadcast_in_dim3A_492 : vector<32x1xf32> to vector<32x512xf32>
        %eq3A_494 = arith.cmpf oeq, %scan3A_489, %eq3A_493 : vector<32x512xf32>
        %jit3A_495 = arith.constant 1073741824 : i32
        %broadcast_in_dim3A_496 = vector.broadcast %jit3A_495 : i32 to vector<32x512xi32>
        %select_n3A_497 = arith.select %eq3A_494, %get3A_67, %broadcast_in_dim3A_496 : vector<32x512xi1>, vector<32x512xi32>
        %reduce_min3A_498 = arith.constant dense<2147483647> : vector<32xi32>
        %reduce_min3A_499 = vector.multi_reduction <minsi>, %select_n3A_497, %reduce_min3A_498 [1] : vector<32x512xi32> to vector<32xi32>
        %broadcast_in_dim3A_500 = vector.shape_cast %reduce_min3A_499 : vector<32xi32> to vector<32x1xi32>
        %eq3A_501 = vector.broadcast %broadcast_in_dim3A_492 : vector<32x1xf32> to vector<32x512xf32>
        %eq3A_502 = arith.cmpf oeq, %scan3A_489, %eq3A_501 : vector<32x512xf32>
        %eq3A_503 = vector.broadcast %broadcast_in_dim3A_500 : vector<32x1xi32> to vector<32x512xi32>
        %eq3A_504 = arith.cmpi eq, %get3A_67, %eq3A_503 : vector<32x512xi32>
        %and3A = arith.andi %eq3A_502, %eq3A_504 : vector<32x512xi1>
        %eq3A_505 = vector.broadcast %scan3A_486 : i32 to vector<32x128xi32>
        %eq3A_506 = arith.cmpi eq, %iota3A, %eq3A_505 : vector<32x128xi32>
        %broadcast_in_dim3A_507 = vector.shape_cast %broadcast_in_dim3A_492 : vector<32x1xf32> to vector<32x1xf32>
        %broadcast_in_dim3A_508 = vector.broadcast %broadcast_in_dim3A_507 : vector<32x1xf32> to vector<32x128xf32>
        %select_n3A_509 = arith.select %eq3A_506, %broadcast_in_dim3A_508, %scan3A_487 : vector<32x128xi1>, vector<32x128xf32>
        %broadcast_in_dim3A_510 = vector.shape_cast %broadcast_in_dim3A_500 : vector<32x1xi32> to vector<32x1xi32>
        %broadcast_in_dim3A_511 = vector.broadcast %broadcast_in_dim3A_510 : vector<32x1xi32> to vector<32x128xi32>
        %select_n3A_512 = arith.select %eq3A_506, %broadcast_in_dim3A_511, %scan3A_488 : vector<32x128xi1>, vector<32x128xi32>
        %jit3A_513 = arith.constant 0xFF800000 : f32
        %broadcast_in_dim3A_514 = vector.broadcast %jit3A_513 : f32 to vector<32x512xf32>
        %select_n3A_515 = arith.select %and3A, %broadcast_in_dim3A_514, %scan3A_489 : vector<32x512xi1>, vector<32x512xf32>
        scf.yield %select_n3A_509, %select_n3A_512, %select_n3A_515 : vector<32x128xf32>, vector<32x128xi32>, vector<32x512xf32>
      }
      %scan3A_76 = arith.constant 128 : i32
      %slice3A = vector.extract_strided_slice %scan3A_75#0 {offsets = [0, 0], sizes = [32, 1], strides = [1, 1]} : vector<32x128xf32> to vector<32x1xf32>
      %div3A_77 = vector.broadcast %get3A_0 : f32 to vector<32x1xf32>
      %div3A_78 = arith.divf %slice3A, %div3A_77 : vector<32x1xf32>
      %slice3A_79 = vector.extract_strided_slice %scan3A_75#1 {offsets = [0, 0], sizes = [32, 1], strides = [1, 1]} : vector<32x128xi32> to vector<32x1xi32>
      %swap3A_80 = arith.constant 0 : index
      %swap3A_81 = arith.constant 0 : index
      %swap3A_82 = vector.load %arg9[%swap3A_80, %swap3A_81] : memref<32x1xi32, #tpu.memory_space<vmem>>, vector<32x1xi32>
      tpu.vector_store %arg9[%swap3A_80, %swap3A_81], %slice3A_79 {strides = array<i32>} : memref<32x1xi32, #tpu.memory_space<vmem>>, vector<32x1xi32>,
      %div3A_83 = vector.broadcast %get3A_0 : f32 to vector<32x128xf32>
      %div3A_84 = arith.divf %scan3A_75#0, %div3A_83 : vector<32x128xf32>
      %sub3A_85 = vector.broadcast %div3A_78 : vector<32x1xf32> to vector<32x128xf32>
      %sub3A_86 = arith.subf %div3A_84, %sub3A_85 : vector<32x128xf32>
      %exp3A_87 = math.exp %sub3A_86 : vector<32x128xf32>
      %div3A_88 = vector.broadcast %get3A_61 : vector<32x1xf32> to vector<32x128xf32>
      %div3A_89 = arith.divf %exp3A_87, %div3A_88 : vector<32x128xf32>
      %div3A_90 = arith.constant 1.000000e+00 : f32
      %div3A_91 = vector.broadcast %div3A_90 : f32 to vector<32x1xf32>
      %div3A_92 = arith.divf %div3A_91, %get3A_61 : vector<32x1xf32>
      %mul3A = vector.broadcast %get3A_4 : f32 to vector<32x1xf32>
      %mul3A_93 = arith.mulf %mul3A, %div3A_92 : vector<32x1xf32>
      %lt3A_94 = vector.broadcast %mul3A_93 : vector<32x1xf32> to vector<32x128xf32>
      %lt3A_95 = arith.cmpf olt, %div3A_89, %lt3A_94 : vector<32x128xf32>
      %jit3A_96 = arith.constant -1.000000e+10 : f32
      %broadcast_in_dim3A_97 = vector.broadcast %jit3A_96 : f32 to vector<32x128xf32>
      %select_n3A_98 = arith.select %lt3A_95, %broadcast_in_dim3A_97, %div3A_84 : vector<32x128xi1>, vector<32x128xf32>
      %iota3A_99 = tpu.iota {dimensions = array<i32: 1>} : vector<32x128xi32>
      %sub3A_100 = arith.constant 1 : i32
      %sub3A_101 = arith.subi %get3A_6, %sub3A_100 : i32
      %eq3A_102 = vector.broadcast %sub3A_101 : i32 to vector<32x128xi32>
      %eq3A_103 = arith.cmpi eq, %iota3A_99, %eq3A_102 : vector<32x128xi32>
      %jit3A_104 = arith.constant 0.000000e+00 : f32
      %broadcast_in_dim3A_105 = vector.broadcast %jit3A_104 : f32 to vector<32x128xf32>
      %select_n3A_106 = arith.select %eq3A_103, %select_n3A_98, %broadcast_in_dim3A_105 : vector<32x128xi1>, vector<32x128xf32>
      %reduce_sum3A = arith.constant dense<0.000000e+00> : vector<32xf32>
      %reduce_sum3A_107 = vector.multi_reduction <add>, %select_n3A_106, %reduce_sum3A [1] : vector<32x128xf32> to vector<32xf32>
      %broadcast_in_dim3A_108 = vector.shape_cast %reduce_sum3A_107 : vector<32xf32> to vector<32x1xf32>
      %lt3A_109 = vector.broadcast %broadcast_in_dim3A_108 : vector<32x1xf32> to vector<32x128xf32>
      %lt3A_110 = arith.cmpf olt, %select_n3A_98, %lt3A_109 : vector<32x128xf32>
      %jit3A_111 = arith.constant -1.000000e+10 : f32
      %broadcast_in_dim3A_112 = vector.broadcast %jit3A_111 : f32 to vector<32x128xf32>
      %select_n3A_113 = arith.select %lt3A_110, %broadcast_in_dim3A_112, %select_n3A_98 : vector<32x128xi1>, vector<32x128xf32>
      %sub3A_114 = vector.broadcast %div3A_78 : vector<32x1xf32> to vector<32x128xf32>
      %sub3A_115 = arith.subf %select_n3A_113, %sub3A_114 : vector<32x128xf32>
      %exp3A_116 = math.exp %sub3A_115 : vector<32x128xf32>
      %reduce_sum3A_117 = arith.constant dense<0.000000e+00> : vector<32xf32>
      %reduce_sum3A_118 = vector.multi_reduction <add>, %exp3A_116, %reduce_sum3A_117 [1] : vector<32x128xf32> to vector<32xf32>
      %broadcast_in_dim3A_119 = vector.shape_cast %reduce_sum3A_118 : vector<32xf32> to vector<32x1xf32>
      %div3A_120 = vector.broadcast %broadcast_in_dim3A_119 : vector<32x1xf32> to vector<32x128xf32>
      %div3A_121 = arith.divf %exp3A_116, %div3A_120 : vector<32x128xf32>
      %broadcast_in_dim3A_122 = arith.constant 0.000000e+00 : f32
      %broadcast_in_dim3A_123 = vector.broadcast %broadcast_in_dim3A_122 : f32 to vector<32x1xf32>
      %slice3A_124 = vector.extract_strided_slice %div3A_121 {offsets = [0, 0], sizes = [32, 127], strides = [1, 1]} : vector<32x128xf32> to vector<32x127xf32>
      %concatenate3A = tpu.concatenate %broadcast_in_dim3A_123, %slice3A_124 in 1 : vector<32x1xf32>, vector<32x127xf32> -> vector<32x128xf32>
      %add3A = arith.addf %div3A_121, %concatenate3A : vector<32x128xf32>
      %broadcast_in_dim3A_125 = arith.constant 0.000000e+00 : f32
      %broadcast_in_dim3A_126 = vector.broadcast %broadcast_in_dim3A_125 : f32 to vector<32x2xf32>
      %slice3A_127 = vector.extract_strided_slice %add3A {offsets = [0, 0], sizes = [32, 126], strides = [1, 1]} : vector<32x128xf32> to vector<32x126xf32>
      %concatenate3A_128 = tpu.concatenate %broadcast_in_dim3A_126, %slice3A_127 in 1 : vector<32x2xf32>, vector<32x126xf32> -> vector<32x128xf32>
      %add3A_129 = arith.addf %add3A, %concatenate3A_128 : vector<32x128xf32>
      %broadcast_in_dim3A_130 = arith.constant 0.000000e+00 : f32
      %broadcast_in_dim3A_131 = vector.broadcast %broadcast_in_dim3A_130 : f32 to vector<32x4xf32>
      %slice3A_132 = vector.extract_strided_slice %add3A_129 {offsets = [0, 0], sizes = [32, 124], strides = [1, 1]} : vector<32x128xf32> to vector<32x124xf32>
      %concatenate3A_133 = tpu.concatenate %broadcast_in_dim3A_131, %slice3A_132 in 1 : vector<32x4xf32>, vector<32x124xf32> -> vector<32x128xf32>
      %add3A_134 = arith.addf %add3A_129, %concatenate3A_133 : vector<32x128xf32>
      %broadcast_in_dim3A_135 = arith.constant 0.000000e+00 : f32
      %broadcast_in_dim3A_136 = vector.broadcast %broadcast_in_dim3A_135 : f32 to vector<32x8xf32>
      %slice3A_137 = vector.extract_strided_slice %add3A_134 {offsets = [0, 0], sizes = [32, 120], strides = [1, 1]} : vector<32x128xf32> to vector<32x120xf32>
      %concatenate3A_138 = tpu.concatenate %broadcast_in_dim3A_136, %slice3A_137 in 1 : vector<32x8xf32>, vector<32x120xf32> -> vector<32x128xf32>
      %add3A_139 = arith.addf %add3A_134, %concatenate3A_138 : vector<32x128xf32>
      %broadcast_in_dim3A_140 = arith.constant 0.000000e+00 : f32
      %broadcast_in_dim3A_141 = vector.broadcast %broadcast_in_dim3A_140 : f32 to vector<32x16xf32>
      %slice3A_142 = vector.extract_strided_slice %add3A_139 {offsets = [0, 0], sizes = [32, 112], strides = [1, 1]} : vector<32x128xf32> to vector<32x112xf32>
      %concatenate3A_143 = tpu.concatenate %broadcast_in_dim3A_141, %slice3A_142 in 1 : vector<32x16xf32>, vector<32x112xf32> -> vector<32x128xf32>
      %add3A_144 = arith.addf %add3A_139, %concatenate3A_143 : vector<32x128xf32>
      %broadcast_in_dim3A_145 = arith.constant 0.000000e+00 : f32
      %broadcast_in_dim3A_146 = vector.broadcast %broadcast_in_dim3A_145 : f32 to vector<32x32xf32>
      %slice3A_147 = vector.extract_strided_slice %add3A_144 {offsets = [0, 0], sizes = [32, 96], strides = [1, 1]} : vector<32x128xf32> to vector<32x96xf32>
      %concatenate3A_148 = tpu.concatenate %broadcast_in_dim3A_146, %slice3A_147 in 1 : vector<32x32xf32>, vector<32x96xf32> -> vector<32x128xf32>
      %add3A_149 = arith.addf %add3A_144, %concatenate3A_148 : vector<32x128xf32>
      %broadcast_in_dim3A_150 = arith.constant 0.000000e+00 : f32
      %broadcast_in_dim3A_151 = vector.broadcast %broadcast_in_dim3A_150 : f32 to vector<32x64xf32>
      %slice3A_152 = vector.extract_strided_slice %add3A_149 {offsets = [0, 0], sizes = [32, 64], strides = [1, 1]} : vector<32x128xf32> to vector<32x64xf32>
      %concatenate3A_153 = tpu.concatenate %broadcast_in_dim3A_151, %slice3A_152 in 1 : vector<32x64xf32>, vector<32x64xf32> -> vector<32x128xf32>
      %add3A_154 = arith.addf %add3A_149, %concatenate3A_153 : vector<32x128xf32>
      %sub3A_155 = arith.subf %add3A_154, %div3A_121 : vector<32x128xf32>
      %le3A = vector.broadcast %get3A_2 : f32 to vector<32x128xf32>
      %le3A_156 = arith.cmpf ole, %sub3A_155, %le3A : vector<32x128xf32>
      %jit3A_157 = arith.constant 0x7F800000 : f32
      %broadcast_in_dim3A_158 = vector.broadcast %jit3A_157 : f32 to vector<32x128xf32>
      %select_n3A_159 = arith.select %le3A_156, %select_n3A_113, %broadcast_in_dim3A_158 : vector<32x128xi1>, vector<32x128xf32>
      %reduce_min3A = arith.constant dense<0x7F800000> : vector<32xf32>
      %reduce_min3A_160 = vector.multi_reduction <minimumf>, %select_n3A_159, %reduce_min3A [1] : vector<32x128xf32> to vector<32xf32>
      %broadcast_in_dim3A_161 = vector.shape_cast %reduce_min3A_160 : vector<32xf32> to vector<32x1xf32>
      %eq3A_162 = arith.constant 1 : i32
      %eq3A_163 = arith.cmpi eq, %get3A_8, %eq3A_162 : i32
      %jit3A_164 = arith.constant 0xFF800000 : f32
      %broadcast_in_dim3A_165 = vector.broadcast %jit3A_164 : f32 to vector<32x1xf32>
      %select_n3A_166 = arith.select %eq3A_163, %broadcast_in_dim3A_161, %broadcast_in_dim3A_165 : vector<32x1xf32>
      %lt3A_167 = vector.broadcast %select_n3A_166 : vector<32x1xf32> to vector<32x128xf32>
      %lt3A_168 = arith.cmpf olt, %select_n3A_113, %lt3A_167 : vector<32x128xf32>
      %jit3A_169 = arith.constant -1.000000e+10 : f32
      %broadcast_in_dim3A_170 = vector.broadcast %jit3A_169 : f32 to vector<32x128xf32>
      %select_n3A_171 = arith.select %lt3A_168, %broadcast_in_dim3A_170, %select_n3A_113 : vector<32x128xi1>, vector<32x128xf32>
      %sub3A_172 = vector.broadcast %div3A_78 : vector<32x1xf32> to vector<32x128xf32>
      %sub3A_173 = arith.subf %select_n3A_171, %sub3A_172 : vector<32x128xf32>
      %exp3A_174 = math.exp %sub3A_173 : vector<32x128xf32>
      %reduce_sum3A_175 = arith.constant dense<0.000000e+00> : vector<32xf32>
      %reduce_sum3A_176 = vector.multi_reduction <add>, %exp3A_174, %reduce_sum3A_175 [1] : vector<32x128xf32> to vector<32xf32>
      %broadcast_in_dim3A_177 = vector.shape_cast %reduce_sum3A_176 : vector<32xf32> to vector<32x1xf32>
      %eq3A_178 = arith.constant 1 : i32
      %eq3A_179 = arith.cmpi eq, %get3A_10, %eq3A_178 : i32
      %jit3A_180 = arith.constant -1.000000e+00 : f32
      %broadcast_in_dim3A_181 = vector.broadcast %jit3A_180 : f32 to vector<32x1xf32>
      %select_n3A_182 = arith.select %eq3A_179, %mul3A_93, %broadcast_in_dim3A_181 : vector<32x1xf32>
      %swap3A_183 = arith.constant 0 : index
      %swap3A_184 = arith.constant 0 : index
      %swap3A_185 = vector.load %arg10[%swap3A_183, %swap3A_184] : memref<32x128xf32, #tpu.memory_space<vmem>>, vector<32x1xf32>
      tpu.vector_store %arg10[%swap3A_183, %swap3A_184], %select_n3A_182 {strides = array<i32>} : memref<32x128xf32, #tpu.memory_space<vmem>>, vector<32x1xf32>,
      %jit3A_186 = arith.constant 0xFF800000 : f32
      %broadcast_in_dim3A_187 = vector.broadcast %jit3A_186 : f32 to vector<32x1xf32>
      %select_n3A_188 = arith.select %eq3A_179, %broadcast_in_dim3A_108, %broadcast_in_dim3A_187 : vector<32x1xf32>
      %swap3A_189 = arith.constant 0 : index
      %swap3A_190 = arith.constant 1 : index
      %swap3A_191 = vector.load %arg10[%swap3A_189, %swap3A_190] : memref<32x128xf32, #tpu.memory_space<vmem>>, vector<32x1xf32>
      tpu.vector_store %arg10[%swap3A_189, %swap3A_190], %select_n3A_188 {strides = array<i32>} : memref<32x128xf32, #tpu.memory_space<vmem>>, vector<32x1xf32>,
      %jit3A_192 = arith.constant 0xFF800000 : f32
      %broadcast_in_dim3A_193 = vector.broadcast %jit3A_192 : f32 to vector<32x1xf32>
      %select_n3A_194 = arith.select %eq3A_179, %select_n3A_166, %broadcast_in_dim3A_193 : vector<32x1xf32>
      %swap3A_195 = arith.constant 0 : index
      %swap3A_196 = arith.constant 2 : index
      %swap3A_197 = vector.load %arg10[%swap3A_195, %swap3A_196] : memref<32x128xf32, #tpu.memory_space<vmem>>, vector<32x1xf32>
      tpu.vector_store %arg10[%swap3A_195, %swap3A_196], %select_n3A_194 {strides = array<i32>} : memref<32x128xf32, #tpu.memory_space<vmem>>, vector<32x1xf32>,
      %select_n3A_198 = arith.select %eq3A_179, %broadcast_in_dim3A_177, %get3A_61 : vector<32x1xf32>
      %swap3A_199 = arith.constant 0 : index
      %swap3A_200 = arith.constant 3 : index
      %swap3A_201 = vector.load %arg10[%swap3A_199, %swap3A_200] : memref<32x128xf32, #tpu.memory_space<vmem>>, vector<32x1xf32>
      tpu.vector_store %arg10[%swap3A_199, %swap3A_200], %select_n3A_198 {strides = array<i32>} : memref<32x128xf32, #tpu.memory_space<vmem>>, vector<32x1xf32>,
      %swap3A_202 = arith.constant 0 : index
      %swap3A_203 = arith.constant 4 : index
      %swap3A_204 = vector.load %arg10[%swap3A_202, %swap3A_203] : memref<32x128xf32, #tpu.memory_space<vmem>>, vector<32x1xf32>
      tpu.vector_store %arg10[%swap3A_202, %swap3A_203], %div3A_78 {strides = array<i32>} : memref<32x128xf32, #tpu.memory_space<vmem>>, vector<32x1xf32>,
      %iota3A_205 = tpu.iota {dimensions = array<i32: 0>} : vector<32x128xi32>
      %mul3A_206 = arith.constant 100000 : i32
      %mul3A_207 = vector.broadcast %mul3A_206 : i32 to vector<32x128xi32>
      %mul3A_208 = arith.muli %iota3A_205, %mul3A_207 : vector<32x128xi32>
      %add3A_209 = arith.addi %mul3A_208, %scan3A_75#1 : vector<32x128xi32>
      %xor3A = arith.constant 0 : i32
      %xor3A_210 = arith.constant 42 : i32
      %xor3A_211 = arith.xori %xor3A, %xor3A_210 : i32
      %xor3A_212 = arith.constant 466688986 : i32
      %xor3A_213 = arith.xori %xor3A_211, %xor3A_212 : i32
      %broadcast_in_dim3A_214 = arith.constant 0 : i32
      %broadcast_in_dim3A_215 = vector.broadcast %broadcast_in_dim3A_214 : i32 to vector<32x128xi32>
      %add3A_216 = arith.constant 0 : i32
      %add3A_217 = vector.broadcast %add3A_216 : i32 to vector<32x128xi32>
      %add3A_218 = arith.addi %broadcast_in_dim3A_215, %add3A_217 : vector<32x128xi32>
      %add3A_219 = arith.constant 42 : i32
      %add3A_220 = vector.broadcast %add3A_219 : i32 to vector<32x128xi32>
      %add3A_221 = arith.addi %add3A_209, %add3A_220 : vector<32x128xi32>
      %add3A_222 = arith.addi %add3A_218, %add3A_221 : vector<32x128xi32>
      %shift_left3A = arith.constant 13 : i32
      %shift_left3A_223 = vector.broadcast %shift_left3A : i32 to vector<32x128xi32>
      %shift_left3A_224 = arith.shli %add3A_221, %shift_left3A_223 : vector<32x128xi32>
      %shift_right_logical3A = arith.constant 19 : i32
      %shift_right_logical3A_225 = vector.broadcast %shift_right_logical3A : i32 to vector<32x128xi32>
      %shift_right_logical3A_226 = arith.shrui %add3A_221, %shift_right_logical3A_225 : vector<32x128xi32>
      %or3A = arith.ori %shift_left3A_224, %shift_right_logical3A_226 : vector<32x128xi32>
      %xor3A_227 = arith.xori %or3A, %add3A_222 : vector<32x128xi32>
      %add3A_228 = arith.addi %add3A_222, %xor3A_227 : vector<32x128xi32>
      %shift_left3A_229 = arith.constant 15 : i32
      %shift_left3A_230 = vector.broadcast %shift_left3A_229 : i32 to vector<32x128xi32>
      %shift_left3A_231 = arith.shli %xor3A_227, %shift_left3A_230 : vector<32x128xi32>
      %shift_right_logical3A_232 = arith.constant 17 : i32
      %shift_right_logical3A_233 = vector.broadcast %shift_right_logical3A_232 : i32 to vector<32x128xi32>
      %shift_right_logical3A_234 = arith.shrui %xor3A_227, %shift_right_logical3A_233 : vector<32x128xi32>
      %or3A_235 = arith.ori %shift_left3A_231, %shift_right_logical3A_234 : vector<32x128xi32>
      %xor3A_236 = arith.xori %or3A_235, %add3A_228 : vector<32x128xi32>
      %add3A_237 = arith.addi %add3A_228, %xor3A_236 : vector<32x128xi32>
      %shift_left3A_238 = arith.constant 26 : i32
      %shift_left3A_239 = vector.broadcast %shift_left3A_238 : i32 to vector<32x128xi32>
      %shift_left3A_240 = arith.shli %xor3A_236, %shift_left3A_239 : vector<32x128xi32>
      %shift_right_logical3A_241 = arith.constant 6 : i32
      %shift_right_logical3A_242 = vector.broadcast %shift_right_logical3A_241 : i32 to vector<32x128xi32>
      %shift_right_logical3A_243 = arith.shrui %xor3A_236, %shift_right_logical3A_242 : vector<32x128xi32>
      %or3A_244 = arith.ori %shift_left3A_240, %shift_right_logical3A_243 : vector<32x128xi32>
      %xor3A_245 = arith.xori %or3A_244, %add3A_237 : vector<32x128xi32>
      %add3A_246 = arith.addi %add3A_237, %xor3A_245 : vector<32x128xi32>
      %shift_left3A_247 = arith.constant 6 : i32
      %shift_left3A_248 = vector.broadcast %shift_left3A_247 : i32 to vector<32x128xi32>
      %shift_left3A_249 = arith.shli %xor3A_245, %shift_left3A_248 : vector<32x128xi32>
      %shift_right_logical3A_250 = arith.constant 26 : i32
      %shift_right_logical3A_251 = vector.broadcast %shift_right_logical3A_250 : i32 to vector<32x128xi32>
      %shift_right_logical3A_252 = arith.shrui %xor3A_245, %shift_right_logical3A_251 : vector<32x128xi32>
      %or3A_253 = arith.ori %shift_left3A_249, %shift_right_logical3A_252 : vector<32x128xi32>
      %xor3A_254 = arith.xori %or3A_253, %add3A_246 : vector<32x128xi32>
      %add3A_255 = arith.constant 42 : i32
      %add3A_256 = vector.broadcast %add3A_255 : i32 to vector<32x128xi32>
      %add3A_257 = arith.addi %add3A_246, %add3A_256 : vector<32x128xi32>
      %add3A_258 = vector.broadcast %xor3A_213 : i32 to vector<32x128xi32>
      %add3A_259 = arith.addi %xor3A_254, %add3A_258 : vector<32x128xi32>
      %add3A_260 = arith.constant 1 : i32
      %add3A_261 = vector.broadcast %add3A_260 : i32 to vector<32x128xi32>
      %add3A_262 = arith.addi %add3A_259, %add3A_261 : vector<32x128xi32>
      %add3A_263 = arith.addi %add3A_257, %add3A_262 : vector<32x128xi32>
      %shift_left3A_264 = arith.constant 17 : i32
      %shift_left3A_265 = vector.broadcast %shift_left3A_264 : i32 to vector<32x128xi32>
      %shift_left3A_266 = arith.shli %add3A_262, %shift_left3A_265 : vector<32x128xi32>
      %shift_right_logical3A_267 = arith.constant 15 : i32
      %shift_right_logical3A_268 = vector.broadcast %shift_right_logical3A_267 : i32 to vector<32x128xi32>
      %shift_right_logical3A_269 = arith.shrui %add3A_262, %shift_right_logical3A_268 : vector<32x128xi32>
      %or3A_270 = arith.ori %shift_left3A_266, %shift_right_logical3A_269 : vector<32x128xi32>
      %xor3A_271 = arith.xori %or3A_270, %add3A_263 : vector<32x128xi32>
      %add3A_272 = arith.addi %add3A_263, %xor3A_271 : vector<32x128xi32>
      %shift_left3A_273 = arith.constant 29 : i32
      %shift_left3A_274 = vector.broadcast %shift_left3A_273 : i32 to vector<32x128xi32>
      %shift_left3A_275 = arith.shli %xor3A_271, %shift_left3A_274 : vector<32x128xi32>
      %shift_right_logical3A_276 = arith.constant 3 : i32
      %shift_right_logical3A_277 = vector.broadcast %shift_right_logical3A_276 : i32 to vector<32x128xi32>
      %shift_right_logical3A_278 = arith.shrui %xor3A_271, %shift_right_logical3A_277 : vector<32x128xi32>
      %or3A_279 = arith.ori %shift_left3A_275, %shift_right_logical3A_278 : vector<32x128xi32>
      %xor3A_280 = arith.xori %or3A_279, %add3A_272 : vector<32x128xi32>
      %add3A_281 = arith.addi %add3A_272, %xor3A_280 : vector<32x128xi32>
      %shift_left3A_282 = arith.constant 16 : i32
      %shift_left3A_283 = vector.broadcast %shift_left3A_282 : i32 to vector<32x128xi32>
      %shift_left3A_284 = arith.shli %xor3A_280, %shift_left3A_283 : vector<32x128xi32>
      %shift_right_logical3A_285 = arith.constant 16 : i32
      %shift_right_logical3A_286 = vector.broadcast %shift_right_logical3A_285 : i32 to vector<32x128xi32>
      %shift_right_logical3A_287 = arith.shrui %xor3A_280, %shift_right_logical3A_286 : vector<32x128xi32>
      %or3A_288 = arith.ori %shift_left3A_284, %shift_right_logical3A_287 : vector<32x128xi32>
      %xor3A_289 = arith.xori %or3A_288, %add3A_281 : vector<32x128xi32>
      %add3A_290 = arith.addi %add3A_281, %xor3A_289 : vector<32x128xi32>
      %shift_left3A_291 = arith.constant 24 : i32
      %shift_left3A_292 = vector.broadcast %shift_left3A_291 : i32 to vector<32x128xi32>
      %shift_left3A_293 = arith.shli %xor3A_289, %shift_left3A_292 : vector<32x128xi32>
      %shift_right_logical3A_294 = arith.constant 8 : i32
      %shift_right_logical3A_295 = vector.broadcast %shift_right_logical3A_294 : i32 to vector<32x128xi32>
      %shift_right_logical3A_296 = arith.shrui %xor3A_289, %shift_right_logical3A_295 : vector<32x128xi32>
      %or3A_297 = arith.ori %shift_left3A_293, %shift_right_logical3A_296 : vector<32x128xi32>
      %xor3A_298 = arith.xori %or3A_297, %add3A_290 : vector<32x128xi32>
      %add3A_299 = vector.broadcast %xor3A_213 : i32 to vector<32x128xi32>
      %add3A_300 = arith.addi %add3A_290, %add3A_299 : vector<32x128xi32>
      %add3A_301 = arith.constant 0 : i32
      %add3A_302 = vector.broadcast %add3A_301 : i32 to vector<32x128xi32>
      %add3A_303 = arith.addi %xor3A_298, %add3A_302 : vector<32x128xi32>
      %add3A_304 = arith.constant 2 : i32
      %add3A_305 = vector.broadcast %add3A_304 : i32 to vector<32x128xi32>
      %add3A_306 = arith.addi %add3A_303, %add3A_305 : vector<32x128xi32>
      %add3A_307 = arith.addi %add3A_300, %add3A_306 : vector<32x128xi32>
      %shift_left3A_308 = arith.constant 13 : i32
      %shift_left3A_309 = vector.broadcast %shift_left3A_308 : i32 to vector<32x128xi32>
      %shift_left3A_310 = arith.shli %add3A_306, %shift_left3A_309 : vector<32x128xi32>
      %shift_right_logical3A_311 = arith.constant 19 : i32
      %shift_right_logical3A_312 = vector.broadcast %shift_right_logical3A_311 : i32 to vector<32x128xi32>
      %shift_right_logical3A_313 = arith.shrui %add3A_306, %shift_right_logical3A_312 : vector<32x128xi32>
      %or3A_314 = arith.ori %shift_left3A_310, %shift_right_logical3A_313 : vector<32x128xi32>
      %xor3A_315 = arith.xori %or3A_314, %add3A_307 : vector<32x128xi32>
      %add3A_316 = arith.addi %add3A_307, %xor3A_315 : vector<32x128xi32>
      %shift_left3A_317 = arith.constant 15 : i32
      %shift_left3A_318 = vector.broadcast %shift_left3A_317 : i32 to vector<32x128xi32>
      %shift_left3A_319 = arith.shli %xor3A_315, %shift_left3A_318 : vector<32x128xi32>
      %shift_right_logical3A_320 = arith.constant 17 : i32
      %shift_right_logical3A_321 = vector.broadcast %shift_right_logical3A_320 : i32 to vector<32x128xi32>
      %shift_right_logical3A_322 = arith.shrui %xor3A_315, %shift_right_logical3A_321 : vector<32x128xi32>
      %or3A_323 = arith.ori %shift_left3A_319, %shift_right_logical3A_322 : vector<32x128xi32>
      %xor3A_324 = arith.xori %or3A_323, %add3A_316 : vector<32x128xi32>
      %add3A_325 = arith.addi %add3A_316, %xor3A_324 : vector<32x128xi32>
      %shift_left3A_326 = arith.constant 26 : i32
      %shift_left3A_327 = vector.broadcast %shift_left3A_326 : i32 to vector<32x128xi32>
      %shift_left3A_328 = arith.shli %xor3A_324, %shift_left3A_327 : vector<32x128xi32>
      %shift_right_logical3A_329 = arith.constant 6 : i32
      %shift_right_logical3A_330 = vector.broadcast %shift_right_logical3A_329 : i32 to vector<32x128xi32>
      %shift_right_logical3A_331 = arith.shrui %xor3A_324, %shift_right_logical3A_330 : vector<32x128xi32>
      %or3A_332 = arith.ori %shift_left3A_328, %shift_right_logical3A_331 : vector<32x128xi32>
      %xor3A_333 = arith.xori %or3A_332, %add3A_325 : vector<32x128xi32>
      %add3A_334 = arith.addi %add3A_325, %xor3A_333 : vector<32x128xi32>
      %shift_left3A_335 = arith.constant 6 : i32
      %shift_left3A_336 = vector.broadcast %shift_left3A_335 : i32 to vector<32x128xi32>
      %shift_left3A_337 = arith.shli %xor3A_333, %shift_left3A_336 : vector<32x128xi32>
      %shift_right_logical3A_338 = arith.constant 26 : i32
      %shift_right_logical3A_339 = vector.broadcast %shift_right_logical3A_338 : i32 to vector<32x128xi32>
      %shift_right_logical3A_340 = arith.shrui %xor3A_333, %shift_right_logical3A_339 : vector<32x128xi32>
      %or3A_341 = arith.ori %shift_left3A_337, %shift_right_logical3A_340 : vector<32x128xi32>
      %xor3A_342 = arith.xori %or3A_341, %add3A_334 : vector<32x128xi32>
      %add3A_343 = arith.constant 0 : i32
      %add3A_344 = vector.broadcast %add3A_343 : i32 to vector<32x128xi32>
      %add3A_345 = arith.addi %add3A_334, %add3A_344 : vector<32x128xi32>
      %add3A_346 = arith.constant 42 : i32
      %add3A_347 = vector.broadcast %add3A_346 : i32 to vector<32x128xi32>
      %add3A_348 = arith.addi %xor3A_342, %add3A_347 : vector<32x128xi32>
      %add3A_349 = arith.constant 3 : i32
      %add3A_350 = vector.broadcast %add3A_349 : i32 to vector<32x128xi32>
      %add3A_351 = arith.addi %add3A_348, %add3A_350 : vector<32x128xi32>
      %add3A_352 = arith.addi %add3A_345, %add3A_351 : vector<32x128xi32>
      %shift_left3A_353 = arith.constant 17 : i32
      %shift_left3A_354 = vector.broadcast %shift_left3A_353 : i32 to vector<32x128xi32>
      %shift_left3A_355 = arith.shli %add3A_351, %shift_left3A_354 : vector<32x128xi32>
      %shift_right_logical3A_356 = arith.constant 15 : i32
      %shift_right_logical3A_357 = vector.broadcast %shift_right_logical3A_356 : i32 to vector<32x128xi32>
      %shift_right_logical3A_358 = arith.shrui %add3A_351, %shift_right_logical3A_357 : vector<32x128xi32>
      %or3A_359 = arith.ori %shift_left3A_355, %shift_right_logical3A_358 : vector<32x128xi32>
      %xor3A_360 = arith.xori %or3A_359, %add3A_352 : vector<32x128xi32>
      %add3A_361 = arith.addi %add3A_352, %xor3A_360 : vector<32x128xi32>
      %shift_left3A_362 = arith.constant 29 : i32
      %shift_left3A_363 = vector.broadcast %shift_left3A_362 : i32 to vector<32x128xi32>
      %shift_left3A_364 = arith.shli %xor3A_360, %shift_left3A_363 : vector<32x128xi32>
      %shift_right_logical3A_365 = arith.constant 3 : i32
      %shift_right_logical3A_366 = vector.broadcast %shift_right_logical3A_365 : i32 to vector<32x128xi32>
      %shift_right_logical3A_367 = arith.shrui %xor3A_360, %shift_right_logical3A_366 : vector<32x128xi32>
      %or3A_368 = arith.ori %shift_left3A_364, %shift_right_logical3A_367 : vector<32x128xi32>
      %xor3A_369 = arith.xori %or3A_368, %add3A_361 : vector<32x128xi32>
      %add3A_370 = arith.addi %add3A_361, %xor3A_369 : vector<32x128xi32>
      %shift_left3A_371 = arith.constant 16 : i32
      %shift_left3A_372 = vector.broadcast %shift_left3A_371 : i32 to vector<32x128xi32>
      %shift_left3A_373 = arith.shli %xor3A_369, %shift_left3A_372 : vector<32x128xi32>
      %shift_right_logical3A_374 = arith.constant 16 : i32
      %shift_right_logical3A_375 = vector.broadcast %shift_right_logical3A_374 : i32 to vector<32x128xi32>
      %shift_right_logical3A_376 = arith.shrui %xor3A_369, %shift_right_logical3A_375 : vector<32x128xi32>
      %or3A_377 = arith.ori %shift_left3A_373, %shift_right_logical3A_376 : vector<32x128xi32>
      %xor3A_378 = arith.xori %or3A_377, %add3A_370 : vector<32x128xi32>
      %add3A_379 = arith.addi %add3A_370, %xor3A_378 : vector<32x128xi32>
      %shift_left3A_380 = arith.constant 24 : i32
      %shift_left3A_381 = vector.broadcast %shift_left3A_380 : i32 to vector<32x128xi32>
      %shift_left3A_382 = arith.shli %xor3A_378, %shift_left3A_381 : vector<32x128xi32>
      %shift_right_logical3A_383 = arith.constant 8 : i32
      %shift_right_logical3A_384 = vector.broadcast %shift_right_logical3A_383 : i32 to vector<32x128xi32>
      %shift_right_logical3A_385 = arith.shrui %xor3A_378, %shift_right_logical3A_384 : vector<32x128xi32>
      %or3A_386 = arith.ori %shift_left3A_382, %shift_right_logical3A_385 : vector<32x128xi32>
      %xor3A_387 = arith.xori %or3A_386, %add3A_379 : vector<32x128xi32>
      %add3A_388 = arith.constant 42 : i32
      %add3A_389 = vector.broadcast %add3A_388 : i32 to vector<32x128xi32>
      %add3A_390 = arith.addi %add3A_379, %add3A_389 : vector<32x128xi32>
      %add3A_391 = vector.broadcast %xor3A_213 : i32 to vector<32x128xi32>
      %add3A_392 = arith.addi %xor3A_387, %add3A_391 : vector<32x128xi32>
      %add3A_393 = arith.constant 4 : i32
      %add3A_394 = vector.broadcast %add3A_393 : i32 to vector<32x128xi32>
      %add3A_395 = arith.addi %add3A_392, %add3A_394 : vector<32x128xi32>
      %add3A_396 = arith.addi %add3A_390, %add3A_395 : vector<32x128xi32>
      %shift_left3A_397 = arith.constant 13 : i32
      %shift_left3A_398 = vector.broadcast %shift_left3A_397 : i32 to vector<32x128xi32>
      %shift_left3A_399 = arith.shli %add3A_395, %shift_left3A_398 : vector<32x128xi32>
      %shift_right_logical3A_400 = arith.constant 19 : i32
      %shift_right_logical3A_401 = vector.broadcast %shift_right_logical3A_400 : i32 to vector<32x128xi32>
      %shift_right_logical3A_402 = arith.shrui %add3A_395, %shift_right_logical3A_401 : vector<32x128xi32>
      %or3A_403 = arith.ori %shift_left3A_399, %shift_right_logical3A_402 : vector<32x128xi32>
      %xor3A_404 = arith.xori %or3A_403, %add3A_396 : vector<32x128xi32>
      %add3A_405 = arith.addi %add3A_396, %xor3A_404 : vector<32x128xi32>
      %shift_left3A_406 = arith.constant 15 : i32
      %shift_left3A_407 = vector.broadcast %shift_left3A_406 : i32 to vector<32x128xi32>
      %shift_left3A_408 = arith.shli %xor3A_404, %shift_left3A_407 : vector<32x128xi32>
      %shift_right_logical3A_409 = arith.constant 17 : i32
      %shift_right_logical3A_410 = vector.broadcast %shift_right_logical3A_409 : i32 to vector<32x128xi32>
      %shift_right_logical3A_411 = arith.shrui %xor3A_404, %shift_right_logical3A_410 : vector<32x128xi32>
      %or3A_412 = arith.ori %shift_left3A_408, %shift_right_logical3A_411 : vector<32x128xi32>
      %xor3A_413 = arith.xori %or3A_412, %add3A_405 : vector<32x128xi32>
      %add3A_414 = arith.addi %add3A_405, %xor3A_413 : vector<32x128xi32>
      %shift_left3A_415 = arith.constant 26 : i32
      %shift_left3A_416 = vector.broadcast %shift_left3A_415 : i32 to vector<32x128xi32>
      %shift_left3A_417 = arith.shli %xor3A_413, %shift_left3A_416 : vector<32x128xi32>
      %shift_right_logical3A_418 = arith.constant 6 : i32
      %shift_right_logical3A_419 = vector.broadcast %shift_right_logical3A_418 : i32 to vector<32x128xi32>
      %shift_right_logical3A_420 = arith.shrui %xor3A_413, %shift_right_logical3A_419 : vector<32x128xi32>
      %or3A_421 = arith.ori %shift_left3A_417, %shift_right_logical3A_420 : vector<32x128xi32>
      %xor3A_422 = arith.xori %or3A_421, %add3A_414 : vector<32x128xi32>
      %add3A_423 = arith.addi %add3A_414, %xor3A_422 : vector<32x128xi32>
      %shift_left3A_424 = arith.constant 6 : i32
      %shift_left3A_425 = vector.broadcast %shift_left3A_424 : i32 to vector<32x128xi32>
      %shift_left3A_426 = arith.shli %xor3A_422, %shift_left3A_425 : vector<32x128xi32>
      %shift_right_logical3A_427 = arith.constant 26 : i32
      %shift_right_logical3A_428 = vector.broadcast %shift_right_logical3A_427 : i32 to vector<32x128xi32>
      %shift_right_logical3A_429 = arith.shrui %xor3A_422, %shift_right_logical3A_428 : vector<32x128xi32>
      %or3A_430 = arith.ori %shift_left3A_426, %shift_right_logical3A_429 : vector<32x128xi32>
      %xor3A_431 = arith.xori %or3A_430, %add3A_423 : vector<32x128xi32>
      %add3A_432 = vector.broadcast %xor3A_213 : i32 to vector<32x128xi32>
      %add3A_433 = arith.addi %add3A_423, %add3A_432 : vector<32x128xi32>
      %add3A_434 = arith.constant 0 : i32
      %add3A_435 = vector.broadcast %add3A_434 : i32 to vector<32x128xi32>
      %add3A_436 = arith.addi %xor3A_431, %add3A_435 : vector<32x128xi32>
      %add3A_437 = arith.constant 5 : i32
      %add3A_438 = vector.broadcast %add3A_437 : i32 to vector<32x128xi32>
      %add3A_439 = arith.addi %add3A_436, %add3A_438 : vector<32x128xi32>
      %xor3A_440 = arith.xori %add3A_433, %add3A_439 : vector<32x128xi32>
      %shift_right_logical3A_441 = arith.constant 9 : i32
      %shift_right_logical3A_442 = vector.broadcast %shift_right_logical3A_441 : i32 to vector<32x128xi32>
      %shift_right_logical3A_443 = arith.shrui %xor3A_440, %shift_right_logical3A_442 : vector<32x128xi32>
      %or3A_444 = arith.constant 1065353216 : i32
      %or3A_445 = vector.broadcast %or3A_444 : i32 to vector<32x128xi32>
      %or3A_446 = arith.ori %shift_right_logical3A_443, %or3A_445 : vector<32x128xi32>
      %bitcast_convert_type3A = tpu.bitcast %or3A_446 : vector<32x128xi32> -> vector<32x128xf32>
      %sub3A_447 = arith.constant 1.000000e+00 : f32
      %sub3A_448 = vector.broadcast %sub3A_447 : f32 to vector<32x128xf32>
      %sub3A_449 = arith.subf %bitcast_convert_type3A, %sub3A_448 : vector<32x128xf32>
      %sub3A_450 = arith.constant 1.000000e+00 : f32
      %sub3A_451 = arith.constant 1.17549435E-38 : f32
      %sub3A_452 = arith.subf %sub3A_450, %sub3A_451 : f32
      %mul3A_453 = vector.broadcast %sub3A_452 : f32 to vector<32x128xf32>
      %mul3A_454 = arith.mulf %sub3A_449, %mul3A_453 : vector<32x128xf32>
      %add3A_455 = arith.constant 1.17549435E-38 : f32
      %add3A_456 = vector.broadcast %add3A_455 : f32 to vector<32x128xf32>
      %add3A_457 = arith.addf %mul3A_454, %add3A_456 : vector<32x128xf32>
      %max3A = arith.constant 1.17549435E-38 : f32
      %max3A_458 = vector.broadcast %max3A : f32 to vector<32x128xf32>
      %max3A_459 = arith.maximumf %max3A_458, %add3A_457 : vector<32x128xf32>
      %log3A = math.log %max3A_459 : vector<32x128xf32>
      %neg3A = arith.constant 0.000000e+00 : f32
      %neg3A_460 = vector.broadcast %neg3A : f32 to vector<32x128xf32>
      %neg3A_461 = arith.subf %neg3A_460, %log3A : vector<32x128xf32>
      %log3A_462 = math.log %neg3A_461 : vector<32x128xf32>
      %neg3A_463 = arith.constant 0.000000e+00 : f32
      %neg3A_464 = vector.broadcast %neg3A_463 : f32 to vector<32x128xf32>
      %neg3A_465 = arith.subf %neg3A_464, %log3A_462 : vector<32x128xf32>
      %lt3A_466 = arith.constant -8.99999948E+9 : f32
      %lt3A_467 = vector.broadcast %lt3A_466 : f32 to vector<32x128xf32>
      %lt3A_468 = arith.cmpf olt, %select_n3A_171, %lt3A_467 : vector<32x128xf32>
      %add3A_469 = arith.addf %select_n3A_171, %neg3A_465 : vector<32x128xf32>
      %jit3A_470 = arith.constant 0xFF800000 : f32
      %broadcast_in_dim3A_471 = vector.broadcast %jit3A_470 : f32 to vector<32x128xf32>
      %select_n3A_472 = arith.select %lt3A_468, %broadcast_in_dim3A_471, %add3A_469 : vector<32x128xi1>, vector<32x128xf32>
      %reduce_max3A = arith.constant dense<0xFF800000> : vector<32xf32>
      %reduce_max3A_473 = vector.multi_reduction <maximumf>, %select_n3A_472, %reduce_max3A [1] : vector<32x128xf32> to vector<32xf32>
      %broadcast_in_dim3A_474 = vector.shape_cast %reduce_max3A_473 : vector<32xf32> to vector<32x1xf32>
      %eq3A_475 = vector.broadcast %broadcast_in_dim3A_474 : vector<32x1xf32> to vector<32x128xf32>
      %eq3A_476 = arith.cmpf oeq, %select_n3A_472, %eq3A_475 : vector<32x128xf32>
      %jit3A_477 = arith.constant 1073741824 : i32
      %broadcast_in_dim3A_478 = vector.broadcast %jit3A_477 : i32 to vector<32x128xi32>
      %select_n3A_479 = arith.select %eq3A_476, %scan3A_75#1, %broadcast_in_dim3A_478 : vector<32x128xi1>, vector<32x128xi32>
      %reduce_min3A_480 = arith.constant dense<2147483647> : vector<32xi32>
      %reduce_min3A_481 = vector.multi_reduction <minsi>, %select_n3A_479, %reduce_min3A_480 [1] : vector<32x128xi32> to vector<32xi32>
      %broadcast_in_dim3A_482 = vector.shape_cast %reduce_min3A_481 : vector<32xi32> to vector<32x1xi32>
      %swap3A_483 = arith.constant 0 : index
      %swap3A_484 = arith.constant 0 : index
      %swap3A_485 = vector.load %arg8[%swap3A_483, %swap3A_484] : memref<32x1xi32, #tpu.memory_space<vmem>>, vector<32x1xi32>
      tpu.vector_store %arg8[%swap3A_483, %swap3A_484], %broadcast_in_dim3A_482 {strides = array<i32>} : memref<32x1xi32, #tpu.memory_space<vmem>>, vector<32x1xi32>,
    } else {
    }
    %get3A_16 = arith.constant 0 : index
    %get3A_17 = arith.constant 0 : index
    %get3A_18 = vector.load %arg4[%get3A_16, %get3A_17] : memref<32x1xf32, #tpu.memory_space<vmem>>, vector<32x1xf32>
    %get3A_19 = arith.constant 0 : index
    %get3A_20 = arith.constant 4 : index
    %get3A_21 = vector.load %arg10[%get3A_19, %get3A_20] : memref<32x128xf32, #tpu.memory_space<vmem>>, vector<32x1xf32>
    %div3A = vector.broadcast %get3A_0 : f32 to vector<32x12544xf32>
    %div3A_22 = arith.divf %get3A_13, %div3A : vector<32x12544xf32>
    %sub3A = vector.broadcast %get3A_21 : vector<32x1xf32> to vector<32x12544xf32>
    %sub3A_23 = arith.subf %div3A_22, %sub3A : vector<32x12544xf32>
    %exp3A = math.exp %sub3A_23 : vector<32x12544xf32>
    %div3A_24 = vector.broadcast %get3A_18 : vector<32x1xf32> to vector<32x12544xf32>
    %div3A_25 = arith.divf %exp3A, %div3A_24 : vector<32x12544xf32>
    %get3A_26 = arith.constant 0 : index
    %get3A_27 = arith.constant 0 : index
    %get3A_28 = vector.load %arg10[%get3A_26, %get3A_27] : memref<32x128xf32, #tpu.memory_space<vmem>>, vector<32x1xf32>
    %lt3A = vector.broadcast %get3A_28 : vector<32x1xf32> to vector<32x12544xf32>
    %lt3A_29 = arith.cmpf olt, %div3A_25, %lt3A : vector<32x12544xf32>
    %jit3A = arith.constant -1.000000e+10 : f32
    %broadcast_in_dim3A = vector.broadcast %jit3A : f32 to vector<32x12544xf32>
    %select_n3A = arith.select %lt3A_29, %broadcast_in_dim3A, %div3A_22 : vector<32x12544xi1>, vector<32x12544xf32>
    %get3A_30 = arith.constant 0 : index
    %get3A_31 = arith.constant 1 : index
    %get3A_32 = vector.load %arg10[%get3A_30, %get3A_31] : memref<32x128xf32, #tpu.memory_space<vmem>>, vector<32x1xf32>
    %lt3A_33 = vector.broadcast %get3A_32 : vector<32x1xf32> to vector<32x12544xf32>
    %lt3A_34 = arith.cmpf olt, %select_n3A, %lt3A_33 : vector<32x12544xf32>
    %jit3A_35 = arith.constant -1.000000e+10 : f32
    %broadcast_in_dim3A_36 = vector.broadcast %jit3A_35 : f32 to vector<32x12544xf32>
    %select_n3A_37 = arith.select %lt3A_34, %broadcast_in_dim3A_36, %select_n3A : vector<32x12544xi1>, vector<32x12544xf32>
    %get3A_38 = arith.constant 0 : index
    %get3A_39 = arith.constant 2 : index
    %get3A_40 = vector.load %arg10[%get3A_38, %get3A_39] : memref<32x128xf32, #tpu.memory_space<vmem>>, vector<32x1xf32>
    %lt3A_41 = vector.broadcast %get3A_40 : vector<32x1xf32> to vector<32x12544xf32>
    %lt3A_42 = arith.cmpf olt, %select_n3A_37, %lt3A_41 : vector<32x12544xf32>
    %jit3A_43 = arith.constant -1.000000e+10 : f32
    %broadcast_in_dim3A_44 = vector.broadcast %jit3A_43 : f32 to vector<32x12544xf32>
    %select_n3A_45 = arith.select %lt3A_42, %broadcast_in_dim3A_44, %select_n3A_37 : vector<32x12544xi1>, vector<32x12544xf32>
    %lt3A_46 = arith.constant -8.99999948E+9 : f32
    %lt3A_47 = vector.broadcast %lt3A_46 : f32 to vector<32x12544xf32>
    %lt3A_48 = arith.cmpf olt, %select_n3A_45, %lt3A_47 : vector<32x12544xf32>
    %jit3A_49 = arith.constant 0.000000e+00 : f32
    %broadcast_in_dim3A_50 = vector.broadcast %jit3A_49 : f32 to vector<32x12544xf32>
    %select_n3A_51 = arith.select %lt3A_48, %broadcast_in_dim3A_50, %exp3A : vector<32x12544xi1>, vector<32x12544xf32>
    %get3A_52 = arith.constant 0 : index
    %get3A_53 = arith.constant 3 : index
    %get3A_54 = vector.load %arg10[%get3A_52, %get3A_53] : memref<32x128xf32, #tpu.memory_space<vmem>>, vector<32x1xf32>
    %div3A_55 = vector.broadcast %get3A_54 : vector<32x1xf32> to vector<32x12544xf32>
    %div3A_56 = arith.divf %select_n3A_51, %div3A_55 : vector<32x12544xf32>
    %swap3A = arith.constant 0 : index
    %swap3A_57 = arith.constant 0 : index
    %swap3A_58 = vector.load %arg7[%swap3A, %swap3A_57] : memref<32x12544xf32, #tpu.memory_space<vmem>>, vector<32x12544xf32>
    tpu.vector_store %arg7[%swap3A, %swap3A_57], %div3A_56 {strides = array<i32>} : memref<32x12544xf32, #tpu.memory_space<vmem>>, vector<32x12544xf32>,
    return
  }
  func.func @transform_0(%arg0: i32) -> (i32, i32) {
    %c0_i32 = arith.constant 0 : i32
    %c0_i32_0 = arith.constant 0 : i32
    return %c0_i32, %arg0 : i32, i32
  }
  func.func @transform_1(%arg0: i32) -> (i32, i32) {
    %c0_i32 = arith.constant 0 : i32
    %c0_i32_0 = arith.constant 0 : i32
    %c0_i32_1 = arith.constant 0 : i32
    return %c0_i32, %c0_i32_0 : i32, i32
  }
  func.func @transform_2(%arg0: i32) -> (i32, i32) {
    %c0_i32 = arith.constant 0 : i32
    %c0_i32_0 = arith.constant 0 : i32
    %c0_i32_1 = arith.constant 0 : i32
    return %c0_i32, %c0_i32_0 : i32, i32
  }
  func.func @transform_3(%arg0: i32) -> (i32, i32) {
    %c0_i32 = arith.constant 0 : i32
    %c0_i32_0 = arith.constant 0 : i32
    %c0_i32_1 = arith.constant 0 : i32
    return %c0_i32, %c0_i32_0 : i32, i32
  }
  func.func @transform_4(%arg0: i32) -> i32 {
    %c0_i32 = arith.constant 0 : i32
    %c0_i32_0 = arith.constant 0 : i32
    return %c0_i32 : i32
  }
  func.func @transform_5(%arg0: i32) -> i32 {
    %c0_i32 = arith.constant 0 : i32
    %c0_i32_0 = arith.constant 0 : i32
    return %c0_i32 : i32
  }
  func.func @transform_6(%arg0: i32) -> (i32, i32) {
    %c0_i32 = arith.constant 0 : i32
    %c0_i32_0 = arith.constant 0 : i32
    return %c0_i32, %arg0 : i32, i32
  }
  func.func @transform_7(%arg0: i32) -> (i32, i32) {
    %c0_i32 = arith.constant 0 : i32
    %c0_i32_0 = arith.constant 0 : i32
    %c0_i32_1 = arith.constant 0 : i32
    return %c0_i32, %c0_i32_0 : i32, i32
  }
  func.func @transform_8(%arg0: i32) -> (i32, i32) {
    %c0_i32 = arith.constant 0 : i32
    %c0_i32_0 = arith.constant 0 : i32
    %c0_i32_1 = arith.constant 0 : i32
    return %c0_i32, %c0_i32_0 : i32, i32
  }
}

</mosaic_0001>

<sc_bundles>
// kernel: kernel.8.cloned.1.call-start
scs
__scs_entry_jumppad:
0x0: {  	(pc) =	sbr.rel $0x88, $3  }
0x1: {  	(tag) =	ssettag $0x0;
	lr =	simm.s32 $0x1  }
0x2: {  	[smem:$0x3F9F] =	sst lr;
	_ =	strace $0xD0000000  }
0x3: {  	_ = 	snop  }
0x4: {  	_ = 	snop  }
0x5: {  	_ = 	snop  }
0x6: {  	_ = 	snop  }
0x7: {  	_ = 	snop  }
__scs_overlays_trampoline_lowered:
0x8: {  	[smem:$0x3FAE] =	sst s0  }
0x9: {  	[smem:$0x3FAF] =	sst s1  }
0xa: {  	[smem:$0x3FB0] =	sst s2  }
0xb: {  	[smem:$0x3FB1] =	sst s3  }
0xc: {  	[smem:$0x3FB2] =	sst s4  }
0xd: {  	[smem:$0x3FB3] =	sst s5  }
0xe: {  	[smem:$0x3FB4] =	sst s6  }
0xf: {  	[smem:$0x3FB5] =	sst s7  }
0x10: {  	[smem:$0x3FB6] =	sst s8  }
0x11: {  	[smem:$0x3FB7] =	sst s9;
	s0 =	simm.s32 @!p0 $0x0  }
0x12: {  	s1 =	sld [smem:$0x3F9D];
	s0 =	simm.s32 @p0 $0x1  }
0x13: {  	[smem:$0x3FB8] =	sst s0;
	s0 =	simm.s32 @!p1 $0x0  }
0x14: {  	s2 =	sld [smem:$0x3F9C];
	s0 =	simm.s32 @p1 $0x1  }
0x15: {  	[smem:$0x3FB9] =	sst s0;
	s0 =	simm.s32 @!p2 $0x0  }
0x16: {  	s3 =	sld [smem:$0x3FDB];
	s0 =	simm.s32 @p2 $0x1  }
0x17: {  	s4 =	simm.s32 $0x1BF5;
	[smem:$0x3FBB] =	sst s0  }
0x18: {  	s0 =	sld [smem:$0x3F9E];
	_ =	swait.ge [sflag:s4], $0x0  }
0x19: {  	s7 =	sld [smem:$0x3F9F]  }
0x1a: {  	s8 =	sadd.s32 $0xFFFFE003, lr  }
0x1b: {  	s9 =	sadd.s32 $0xFFFFFEF7, lr;
	s5 =	simm.s32 $0xFFFFFFFF;
	p2 =	slt.u32 s8, $0xFFFFF086  }
0x1c: {  	p1 =	slt.u32 s9, $0xF7A;
	s5 =	simm.s32 @!p2 $0x0  }
0x1d: {  	s5 =	simm.s32 @p1 $0x1;
	p0 =	seq.s32 s7, s2  }
0x1e: {  	s7 =	smul.u32 @!p0 $0xF7A, s2;
	p2 =	seq.s32 @!p0 s5, $0x0  }
0x1f: {  	s9 =	smul.u32 $0xF7A, s1;
	s8 =	simm.s32 @!p0 $0x1BF5;
	p2 =	por !p2, p0  }
0x20: {  	[sflag:s8] =	ssyncset.s32 @!p0 $0xFFFFF086;
	s6 =	sadd.s32 @!p0 s3, s7;
	s7 =	simm.s32 @!p0 $0x108  }
0x21: {  	s3 =	sadd.s32 s3, s9;
	s6 =	sadd.s32 @!p0 $0x88, s6;
	s7 =	simm.s32 @p2 $0x1082  }
0x22: {  	[simem:s7], [sflag:s8] =	dma.local @!p0 [hbm:s6], $0xF7A  }
0x23: {  	s9 =	sor.u32 $0xD0000000, s2;
	s6 =	simm.s32 $0x108;
	_ =	swait.ge @!p0 [sflag:s8], $0x0  }
0x24: {  	s3 =	sadd.s32 $0x88, s3;
	s6 =	simm.s32 @!p1 $0x1082;
	[sflag:s4] =	ssyncset.s32 $0xFFFFF086  }
0x25: {  	[simem:s6], [sflag:s4] =	dma.local [hbm:s3], $0xF7A  }
0x26: {  	[smem:$0x3F9F] =	sst s1;
	(tag) =	ssettag s2;
	_ =	strace s9  }
0x27: {  	s1 =	sld [smem:$0x3FAF]  }
0x28: {  	s2 =	sld [smem:$0x3FB0]  }
0x29: {  	s4 =	sld [smem:$0x3FB2]  }
0x2a: {  	p0 =	seq.s32 s5, $0x0;
	s5 =	sld [smem:$0x3FB3]  }
0x2b: {  	s6 =	sld [smem:$0x3FB4]  }
0x2c: {  	s7 =	sld [smem:$0x3FB5]  }
0x2d: {  	s3 =	simm.s32 $0x108;
	s8 =	sld [smem:$0x3FB6]  }
0x2e: {  	s3 =	simm.s32 @!p0 $0x1082;
	s9 =	sld [smem:$0x3FB7]  }
0x2f: {  	lr =	sadd.s32 s0, s3;
	s0 =	sld [smem:$0x3FAE]  }
0x30: {  	s3 =	sld [smem:$0x3FB1]  }
0x31: {  	[smem:$0x3FBA] =	sst s10  }
0x32: {  	s10 =	sld [smem:$0x3FB8];
	_ =	sdelay $0x3  }
0x33: {  	p0 =	seq.s32 s10, $0x1;
	s10 =	sld [smem:$0x3FBA];
	_ =	sdelay $0x3  }
0x34: {  	[smem:$0x3FBA] =	sst s10  }
0x35: {  	s10 =	sld [smem:$0x3FB9];
	_ =	sdelay $0x3  }
0x36: {  	p1 =	seq.s32 s10, $0x1;
	s10 =	sld [smem:$0x3FBA];
	_ =	sdelay $0x3  }
0x37: {  	[smem:$0x3FBA] =	sst s10  }
0x38: {  	s10 =	sld [smem:$0x3FBB]  }
0x39: {  	_ = 	snop;
	(pc) =	sbr.ind lr, $3  }
0x3a: {  	_ = 	snop  }
0x3b: {  	_ = 	snop  }
0x3c: {  	p2 =	seq.s32 s10, $0x1;
	s10 =	sld [smem:$0x3FBA]  }
0x3d: {  	_ =	shalt  }
0x3e: {  	_ =	shalt  }
0x3f: {  	_ =	shalt  }
0x40: {  	_ =	shalt  }
0x41: {  	_ =	shalt  }
0x42: {  	_ =	shalt  }
0x43: {  	_ =	shalt  }
0x44: {  	_ =	shalt  }
0x45: {  	_ =	shalt  }
0x46: {  	_ =	shalt  }
0x47: {  	_ =	shalt  }
0x48: {  	_ =	shalt  }
0x49: {  	_ =	shalt  }
0x4a: {  	_ =	shalt  }
0x4b: {  	_ =	shalt  }
0x4c: {  	_ =	shalt  }
0x4d: {  	_ =	shalt  }
0x4e: {  	_ =	shalt  }
0x4f: {  	_ =	shalt  }
0x50: {  	_ =	shalt  }
0x51: {  	_ =	shalt  }
0x52: {  	_ =	shalt  }
0x53: {  	_ =	shalt  }
0x54: {  	_ =	shalt  }
0x55: {  	_ =	shalt  }
0x56: {  	_ =	shalt  }
0x57: {  	_ =	shalt  }
0x58: {  	_ =	shalt  }
0x59: {  	_ =	shalt  }
0x5a: {  	_ =	shalt  }
0x5b: {  	_ =	shalt  }
0x5c: {  	_ =	shalt  }
0x5d: {  	_ =	shalt  }
0x5e: {  	_ =	shalt  }
0x5f: {  	_ =	shalt  }
0x60: {  	_ =	shalt  }
0x61: {  	_ =	shalt  }
0x62: {  	_ =	shalt  }
0x63: {  	_ =	shalt  }
0x64: {  	_ =	shalt  }
0x65: {  	_ =	shalt  }
0x66: {  	_ =	shalt  }
0x67: {  	_ =	shalt  }
0x68: {  	_ =	shalt  }
0x69: {  	_ =	shalt  }
0x6a: {  	_ =	shalt  }
0x6b: {  	_ =	shalt  }
0x6c: {  	_ =	shalt  }
0x6d: {  	_ =	shalt  }
0x6e: {  	_ =	shalt  }
0x6f: {  	_ =	shalt  }
0x70: {  	_ =	shalt  }
0x71: {  	_ =	shalt  }
0x72: {  	_ =	shalt  }
0x73: {  	_ =	shalt  }
0x74: {  	_ =	shalt  }
0x75: {  	_ =	shalt  }
0x76: {  	_ =	shalt  }
0x77: {  	_ =	shalt  }
0x78: {  	_ =	shalt  }
0x79: {  	_ =	shalt  }
0x7a: {  	_ =	shalt  }
0x7b: {  	_ =	shalt  }
0x7c: {  	_ =	shalt  }
0x7d: {  	_ =	shalt  }
0x7e: {  	_ =	shalt  }
0x7f: {  	_ =	shalt  }
0x80: {  	_ =	shalt  }
0x81: {  	_ =	shalt  }
0x82: {  	_ =	shalt  }
0x83: {  	_ =	shalt  }
0x84: {  	_ =	shalt  }
0x85: {  	_ =	shalt  }
0x86: {  	_ =	shalt  }
0x87: {  	_ =	shalt  }
.Lfunc_end0:
.L_simem_size_0:
called_computation_lowered:
.L_overlay_start_0:
0x88: {  	s2 =	sld [smem:$0x3FD9]  }
0x89: {  	s3 =	sld [smem:$0x3FFE];
	_ =	sdelay $0x1  }
0x8a: {  	s1 =	srdreg.scid  }
0x8b: {  	s0 =	sand.u32 $0x1, s1  }
0x8c: {  	s17 =	sshll.u32 s0, $0xA;
	s2 =	sadd.s32 s3, s2  }
0x8d: {  	s2 =	sadd.s32 s2, s17  }
0x8e: {  	[smem:$0x3FC6] =	sst s2  }
0x8f: {  	_ = 	snop  }
0x90: {  	s2 =	sld [smem:$0x3FC9];
	(tm) =	ssettm $0x1  }
0x91: {  	s18 =	sld [smem:$0x3FFB];
	_ =	sdelay $0x3  }
0x92: {  	_ =	strace s18  }
0x93: {  	s3 =	sld [smem:$0x3FFC];
	_ =	sdelay $0x3  }
0x94: {  	_ =	strace s3  }
0x95: {  	s3 =	sld [smem:$0x3FFD];
	_ =	sdelay $0x3  }
0x96: {  	_ =	strace s3  }
0x97: {  	_ =	strace $0x8FFFFFFF  }
0x98: {  	s19 =	sld [smem:$0x3FDB];
	_ =	sdelay $0x1  }
0x99: {  	s4 =	simm.s32 $_scs_section_size  }
0x9a: {  	s5 =	simm.s32 $_size__tile_overlayer_lowered;
	s6 =	simm.s32 $_tile_overlayer_lowered  }
0x9b: {  	s22 =	simm.s32 $0x1BFF;
	s21 =	sshll.u32 s6, $0x1;
	s3 =	sadd.s32 s4, s19  }
0x9c: {  	s7 =	simm.s32 $0x0;
	s20 =	sshll.u32 s5, $0x1;
	s5 =	sadd.s32 s21, s3  }
0x9d: {  	[timem:s7], [sflag:s22] =	dma.local [hbm:s5], s20  }
0x9e: {  	_ =	swait.ge [sflag:s22], s20  }
0x9f: {  	s4 =	ssub.s32 $0x0, s20;
	[sflag:s22] =	ssyncset.done $0x0  }
0xa0: {  	[sflag:s22] =	ssyncadd.s32 s4;
	_ =	sdelay $0x1  }
0xa1: {  	s23 =	simm.s32 $0x1B8B  }
0xa2: {  	_ =	swait.ge [sflag:s23], $0x1  }
0xa3: {  	[sflag:s23] =	ssyncset.done $0x0  }
0xa4: {  	s25 =	simm.s32 $0x1B8E;
	s24 =	sld [smem:$0x3FFE];
	[sflag:s23] =	ssyncadd.s32 $0xFFFFFFFF  }
0xa5: {  	s26 =	simm.s32 $execute0_lowered;
	[smem:$0x3FD2] =	sst s25  }
0xa6: {  	s5 =	sshll.u32 s26, $0x1;
	_ =	strace $0x80000046;
	[dreg:$0x1] =	wrdreg $0xFFFFFFFF  }
0xa7: {  	s28 =	simm.s32 $_size_execute0_lowered;
	s3 =	sadd.s32 s3, s5;
	[dreg:$0x0] =	wrdreg $0x0  }
0xa8: {  	s5 =	sshll.u32 s28, $0x1;
	[dreg:$0x2] =	wrdreg s3  }
0xa9: {  	[dreg:$0x3] =	wrdreg s5  }
0xaa: {  	[dreg:$0x4] =	wrdreg $0xC0  }
0xab: {  	_ =	task [dreg:s7], $0x5FFFF  }
0xac: {  	[dreg:$0x1] =	wrdreg $0xFFFFFFFF  }
0xad: {  	[dreg:$0x0] =	wrdreg $0x60  }
0xae: {  	[dreg:$0x2] =	wrdreg s2  }
0xaf: {  	[dreg:$0x3] =	wrdreg s24  }
0xb0: {  	[dreg:$0x4] =	wrdreg $0x9  }
0xb1: {  	_ =	task.clear_ibuf [dreg:s7], $0x5FFFF;
	_ =	strace $0x90000046  }
0xb2: {  	s29 =	simm.s32 $0x9;
	_ =	strace $0x80000048  }
0xb3: {  	_ =	swait.ge [sflag:s29], $0x1  }
0xb4: {  	[sflag:s29] =	ssyncadd.s32 $0xFFFFFFFF  }
0xb5: {  	_ =	strace $0x90000048  }
0xb6: {  	_ =	sfence  }
0xb7: {  	s30 =	sld [smem:$0x0];
	_ =	sdelay $0x2  }
0xb8: {  	s31 =	sshll.u32 s1, $0xD;
	s1 =	sshrl.u32 s1, $0x2  }
0xb9: {  	s3 =	sand.u32 $0x4000, s31;
	s1 =	sadd.s32 s1, s30  }
0xba: {  	s0 =	sor.u32 s3, s0;
	s1 =	sshll.u32 s1, $0x11  }
0xbb: {  	s0 =	sor.u32 s1, s0  }
0xbc: {  	s0 =	sadd.s32 $0x8F2B, s0  }
0xbd: {  	[sflag:s0] =	ssyncadd.remote.s32 $0x1  }
0xbe: {  	_ =	sfence.sel $0xFFFF  }
0xbf: {  	[dreg:$0x0] =	wrdreg $0xFFFFFFFF;
	(pc) =	sbr.abs _section_cstart, $3  }
0xc0: {  	[dreg:$0x1] =	wrdreg $0xFFFFFFFF  }
0xc1: {  	_ =	task.clear_ibuf [dreg:s7], $0x2FFFF;
	_ =	strace $0x9FFFFFFF  }
0xc2: {  	(tm) =	ssettm $0x7FFFFFFF  }
0xc3: {  	_ =	shalt  }
tec
execute0_lowered:
.L_overlay_start_1:
0x0: {  	(tag) =	ssettag $0x1  }
0x1: {  	v0 =	vimm.s32 $0xEFCDAB89;
	v1 =	vimm.s32 $0x67452301  }
0x2: {  	v2 =	vimm.s32 $0xDCFE98BA;
	v3 =	vimm.s32 $0x54761032;
	v4 =	vimm.s32 $0xBA98FEDC  }
0x3: {  	v5 =	vimm.s32 $0xFEDCBA98;
	v6 =	vimm.s32 $0x32107654;
	v7 =	vimm.s32 $0x76543210  }
0x4: {  	v8 =	vimm.s32 $0x65432100;
	v9 =	vimm.s32 $0x54321000;
	v10 =	vimm.s32 $0xE40000  }
0x5: {  	v11 =	vimm.s32 $0xBA987654;
	v0 =	vunpack.c.l.s4.s8 v0;
	v1 =	vunpack.c.l.s4.s8 v1  }
0x6: {  	v2 =	vunpack.c.l.s4.s8 v2;
	v3 =	vunpack.c.l.s4.s8 v3;
	v5 =	vunpack.c.l.s4.s8 v5  }
0x7: {  	v4 =	vunpack.c.l.s4.s8 v4;
	v0 =	vunpack.c.0.s8.s32 v0;
	v1 =	vunpack.c.0.s8.s32 v1  }
0x8: {  	v6 =	vunpack.c.l.s4.s8 v6;
	v2 =	vunpack.c.0.s8.s32 v2;
	v3 =	vunpack.c.0.s8.s32 v3  }
0x9: {  	v12 =	vimm.s32 $0x32100000;
	v5 =	vunpack.c.0.s8.s32 v5;
	v0 =	vcombine.low v1, v0  }
0xa: {  	v4 =	vunpack.c.0.s8.s32 v4;
	v6 =	vunpack.c.0.s8.s32 v6;
	v1 =	vcombine.low v3, v2  }
0xb: {  	s4 =	rddreg [dreg:$0x0];
	vm0 =	vcmask $0x3F30;
	v3 =	vand.u32 $0xF, v5;
	v5 =	vand.u32 $0xF, v0  }
0xc: {  	s3 =	rddreg [dreg:$0x1];
	v7 =	vunpack.c.l.s4.s8 v7;
	v2 =	vcombine.low v6, v4;
	v6 =	vand.u32 $0xF, v1;
	[tilespmem:$0x1FFD0] =	vst v5  }
0xd: {  	s0 =	rddreg [dreg:$0x2];
	v8 =	vunpack.c.l.s4.s8 v8;
	v5 =	vimm.s32 $0xEDCBA987;
	[tilespmem:$0x1FFE0] =	vst v6;
	v6 =	vimm.s32 $0xDCBA9876  }
0xe: {  	s2 =	simm.s32 $0x0;
	s5 =	srdreg.scid;
	s1 =	stileid.u32;
	v9 =	vunpack.c.l.s4.s8 v9;
	v5 =	vunpack.c.l.s4.s8 v5;
	v6 =	vunpack.c.l.s4.s8 v6  }
0xf: {  	s10 =	simm.s32 $0x18700;
	s11 =	simm.s32 $0x18980;
	s12 =	simm.s32 $0x0;
	v10 =	vunpack.c.l.s2.s4 v10;
	v11 =	vunpack.c.l.s4.s8 v11;
	v7 =	vunpack.c.0.s8.s32 v7  }
0x10: {  	[smem:$0x7FF] =	sst s2;
	s5 =	sand.u32 $0x1, s5;
	s6 =	sshll.u32 s1, $0x8;
	v8 =	vunpack.c.0.s8.s32 v8;
	v5 =	vunpack.c.0.s8.s32 v5;
	v6 =	vunpack.c.0.s8.s32 v6  }
0x11: {  	s7 =	sshrl.u32 s1, $0x2;
	s8 =	sshll.u32 s5, $0x7;
	s6 =	sand.u32 $0x300, s6;
	v9 =	vunpack.c.0.s8.s32 v9;
	v10 =	vunpack.c.l.s4.s8 v10;
	v4 =	vimm.s32 $0x0  }
0x12: {  	s29 =	smul.u32 $0xC3800, s7;
	s7 =	sshll.u32 s7, $0xC;
	s5 =	ssub.s32 $0x2, s5;
	v3 =	vcombine.low v3, v7;
	v5 =	vand.u32 $0xF, v5;
	v6 =	vand.u32 $0xF, v6  }
0x13: {  	s6 =	sor.u32 s8, s6;
	s9 =	sshrl.u32 s5, $0x1;
	s8 =	simm.s32 $0x400;
	v8 =	vcombine.low v8, v5;
	v9 =	vcombine.low v9, v6;
	v5 =	vunpack.c.l.s4.s8 v12  }
0x14: {  	s7 =	sor.u32 s7, s6;
	s6 =	sor.u32 s29, s6;
	s30 =	ssub.s32 s5, s9;
	v6 =	vunpack.c.0.s8.s32 v11;
	v11 =	vimm.s32 $0x7060504;
	v12 =	vunpack.c.0.s8.s32 v10  }
0x15: {  	s9 =	simm.s32 $0x1;
	s7 =	sshrl.u32 s7, $0x3;
	s31 =	sshrl.u32 s6, $0x3;
	v7 =	vand.u32 $0xF, v2;
	v13 =	vunpack.c.0.s8.s32 v11;
	v5 =	vunpack.c.0.s8.s32 v5  }
0x16: {  	s6 =	smax.u32 s30, $0x1;
	s3 =	sadd.s32 s3, s7;
	s4 =	sadd.s32 s4, s31;
	[tilespmem:$0x1FFF0] =	vst v7;
	v10 =	vimm.f32 $-Inf;
	v6 =	vand.u32 $0xF, v6;
	v14 =	vand.u32 $0x3, v12  }
0x17: {  	s7 =	simm.s32 $0x80;
	s5 =	sadd.s32 $0x800, s3;
	_ =	strace $0x80000047;
	v12 =	vlaneseq.u32;
	v13 =	vsel vm0, v13, v14;
	v11 =	vcombine.low v5, v6  }
.LBB2_1:
0x18: {  	[tilespmem:s2], [sflag:$0x1] =	stream.strided.gather [hbm4b:s4+s7], $0x18700, s8, s7, $0x38;
	[tilespmem:$0x18C00] =	vst v63  }
0x19: {  	_ =	swait.ge [sflag:s9], $0x18700  }
0x1a: {  	[sflag:s9] =	ssyncset.done $0x0  }
0x1b: {  	s14 =	simm.s32 $0x0;
	[sflag:s9] =	ssyncadd.s32 $0xFFFE7900  }
0x1c: {  	s13 =	simm.s32 $0x40;
	v5 =	vimm.f32 $-Inf;
	v6 =	vld [tilespmem:s14+$0x0]  }
.LBB2_2:
0x1d: {  	p0 =	sne.s32 s13, $0x61A40  }
.Ltmp0:
0x1e: {  	_ = 	snop;
	(pc) =	sbr.rel @p0 .LBB2_2-.Ltmp0, $3  }
0x1f: {  	_ =	sdelay $0x1  }
0x20: {  	s14 =	sshra.s32 s13, $0x2;
	s13 =	sadd.s32 $0x40, s13;
	v5 =	vmax.f32 v5, v6  }
0x21: {  	v6 =	vld [tilespmem:s14+$0x0]  }
0x22: {  	_ =	sdelay $0x3  }
0x23: {  	v5 =	vmax.f32 v5, v6  }
0x24: {  	v6 =	vperm.xlane v5, v0;
	_ =	sdelay $0x1  }
0x25: {  	v5 =	vmax.f32 v5, v6  }
0x26: {  	v6 =	vperm.xlane v5, v1;
	_ =	sdelay $0x1  }
0x27: {  	v5 =	vmax.f32 v5, v6  }
0x28: {  	v6 =	vperm.xlane v5, v2;
	_ =	sdelay $0x1  }
0x29: {  	v5 =	vmax.f32 v5, v6  }
0x2a: {  	v36 =	vimm.s32 $0x0;
	v6 =	vperm.xlane v5, v3  }
0x2b: {  	v37 =	vimm.s32 $0x0;
	v38 =	vimm.s32 $0x0;
	v39 =	vimm.s32 $0x0  }
0x2c: {  	v40 =	vimm.s32 $0x0;
	v41 =	vimm.s32 $0x0;
	v28 =	vmax.f32 v5, v6  }
0x2d: {  	v42 =	vimm.s32 $0x0;
	v14 =	vadd.f32 $-5.500000120e-01, v28;
	v15 =	vadd.f32 $-8.000000110e-01, v28  }
0x2e: {  	v43 =	vimm.s32 $0x0;
	v16 =	vadd.f32 $-1.049999950e+00, v28;
	v17 =	vadd.f32 $-1.299999950e+00, v28  }
0x2f: {  	v44 =	vimm.s32 $0x0;
	v18 =	vadd.f32 $-1.549999950e+00, v28;
	v19 =	vadd.f32 $-1.799999950e+00, v28  }
0x30: {  	s13 =	simm.s32 $0x0;
	v45 =	vimm.s32 $0x0;
	v20 =	vadd.f32 $-2.049999950e+00, v28;
	v21 =	vadd.f32 $-2.299999950e+00, v28  }
0x31: {  	v46 =	vimm.s32 $0x0;
	v5 =	vld [tilespmem:s13+$0x0];
	v22 =	vadd.f32 $-2.549999950e+00, v28;
	v23 =	vadd.f32 $-2.799999950e+00, v28  }
0x32: {  	v47 =	vimm.s32 $0x0;
	v24 =	vadd.f32 $-3.049999950e+00, v28;
	v25 =	vadd.f32 $-3.299999950e+00, v28  }
0x33: {  	v48 =	vimm.s32 $0x0;
	v26 =	vadd.f32 $-3.549999950e+00, v28;
	v27 =	vadd.f32 $-3.799999950e+00, v28  }
0x34: {  	v49 =	vimm.s32 $0x0;
	v29 =	vadd.f32 $-4.300000190e+00, v28;
	v32 =	vadd.f32 $-1.000000000e+01, v28  }
0x35: {  	v50 =	vimm.s32 $0x0;
	v30 =	vadd.f32 $-5.300000190e+00, v28;
	v31 =	vadd.f32 $-7.000000000e+00, v28  }
0x36: {  	vm0 =	vgt.f32 v5, v14;
	vm1 =	vgt.f32 v5, v15;
	vm2 =	vgt.f32 v5, v32  }
0x37: {  	vm3 =	vgt.f32 v5, v16;
	vm4 =	vgt.f32 v5, v17;
	vm5 =	vgt.f32 v5, v19  }
0x38: {  	vm6 =	vgt.f32 v5, v20;
	vm7 =	vgt.f32 v5, v21;
	vm8 =	vgt.f32 v5, v22  }
0x39: {  	vm9 =	vgt.f32 v5, v23;
	vm10 =	vgt.f32 v5, v24;
	vm11 =	vgt.f32 v5, v25  }
0x3a: {  	vm12 =	vgt.f32 v5, v26;
	vm13 =	vgt.f32 v5, v27;
	vm14 =	vgt.f32 v5, v29  }
0x3b: {  	vm15 =	vgt.f32 v5, v31;
	v6 =	vsel vm2, $0x1, v4;
	vm2 =	vgt.f32 v5, v18  }
0x3c: {  	v35 =	vsel vm1, $0x1, v4;
	v51 =	vsel vm3, $0x1, v4;
	v52 =	vsel vm4, $0x1, v4  }
0x3d: {  	v53 =	vsel vm5, $0x1, v4;
	v54 =	vsel vm6, $0x1, v4;
	v62 =	vsel vm7, $0x1, v4  }
0x3e: {  	v55 =	vsel vm8, $0x1, v4;
	v56 =	vsel vm9, $0x1, v4;
	v63 =	vsel vm10, $0x1, v4  }
0x3f: {  	v57 =	vsel vm11, $0x1, v4;
	v58 =	vsel vm12, $0x1, v4;
	v59 =	vsel vm14, $0x1, v4  }
0x40: {  	v33 =	vadd.s32 v6, v36;
	v6 =	vsel vm0, $0x1, v4;
	vm0 =	vgt.f32 v5, v30  }
0x41: {  	v61 =	vsel vm2, $0x1, v4;
	v5 =	vsel vm13, $0x1, v4;
	v35 =	vadd.s32 v35, v36  }
0x42: {  	s14 =	simm.s32 $0x10;
	s13 =	simm.s32 $0x80;
	v60 =	vsel vm0, $0x1, v4;
	v34 =	vadd.s32 v6, v36;
	v6 =	vsel vm15, $0x1, v4  }
.LBB2_4:
0x43: {  	p0 =	sne.s32 s13, $0x61A40;
	v7 =	vld [tilespmem:s14+$0x0];
	v36 =	vadd.s32 v51, v36;
	v37 =	vadd.s32 v52, v37;
	v38 =	vadd.s32 v61, v38  }
0x44: {  	v39 =	vadd.s32 v53, v39;
	v40 =	vadd.s32 v54, v40;
	v41 =	vadd.s32 v62, v41  }
0x45: {  	v42 =	vadd.s32 v55, v42;
	v43 =	vadd.s32 v56, v43;
	v44 =	vadd.s32 v63, v44  }
0x46: {  	v45 =	vadd.s32 v57, v45;
	v46 =	vadd.s32 v58, v46;
	v47 =	vadd.s32 v5, v47  }
0x47: {  	v48 =	vadd.s32 v59, v48;
	v49 =	vadd.s32 v60, v49;
	v50 =	vadd.s32 v6, v50  }
0x48: {  	vm0 =	vgt.f32 v7, v14;
	vm1 =	vgt.f32 v7, v15;
	vm2 =	vgt.f32 v7, v32  }
0x49: {  	vm3 =	vgt.f32 v7, v16;
	vm4 =	vgt.f32 v7, v17;
	v5 =	vsel vm2, $0x1, v4  }
0x4a: {  	vm5 =	vgt.f32 v7, v19;
	vm2 =	vgt.f32 v7, v18;
	v33 =	vadd.s32 v5, v33  }
0x4b: {  	vm6 =	vgt.f32 v7, v20;
	vm7 =	vgt.f32 v7, v21;
	vm8 =	vgt.f32 v7, v22  }
0x4c: {  	vm9 =	vgt.f32 v7, v23;
	vm10 =	vgt.f32 v7, v24;
	vm11 =	vgt.f32 v7, v25  }
0x4d: {  	vm12 =	vgt.f32 v7, v26;
	vm13 =	vgt.f32 v7, v27;
	vm14 =	vgt.f32 v7, v29  }
0x4e: {  	vm15 =	vgt.f32 v7, v31;
	v6 =	vsel vm0, $0x1, v4;
	vm0 =	vgt.f32 v7, v30  }
0x4f: {  	v7 =	vsel vm1, $0x1, v4;
	v51 =	vsel vm3, $0x1, v4;
	v52 =	vsel vm4, $0x1, v4  }
.Ltmp1:
0x50: {  	v53 =	vsel vm5, $0x1, v4;
	v54 =	vsel vm6, $0x1, v4;
	v61 =	vsel vm2, $0x1, v4;
	(pc) =	sbr.rel @p0 .LBB2_4-.Ltmp1, $4  }
0x51: {  	v62 =	vsel vm7, $0x1, v4;
	v55 =	vsel vm8, $0x1, v4;
	v56 =	vsel vm9, $0x1, v4  }
0x52: {  	v63 =	vsel vm10, $0x1, v4;
	v57 =	vsel vm11, $0x1, v4;
	v58 =	vsel vm12, $0x1, v4  }
0x53: {  	v59 =	vsel vm14, $0x1, v4;
	v5 =	vsel vm13, $0x1, v4;
	v60 =	vsel vm0, $0x1, v4  }
0x54: {  	s14 =	sshra.s32 s13, $0x2;
	s13 =	sadd.s32 $0x40, s13;
	v34 =	vadd.s32 v6, v34;
	v35 =	vadd.s32 v7, v35;
	v6 =	vsel vm15, $0x1, v4  }
0x55: {  	v7 =	vld [tilespmem:s14+$0x0];
	v36 =	vadd.s32 v51, v36;
	v37 =	vadd.s32 v52, v37  }
0x56: {  	v38 =	vadd.s32 v61, v38;
	v39 =	vadd.s32 v53, v39;
	v51 =	vadd.s32 v54, v40  }
0x57: {  	v41 =	vadd.s32 v62, v41;
	v42 =	vadd.s32 v55, v42;
	v43 =	vadd.s32 v56, v43  }
0x58: {  	v44 =	vadd.s32 v63, v44;
	v45 =	vadd.s32 v57, v45;
	v46 =	vadd.s32 v58, v46  }
0x59: {  	v47 =	vadd.s32 v5, v47;
	v48 =	vadd.s32 v59, v48;
	v5 =	vadd.s32 v60, v49  }
0x5a: {  	[tilespmem:$0x1FF50] =	vst v5;
	v5 =	vadd.s32 v6, v50;
	vm0 =	vgt.f32 v7, v14;
	vm1 =	vgt.f32 v7, v15  }
0x5b: {  	vm2 =	vgt.f32 v7, v32;
	vm3 =	vgt.f32 v7, v16;
	vm4 =	vgt.f32 v7, v17  }
0x5c: {  	vm5 =	vgt.f32 v7, v19;
	vm6 =	vgt.f32 v7, v20;
	vm7 =	vgt.f32 v7, v21  }
0x5d: {  	vm8 =	vgt.f32 v7, v22;
	vm9 =	vgt.f32 v7, v23;
	vm10 =	vgt.f32 v7, v24  }
0x5e: {  	vm11 =	vgt.f32 v7, v25;
	vm12 =	vgt.f32 v7, v26;
	vm13 =	vgt.f32 v7, v27  }
0x5f: {  	vm14 =	vgt.f32 v7, v29;
	vm15 =	vgt.f32 v7, v31;
	v63 =	vsel vm2, $0x1, v4  }
0x60: {  	vm2 =	vgt.f32 v7, v18;
	v49 =	vsel vm3, $0x1, v4;
	v50 =	vsel vm4, $0x1, v4  }
0x61: {  	v53 =	vsel vm5, $0x1, v4;
	v54 =	vsel vm6, $0x1, v4;
	v55 =	vsel vm7, $0x1, v4  }
0x62: {  	v56 =	vsel vm8, $0x1, v4;
	v57 =	vsel vm9, $0x1, v4;
	v58 =	vsel vm10, $0x1, v4  }
0x63: {  	v59 =	vsel vm11, $0x1, v4;
	v60 =	vsel vm12, $0x1, v4;
	v61 =	vsel vm13, $0x1, v4  }
0x64: {  	[tilespmem:$0x1FF90] =	vst v5;
	v5 =	vld [tilespmem:$0x1FFD0];
	v62 =	vsel vm14, $0x1, v4;
	v40 =	vadd.s32 v63, v33;
	v33 =	vsel vm0, $0x1, v4  }
0x65: {  	vm0 =	vgt.f32 v7, v30;
	v7 =	vsel vm1, $0x1, v4;
	v52 =	vsel vm2, $0x1, v4  }
0x66: {  	v61 =	vadd.s32 v61, v47;
	v63 =	vsel vm0, $0x1, v4;
	v33 =	vadd.s32 v33, v34  }
0x67: {  	v7 =	vadd.s32 v7, v35;
	v35 =	vadd.s32 v49, v36;
	v36 =	vadd.s32 v50, v37  }
0x68: {  	v6 =	vld [tilespmem:$0x1FFE0];
	v37 =	vadd.s32 v52, v38;
	v49 =	vadd.s32 v53, v39;
	v50 =	vadd.s32 v54, v51  }
0x69: {  	v51 =	vadd.s32 v55, v41;
	v52 =	vadd.s32 v56, v42;
	v38 =	vperm.xlane v33, v5  }
0x6a: {  	v47 =	vld [tilespmem:$0x1FF50];
	v53 =	vadd.s32 v57, v43;
	v54 =	vadd.s32 v59, v45;
	v55 =	vadd.s32 v60, v46  }
0x6b: {  	v39 =	vperm.xlane v35, v5;
	v33 =	vadd.s32 v33, v38;
	v38 =	vadd.s32 v58, v44;
	v58 =	vld [tilespmem:$0x1FFF0]  }
0x6c: {  	v59 =	vadd.s32 v62, v48;
	v60 =	vperm.xlane v7, v5;
	v46 =	vperm.xlane v36, v5  }
0x6d: {  	v56 =	vperm.xlane v37, v5;
	v35 =	vadd.s32 v35, v39;
	v45 =	vperm.xlane v33, v6  }
0x6e: {  	v7 =	vadd.s32 v7, v60;
	v36 =	vadd.s32 v36, v46;
	v39 =	vperm.xlane v35, v6  }
0x6f: {  	v48 =	vperm.xlane v7, v6;
	v41 =	vperm.xlane v36, v6;
	v33 =	vadd.s32 v45, v33  }
0x70: {  	v60 =	vadd.s32 v63, v47;
	v39 =	vadd.s32 v39, v35;
	v45 =	vperm.xlane v33, v58  }
0x71: {  	v7 =	vadd.s32 v48, v7;
	v36 =	vadd.s32 v41, v36;
	v63 =	vperm.xlane v39, v58  }
0x72: {  	v48 =	vadd.s32 v37, v56;
	v62 =	vperm.xlane v7, v58;
	v33 =	vadd.s32 v45, v33  }
0x73: {  	v42 =	vperm.xlane v48, v6;
	v37 =	vadd.s32 v63, v39;
	v57 =	vperm.xlane v33, v3  }
0x74: {  	v35 =	vadd.s32 v62, v7;
	v7 =	vperm.xlane v36, v58;
	v39 =	vperm.xlane v37, v3  }
0x75: {  	[tilespmem:$0x1FF60] =	vst v57  }
0x76: {  	v57 =	vperm.xlane v49, v5;
	[tilespmem:$0x1FF80] =	vst v39;
	v39 =	vadd.s32 v7, v36;
	v7 =	vadd.s32 v42, v48;
	v48 =	vld [tilespmem:$0x1FF90]  }
0x77: {  	v63 =	vperm.xlane v50, v5;
	v56 =	vperm.xlane v35, v3  }
0x78: {  	v45 =	vperm.xlane v55, v5;
	v62 =	vperm.xlane v7, v58;
	v43 =	vadd.s32 v49, v57  }
0x79: {  	v34 =	vsel vm15, $0x1, v4;
	[tilespmem:$0x1FF70] =	vst v56;
	v57 =	vperm.xlane v51, v5;
	v56 =	vperm.xlane v43, v6  }
0x7a: {  	v42 =	vadd.s32 v62, v7;
	v7 =	vadd.s32 v50, v63;
	v62 =	vperm.xlane v52, v5  }
0x7b: {  	v44 =	vperm.xlane v7, v6;
	v36 =	vadd.s32 v51, v57;
	v41 =	vadd.s32 v34, v48  }
0x7c: {  	v34 =	vadd.s32 v56, v43;
	v47 =	vperm.xlane v36, v6;
	v56 =	vadd.s32 v52, v62  }
0x7d: {  	v43 =	vperm.xlane v34, v58;
	v7 =	vadd.s32 v44, v7;
	v62 =	vperm.xlane v56, v6  }
0x7e: {  	v63 =	vperm.xlane v42, v3;
	v57 =	vperm.xlane v7, v58;
	v36 =	vadd.s32 v47, v36  }
0x7f: {  	v44 =	vadd.s32 v43, v34;
	v43 =	vperm.xlane v53, v5;
	v56 =	vadd.s32 v62, v56  }
0x80: {  	[tilespmem:$0x1FFB0] =	vst v63;
	v63 =	vperm.xlane v44, v3;
	v46 =	vadd.s32 v57, v7;
	v7 =	vperm.xlane v36, v58  }
0x81: {  	v49 =	vperm.xlane v39, v3;
	v57 =	vperm.xlane v56, v58;
	v62 =	vadd.s32 v53, v43  }
0x82: {  	[tilespmem:$0x1FFC0] =	vst v63;
	v48 =	vadd.s32 v7, v36;
	v7 =	vperm.xlane v62, v6;
	v63 =	vperm.xlane v38, v5  }
0x83: {  	v47 =	vperm.xlane v46, v3;
	v43 =	vperm.xlane v54, v5;
	v50 =	vadd.s32 v57, v56  }
0x84: {  	[tilespmem:$0x1FFA0] =	vst v49;
	v49 =	vperm.xlane v48, v3;
	v7 =	vadd.s32 v7, v62;
	v36 =	vadd.s32 v38, v63  }
0x85: {  	v34 =	vadd.s32 v54, v43;
	v52 =	vperm.xlane v7, v58;
	v57 =	vperm.xlane v36, v6  }
0x86: {  	v43 =	vperm.xlane v61, v5;
	v54 =	vperm.xlane v34, v6;
	v38 =	vadd.s32 v55, v45  }
0x87: {  	v62 =	vperm.xlane v38, v6;
	v52 =	vadd.s32 v52, v7;
	v7 =	vadd.s32 v57, v36  }
0x88: {  	v51 =	vperm.xlane v50, v3;
	v34 =	vadd.s32 v54, v34;
	v63 =	vperm.xlane v7, v58  }
0x89: {  	v45 =	vperm.xlane v34, v58;
	v36 =	vadd.s32 v62, v38;
	v62 =	vadd.s32 v61, v43  }
0x8a: {  	v38 =	vperm.xlane v41, v5;
	v54 =	vadd.s32 v63, v7;
	v7 =	vperm.xlane v36, v58  }
0x8b: {  	v53 =	vperm.xlane v52, v3;
	v56 =	vadd.s32 v45, v34;
	v63 =	vperm.xlane v62, v6  }
0x8c: {  	v57 =	vperm.xlane v56, v3;
	v45 =	vadd.s32 v7, v36;
	v7 =	vperm.xlane v59, v5  }
0x8d: {  	v38 =	vadd.s32 v41, v38;
	v55 =	vperm.xlane v54, v3;
	v36 =	vperm.xlane v60, v5  }
0x8e: {  	v34 =	vadd.s32 v63, v62;
	v7 =	vadd.s32 v59, v7;
	v59 =	vperm.xlane v40, v5  }
0x8f: {  	v43 =	vperm.xlane v45, v3;
	v36 =	vadd.s32 v60, v36;
	v62 =	vperm.xlane v7, v6  }
0x90: {  	v61 =	vperm.xlane v34, v58;
	v60 =	vperm.xlane v36, v6;
	v40 =	vadd.s32 v40, v59  }
0x91: {  	v59 =	vperm.xlane v38, v6;
	v7 =	vadd.s32 v62, v7;
	v41 =	vperm.xlane v40, v6  }
0x92: {  	v6 =	vadd.s32 v61, v34;
	v36 =	vadd.s32 v60, v36;
	v34 =	vperm.xlane v7, v58  }
0x93: {  	v61 =	vperm.xlane v36, v58;
	v38 =	vadd.s32 v59, v38;
	v41 =	vadd.s32 v41, v40  }
0x94: {  	v59 =	vadd.s32 v34, v7;
	v7 =	vperm.xlane v38, v58;
	v58 =	vperm.xlane v41, v58  }
0x95: {  	v40 =	vperm.xlane v6, v3;
	v61 =	vadd.s32 v61, v36;
	v60 =	vperm.xlane v59, v3  }
0x96: {  	v62 =	vperm.xlane v61, v3;
	v63 =	vadd.s32 v7, v38;
	v36 =	vadd.s32 v58, v41  }
0x97: {  	s14 =	simm.s32 $0x40;
	s13 =	simm.s32 $0x0;
	v34 =	vperm.xlane v63, v3;
	v38 =	vperm.xlane v36, v3  }
.LBB2_6:
0x98: {  	p0 =	sne.s32 s14, $0x800;
	[tilespmem:s13+$0x18700] =	vst v10;
	s15 =	smov.u32 s14;
	s14 =	sadd.s32 $0x40, s14  }
.Ltmp2:
0x99: {  	[tilespmem:s13+$0x18980] =	vst v4;
	(pc) =	sbr.rel @p0 .LBB2_6-.Ltmp2, $2  }
0x9a: {  	_ =	sdelay $0x2  }
0x9b: {  	s13 =	sshra.s32 s15, $0x2  }
0x9c: {  	v6 =	vadd.s32 v40, v6  }
0x9d: {  	v5 =	vadd.s32 v43, v45;
	vm14 =	vgt.s32 v6, $0x7F  }
0x9e: {  	v6 =	vadd.s32 v57, v56;
	vm15 =	vgt.s32 v5, $0x7F;
	v5 =	vadd.s32 v55, v54  }
0x9f: {  	vm4 =	vgt.s32 v6, $0x7F;
	v6 =	vadd.s32 v53, v52;
	vm5 =	vgt.s32 v5, $0x7F  }
0xa0: {  	v5 =	vadd.s32 v51, v50;
	vm6 =	vgt.s32 v6, $0x7F;
	v6 =	vadd.s32 v49, v48  }
0xa1: {  	vm7 =	vgt.s32 v5, $0x7F;
	v5 =	vadd.s32 v47, v46;
	vm8 =	vgt.s32 v6, $0x7F;
	v6 =	vld [tilespmem:$0x1FFC0]  }
0xa2: {  	v7 =	vadd.f32 $-5.000000000e+01, v28;
	v58 =	vadd.s32 v38, v36;
	vm9 =	vgt.s32 v5, $0x7F;
	v5 =	vld [tilespmem:$0x1FFB0]  }
0xa3: {  	v34 =	vadd.s32 v34, v63;
	vm0 =	vgt.s32 v58, $0x7F  }
0xa4: {  	v62 =	vadd.s32 v62, v61;
	vm11 =	vgt.s32 v34, $0x7F;
	v7 =	vsel vm0, v32, v7  }
0xa5: {  	v63 =	vadd.s32 v60, v59;
	vm12 =	vgt.s32 v62, $0x7F;
	v7 =	vsel vm11, v31, v7  }
0xa6: {  	vm13 =	vgt.s32 v63, $0x7F;
	v7 =	vsel vm12, v30, v7;
	v6 =	vadd.s32 v6, v44  }
0xa7: {  	v7 =	vsel vm13, v29, v7;
	v5 =	vadd.s32 v5, v42;
	vm10 =	vgt.s32 v6, $0x7F;
	v6 =	vld [tilespmem:$0x1FFA0]  }
0xa8: {  	v7 =	vsel vm14, v27, v7;
	vm11 =	vgt.s32 v5, $0x7F;
	v5 =	vld [tilespmem:$0x1FF80]  }
0xa9: {  	v7 =	vsel vm15, v26, v7  }
0xaa: {  	v7 =	vsel vm4, v25, v7  }
0xab: {  	v7 =	vsel vm5, v24, v7  }
0xac: {  	v7 =	vsel vm6, v23, v7;
	v6 =	vadd.s32 v6, v39  }
0xad: {  	v7 =	vsel vm7, v22, v7;
	v5 =	vadd.s32 v5, v37;
	vm12 =	vgt.s32 v6, $0x7F;
	v6 =	vld [tilespmem:$0x1FF70]  }
0xae: {  	v7 =	vsel vm8, v21, v7;
	vm13 =	vgt.s32 v5, $0x7F;
	v5 =	vld [tilespmem:$0x1FF60]  }
0xaf: {  	v7 =	vsel vm9, v20, v7  }
0xb0: {  	v7 =	vsel vm10, v19, v7  }
0xb1: {  	v7 =	vsel vm11, v18, v7  }
0xb2: {  	v7 =	vsel vm12, v17, v7;
	v6 =	vadd.s32 v6, v35  }
0xb3: {  	[tilespmem:s13+$0x18700] =	vst v10;
	v7 =	vsel vm13, v16, v7;
	v5 =	vadd.s32 v5, v33;
	vm14 =	vgt.s32 v6, $0x7F  }
0xb4: {  	[tilespmem:s13+$0x18980] =	vst v4;
	s13 =	simm.s32 $0x0;
	vm15 =	vgt.s32 v5, $0x7F;
	v6 =	vsel vm14, v15, v7  }
0xb5: {  	v16 =	vsel vm15, v14, v6;
	v14 =	vld [tilespmem:s13+$0x0]  }
0xb6: {  	s14 =	simm.s32 $0x10;
	s15 =	simm.s32 $0x0;
	v17 =	vimm.s32 $0x0;
	v15 =	vimm.s32 $0x0  }
.LBB2_8:
0xb7: {  	p0 =	sne.s32 s14, $0x18690;
	_ =	sdelay $0x2  }
0xb8: {  	vm2 =	vgt.f32 v14, v16  }
0xb9: {  	v5 =	vsel vm2, $0x1, v4  }
0xba: {  	v6 =	vperm.xlane v5, v8;
	v7 =	vperm.xlane v5, v0  }
0xbb: {  	vm0 =	veq.s32 v12, $0x0  }
0xbc: {  	v6 =	vsel vm0, $0x0, v6;
	v7 =	vadd.s32 v5, v7  }
0xbd: {  	v5 =	vadd.s32 v5, v6;
	v6 =	vperm.xlane v7, v1  }
0xbe: {  	v18 =	vperm.xlane v5, v9  }
0xbf: {  	vm1 =	vmmov $0x3;
	v6 =	vadd.s32 v6, v7  }
0xc0: {  	v7 =	vsel vm1, $0x0, v18;
	v18 =	vperm.xlane v6, v2  }
0xc1: {  	v5 =	vadd.s32 v7, v5  }
0xc2: {  	v7 =	vperm.xlane v5, v11;
	v6 =	vadd.s32 v18, v6  }
0xc3: {  	vm3 =	vmmov $0xf;
	v18 =	vperm.xlane v6, v3  }
0xc4: {  	v7 =	vsel vm3, $0x0, v7  }
0xc5: {  	v5 =	vadd.s32 v7, v5;
	v7 =	vadd.s32 v17, v18  }
0xc6: {  	vm4 =	vlt.s32 v15, $0x200;
	v18 =	vperm.xlane v5, v13;
	v17 =	vadd.s32 v6, v7  }
0xc7: {  	v6 =	vsel vm2, $0xFFFFFFFF, v4;
	v7 =	vnsel vm4, $0x200, v15;
	vm4 =	vmmov $0xff;
	v15 =	vmovc v17  }
0xc8: {  	v6 =	vadd.s32 v6, v7;
	v18 =	vsel vm4, $0x0, v18  }
0xc9: {  	v6 =	vadd.s32 v18, v6  }
0xca: {  	v5 =	vadd.s32 v5, v6  }
0xcb: {  	v5 =	vnsel vm2, $0x200, v5;
	_ =	sdelay $0x3  }
.Ltmp3:
0xcc: {  	(pc) =	sbr.rel @p0 .LBB2_8-.Ltmp3, $4  }
0xcd: {  	v6 =	vor.u32 s13, v12;
	s13 =	smov.u32 s14;
	[tilespmem:v5+s10+$0x0] =	vst.idx.msk $0xffff, v14  }
0xce: {  	s15 =	sadd.s32 $0x10, s15;
	[tilespmem:v5+s11+$0x0] =	vst.idx.msk $0xffff, v6  }
0xcf: {  	v14 =	vld [tilespmem:s15+$0x0]  }
0xd0: {  	s14 =	sadd.s32 $0x10, s14  }
0xd1: {  	_ =	sdelay $0x2  }
0xd2: {  	vm2 =	vgt.f32 v14, v16  }
0xd3: {  	v5 =	vsel vm2, $0x1, v4  }
0xd4: {  	v6 =	vperm.xlane v5, v8;
	_ =	sdelay $0x1  }
0xd5: {  	v6 =	vsel vm0, $0x0, v6  }
0xd6: {  	v5 =	vadd.s32 v5, v6  }
0xd7: {  	v6 =	vperm.xlane v5, v9;
	_ =	sdelay $0x1  }
0xd8: {  	v6 =	vsel vm1, $0x0, v6  }
0xd9: {  	v5 =	vadd.s32 v6, v5  }
0xda: {  	v6 =	vperm.xlane v5, v11;
	_ =	sdelay $0x1  }
0xdb: {  	v6 =	vsel vm3, $0x0, v6  }
0xdc: {  	v5 =	vadd.s32 v6, v5  }
0xdd: {  	vm15 =	vlt.s32 v15, $0x200;
	v6 =	vperm.xlane v5, v13  }
0xde: {  	v15 =	vnsel vm15, $0x200, v15;
	v7 =	vsel vm2, $0xFFFFFFFF, v4  }
0xdf: {  	v7 =	vadd.s32 v7, v15;
	v6 =	vsel vm4, $0x0, v6  }
0xe0: {  	v6 =	vadd.s32 v6, v7  }
0xe1: {  	v5 =	vadd.s32 v5, v6  }
0xe2: {  	v5 =	vnsel vm2, $0x200, v5;
	_ =	sdelay $0x4  }
0xe3: {  	v6 =	vor.u32 s13, v12;
	[tilespmem:v5+s10+$0x0] =	vst.idx.msk $0xffff, v14  }
0xe4: {  	[tilespmem:v5+s11+$0x0] =	vst.idx.msk $0xffff, v6  }
0xe5: {  	[hbm4b:s3+s7] =	stream.strided.scatter [tilespmem:s10], [sflag:$0x1], $0x200, s8, s7, $0x38;
	[tilespmem:$0x18C00] =	vst v63  }
0xe6: {  	s12 =	sadd.s32 $0x1, s12;
	_ =	swait.ge [sflag:s9], $0x200  }
0xe7: {  	p0 =	sne.s32 s12, s6;
	[sflag:s9] =	ssyncset.done $0x0  }
.Ltmp4:
0xe8: {  	[sflag:s9] =	ssyncadd.s32 $0xFFFFFE00;
	(pc) =	sbr.rel @p0 .LBB2_1-.Ltmp4, $4  }
0xe9: {  	[hbm4b:s5+s7] =	stream.strided.scatter [tilespmem:s11], [sflag:$0x1], $0x200, s8, s7, $0x38;
	[tilespmem:$0x18C00] =	vst v63  }
0xea: {  	_ =	swait.ge [sflag:s9], $0x200  }
0xeb: {  	[sflag:s9] =	ssyncset.done $0x0  }
0xec: {  	[sflag:s9] =	ssyncadd.s32 $0xFFFFFE00  }
0xed: {  	_ =	sfence.sel $0x180000  }
0xee: {  	[bflag:$0x0] =	sbarrier.arrive $0xFFFF  }
0xef: {  	p0 =	sne.s32 s1, $0x0;
	_ =	strace $0x90000047  }
0xf0: {  	s0 =	sadd.s32 @!p0 $0x100000, s0;
	[bflag:$0x2] =	sbarrier.arrive $0xFFFF  }
0xf1: {  	[sflag:s0] =	ssyncadd.tile.s32 @!p0 $0x1;
	_ =	shalt  }
.Lfunc_end2:
_tile_overlayer_lowered:
.L_overlay_start_2:
0xf2: {  	(tag) =	ssettag $0x2  }
0xf3: {  	s0 =	rddreg [dreg:$0x0];
	s2 =	stileid.u32  }
0xf4: {  	s1 =	rddreg [dreg:$0x1];
	p0 =	sne.s32 s2, $0x0  }
0xf5: {  	s3 =	rddreg [dreg:$0x2];
	[bflag:$0x3] =	sbarrier.arrive $0xFFFF;
	s2 =	simm.s32 @!p0 $0x1C01  }
0xf6: {  	[timem:s3], [sflag:s2] =	dma.local @!p0 [hbm:s0], s1  }
0xf7: {  	s0 =	simm.s32 @!p0 $0x1  }
0xf8: {  	_ =	swait.ge @!p0 [sflag:s0], s1  }
0xf9: {  	s1 =	ssub.s32 @!p0 $0x0, s1;
	[sflag:s0] =	ssyncset.done @!p0 $0x0  }
0xfa: {  	[sflag:s0] =	ssyncadd.s32 @!p0 s1  }
0xfb: {  	[bflag:$0x3] =	sbarrier.arrive $0xFFFF  }
0xfc: {  	_ =	shalt  }

</sc_bundles>
